<compile_context>
chip_gen: v7x
topology: tpu7x:2x2x1
jax: 0.10.2.dev20260603
libtpu: 0.0.44.dev20260713+nightly
codegen_flags: <defaults>
</compile_context>

<pallas_src>
import functools

import jax
import jax.numpy as jnp
from jax import lax
from jax.experimental import pallas as pl
from jax.experimental.pallas import tpu as pltpu
from jax.experimental.pallas import tpu_sc as plsc

N = 10000
NR = 10112
H = NR // 2
AR = 5120
PT = AR // 16
NG = 512
E = 320000
NCHUNK = 160
SEC = 8
CAP = 16 * NCHUNK * 128
OUT = 128
BN_EPS = 1e-5
NEG = float(jnp.finfo(jnp.float32).min)

_HIGH = jax.lax.Precision.HIGHEST


def _dot(a, b):
    return jnp.dot(a, b, preferred_element_type=jnp.float32)



@functools.lru_cache(maxsize=None)
def _make_aggregate():
    mesh = plsc.VectorSubcoreMesh(core_axis_name="c", subcore_axis_name="s",
                                  num_cores=2, num_subcores=16)

    @functools.partial(
        pl.kernel,
        out_type=jax.ShapeDtypeStruct((2, AR, 128), jnp.float32),
        mesh=mesh,
        scratch_types=[
            pltpu.VMEM_SHARED((AR, 128), jnp.float32),
            pltpu.VMEM((SEC, 128), jnp.int32),
            pltpu.VMEM((SEC, 128), jnp.int32),
            pltpu.VMEM((128, 128), jnp.float32),
            pltpu.VMEM((128, 128), jnp.float32),
            pltpu.SemaphoreType.DMA,
            pltpu.SemaphoreType.DMA,
            pltpu.SemaphoreType.DMA,
            pltpu.SemaphoreType.DMA,
        ],
    )
    def agg(y_hbm, src_hbm, dst_hbm, out_hbm, accum, src_v, dst_v,
            rows0, rows1, semg0, semg1, sems0, sems1):
        c = lax.axis_index("c")
        s = lax.axis_index("s")
        zeros16 = jnp.zeros((16,), jnp.float32)

        def zb(i, carry):
            for k in range(8):
                rows0[i, pl.ds(k * 16, 16)] = zeros16
            return carry

        lax.fori_loop(0, 128, zb, 0)
        pltpu.sync_copy(rows0, accum.at[pl.ds(s * PT, 128)])
        pltpu.sync_copy(rows0, accum.at[pl.ds(s * PT + 128, 128)])
        pltpu.sync_copy(rows0.at[pl.ds(0, 64)],
                        accum.at[pl.ds(s * PT + 256, 64)])
        plsc.subcore_barrier()

        def drain(rows, sem):
            pltpu.make_async_copy(y_hbm.at[pl.ds(0, 128)], rows, sem).wait()

        def body(g, carry):
            @pl.when(g % (SEC // 2) == 0)
            def _():
                sec = g // (SEC // 2)
                pltpu.sync_copy(src_hbm.at[s, pl.ds(sec * SEC, SEC)], src_v)
                pltpu.sync_copy(dst_hbm.at[c, s, pl.ds(sec * SEC, SEC)], dst_v)

            q = 2 * (g % (SEC // 2))

            @pl.when(g > 0)
            def _():
                drain(rows0, sems0)
            ga = pltpu.async_copy(y_hbm.at[src_v.at[q]], rows0, semg0)

            @pl.when(g > 0)
            def _():
                drain(rows1, sems1)
            gb = pltpu.async_copy(y_hbm.at[src_v.at[q + 1]], rows1, semg1)

            ga.wait()
            pltpu.async_copy(rows0, accum.at[dst_v.at[q]], sems0, add=True)
            gb.wait()
            pltpu.async_copy(rows1, accum.at[dst_v.at[q + 1]], sems1, add=True)
            return carry

        lax.fori_loop(0, NCHUNK // 2, body, 0)
        drain(rows0, sems0)
        drain(rows1, sems1)
        plsc.subcore_barrier()
        pltpu.sync_copy(accum.at[pl.ds(s * PT, PT)],
                        out_hbm.at[c, pl.ds(s * PT, PT)])

    return agg


def _aggregate(y, src3, dst3):
    return _make_aggregate()(y, src3, dst3)



def _bn_cols(u, g, b):
    m = jnp.mean(u, axis=0)
    v = jnp.mean((u - m) * (u - m), axis=0)
    return (u - m) / jnp.sqrt(v + BN_EPS) * g + b


def _gin_layer_body(x_ref, p_ref, w1_ref, b1_ref, w2_ref, b2_ref, g_ref,
                    b_ref, out_ref):
    aggr = jnp.concatenate([p_ref[0, :H, :], p_ref[1, :N - H, :]], axis=0)
    hpre = x_ref[:N, :] + aggr
    a = jnp.maximum(_dot(hpre, w1_ref[...]) + b1_ref[...], 0.0)
    z = _dot(a, w2_ref[...]) + b2_ref[...]
    u = jnp.maximum(z, 0.0)
    un = _bn_cols(u, g_ref[...], b_ref[...])
    out_ref[...] = jnp.concatenate(
        [un, jnp.zeros((NR - N, OUT), jnp.float32)], axis=0)


def _gin_layer(x, p, w1, b1, w2, b2, bn_g, bn_b):
    return pl.pallas_call(
        _gin_layer_body,
        out_shape=jax.ShapeDtypeStruct((NR, OUT), jnp.float32),
    )(x, p, w1, b1, w2, b2, bn_g, bn_b)


def _scan_body(u_ref, batch_ref, out_ref):
    bid = batch_ref[...]
    out_ref[...] = u_ref[...]
    s = 1
    while s < NR:
        un = out_ref[...]
        u_sh = jnp.concatenate(
            [jnp.full((s, OUT), NEG, jnp.float32), un[:-s, :]], axis=0)
        b_sh = jnp.concatenate(
            [jnp.full((s, 1), -1, jnp.int32), bid[:-s, :]], axis=0)
        out_ref[...] = jnp.where(b_sh == bid, jnp.maximum(un, u_sh), un)
        s *= 2


def _pool_body(u_ref, batch_ref, fcw_ref, fcb_ref, out_ref):
    bid = batch_ref[...]
    un = u_ref[...]
    b_next = jnp.concatenate(
        [bid[1:, :], jnp.full((1, 1), -1, jnp.int32)], axis=0)
    is_end = (bid != b_next).astype(jnp.float32)
    CH = NR // 8
    gids = lax.broadcasted_iota(jnp.int32, (CH, NG), 1)
    pooled = jnp.zeros((NG, OUT), jnp.float32)
    counts = jnp.zeros((NG,), jnp.float32)
    for k in range(8):
        lo, hi = k * CH, (k + 1) * CH
        onehot = (bid[lo:hi, :] == gids).astype(jnp.float32)
        sel = onehot * is_end[lo:hi, :]
        pooled = pooled + lax.dot_general(
            sel, un[lo:hi, :], (((0,), (0,)), ((), ())),
            precision=_HIGH, preferred_element_type=jnp.float32)
        counts = counts + jnp.sum(onehot, axis=0)
    pooled = jnp.where(counts[:, None] > 0, pooled, -jnp.inf)
    out_ref[...] = jnp.maximum(_dot(pooled, fcw_ref[...]) + fcb_ref[...], 0.0)


def _pool_stage(u3, batch_pad, fc_w, fc_b):
    scanned = pl.pallas_call(
        _scan_body,
        out_shape=jax.ShapeDtypeStruct((NR, OUT), jnp.float32),
    )(u3, batch_pad)
    return pl.pallas_call(
        _pool_body,
        out_shape=jax.ShapeDtypeStruct((NG, OUT), jnp.float32),
    )(scanned, batch_pad, fc_w, fc_b)


def _branch_body(mic_ref, dis_ref, mw_ref, mb_ref, dw_ref, db_ref, mg_ref,
                 mbb_ref, dg_ref, dbb_ref, mic_out, dis_out):
    xm = jnp.maximum(_dot(mic_ref[...], mw_ref[...]) + mb_ref[...], 0.0)
    mic_out[...] = _bn_cols(xm, mg_ref[...], mbb_ref[...])
    xd = jnp.maximum(_dot(dis_ref[...], dw_ref[...]) + db_ref[...], 0.0)
    dis_out[...] = _bn_cols(xd, dg_ref[...], dbb_ref[...])


def _branches(mic_feature, dis_feature, mic_w, mic_b, dis_w, dis_b,
              bn_mic_g, bn_mic_b, bn_dis_g, bn_dis_b):
    return pl.pallas_call(
        _branch_body,
        out_shape=(jax.ShapeDtypeStruct((4096, OUT), jnp.float32),
                   jax.ShapeDtypeStruct((4096, OUT), jnp.float32)),
    )(mic_feature, dis_feature, mic_w, mic_b, dis_w, dis_b,
      bn_mic_g, bn_mic_b, bn_dis_g, bn_dis_b)



def kernel(x, edge_index, batch, mic_feature, dis_feature,
           conv1_w1, conv1_b1, conv1_w2, conv1_b2,
           conv2_w1, conv2_b1, conv2_w2, conv2_b2,
           conv3_w1, conv3_b1, conv3_w2, conv3_b2,
           bn1_g, bn1_b, bn2_g, bn2_b, bn3_g, bn3_b,
           bn_dis_g, bn_dis_b, bn_mic_g, bn_mic_b,
           fc_w, fc_b, dis_w, dis_b, mic_w, mic_b):
    pad = CAP - E
    srcp = jnp.concatenate([edge_index[0], jnp.zeros((pad,), jnp.int32)])
    dstp = jnp.concatenate([edge_index[1], jnp.full((pad,), N, jnp.int32)])
    src3 = srcp.reshape(16, NCHUNK, 128)
    dummy = H + (jnp.arange(CAP, dtype=jnp.int32) & 63)
    halves = []
    for c in (0, 1):
        loc = dstp - c * H
        halves.append(jnp.where((loc >= 0) & (loc < H), loc, dummy))
    dst3 = jnp.stack(halves).reshape(2, 16, NCHUNK, 128)
    x_pad = jnp.pad(x, ((0, NR - N), (0, OUT - 78)))
    w1_pad = jnp.pad(conv1_w1, ((0, OUT - 78), (0, 0)))
    batch_pad = jnp.concatenate(
        [batch, jnp.full((NR - N,), NG, jnp.int32)]).reshape(NR, 1)

    p1 = _aggregate(x_pad, src3, dst3)
    u1 = _gin_layer(x_pad, p1, w1_pad, conv1_b1, conv1_w2, conv1_b2,
                    bn1_g, bn1_b)
    p2 = _aggregate(u1, src3, dst3)
    u2 = _gin_layer(u1, p2, conv2_w1, conv2_b1, conv2_w2, conv2_b2,
                    bn2_g, bn2_b)
    p3 = _aggregate(u2, src3, dst3)
    u3 = _gin_layer(u2, p3, conv3_w1, conv3_b1, conv3_w2, conv3_b2,
                    bn3_g, bn3_b)
    x_d = _pool_stage(u3, batch_pad, fc_w, fc_b)
    x_mic, x_dis = _branches(mic_feature, dis_feature, mic_w, mic_b,
                             dis_w, dis_b, bn_mic_g, bn_mic_b,
                             bn_dis_g, bn_dis_b)
    return (x_d, x_mic, x_dis)

# --- scband reference (transcript-rebuilt; emitter-appended) ---
"""Pipeline reference for scband-bio-encoder-68135361183825 (READ-ONLY COPY).

The authoritative reference and input builder live on the scoring server;
editing this copy changes nothing except your own understanding.
"""

import jax, jax.numpy as jnp
import numpy as np

N = 10000
E = 320000
NUM_GRAPHS = 512
OUT = 128
DIM_MIC = 512
DIM_DIS = 512
BN_EPS = 1e-5


def _xavier(key, shape):
    fan_in, fan_out = shape[0], shape[1]
    a = float(np.sqrt(6.0 / (fan_in + fan_out)))
    return jax.random.uniform(key, shape, dtype=jnp.float32, minval=-a, maxval=a)


def setup_inputs(seed: int = 0) -> dict:
    key = jax.random.key(seed)
    ks = jax.random.split(key, 32)
    inp = {}
    inp['x'] = jax.random.normal(ks[0], (N, 78), dtype=jnp.float32)
    inp['edge_index'] = jax.random.randint(ks[1], (2, E), 0, N, dtype=jnp.int32)
    inp['batch'] = jnp.sort(jax.random.randint(ks[2], (N,), 0, NUM_GRAPHS, dtype=jnp.int32))
    inp['mic_feature'] = jax.random.normal(ks[3], (4096, DIM_MIC), dtype=jnp.float32)
    inp['dis_feature'] = jax.random.normal(ks[4], (4096, DIM_DIS), dtype=jnp.float32)
    # GINConv MLP weights (Linear -> ReLU -> Linear), xavier init, zero bias
    inp['conv1_w1'] = _xavier(ks[5], (78, OUT)); inp['conv1_b1'] = jnp.zeros((OUT,), jnp.float32)
    inp['conv1_w2'] = _xavier(ks[6], (OUT, OUT)); inp['conv1_b2'] = jnp.zeros((OUT,), jnp.float32)
    inp['conv2_w1'] = _xavier(ks[7], (OUT, OUT)); inp['conv2_b1'] = jnp.zeros((OUT,), jnp.float32)
    inp['conv2_w2'] = _xavier(ks[8], (OUT, OUT)); inp['conv2_b2'] = jnp.zeros((OUT,), jnp.float32)
    inp['conv3_w1'] = _xavier(ks[9], (OUT, OUT)); inp['conv3_b1'] = jnp.zeros((OUT,), jnp.float32)
    inp['conv3_w2'] = _xavier(ks[10], (OUT, OUT)); inp['conv3_b2'] = jnp.zeros((OUT,), jnp.float32)
    # BatchNorm affine params (torch defaults gamma=1, beta=0)
    for nm in ['bn1', 'bn2', 'bn3', 'bn_dis', 'bn_mic']:
        inp[nm + '_g'] = jnp.ones((OUT,), jnp.float32)
        inp[nm + '_b'] = jnp.zeros((OUT,), jnp.float32)
    inp['fc_w'] = _xavier(ks[11], (OUT, OUT)); inp['fc_b'] = jnp.zeros((OUT,), jnp.float32)
    inp['dis_w'] = _xavier(ks[12], (DIM_DIS, OUT)); inp['dis_b'] = jnp.zeros((OUT,), jnp.float32)
    inp['mic_w'] = _xavier(ks[13], (DIM_MIC, OUT)); inp['mic_b'] = jnp.zeros((OUT,), jnp.float32)
    return inp


def _bn(x, g, b):
    m = jnp.mean(x, axis=0)
    v = jnp.var(x, axis=0)
    return (x - m) / jnp.sqrt(v + BN_EPS) * g + b


def _gin(x, edge_index, w1, b1, w2, b2):
    src = edge_index[0]
    dst = edge_index[1]
    msgs = jnp.take(x, src, axis=0)
    aggr = jax.ops.segment_sum(msgs, dst, num_segments=x.shape[0])
    h = x + aggr  # (1 + eps) * x + sum_neighbors, eps = 0
    h = jnp.maximum(h @ w1 + b1, 0.0)
    return h @ w2 + b2


def reference(x, edge_index, batch, mic_feature, dis_feature,
              conv1_w1, conv1_b1, conv1_w2, conv1_b2,
              conv2_w1, conv2_b1, conv2_w2, conv2_b2,
              conv3_w1, conv3_b1, conv3_w2, conv3_b2,
              bn1_g, bn1_b, bn2_g, bn2_b, bn3_g, bn3_b,
              bn_dis_g, bn_dis_b, bn_mic_g, bn_mic_b,
              fc_w, fc_b, dis_w, dis_b, mic_w, mic_b):
    x_d = jnp.maximum(_gin(x, edge_index, conv1_w1, conv1_b1, conv1_w2, conv1_b2), 0.0)
    x_d = _bn(x_d, bn1_g, bn1_b)
    x_d = jnp.maximum(_gin(x_d, edge_index, conv2_w1, conv2_b1, conv2_w2, conv2_b2), 0.0)
    x_d = _bn(x_d, bn2_g, bn2_b)
    x_d = jnp.maximum(_gin(x_d, edge_index, conv3_w1, conv3_b1, conv3_w2, conv3_b2), 0.0)
    x_d = _bn(x_d, bn3_g, bn3_b)
    x_d = jax.ops.segment_max(x_d, batch, num_segments=NUM_GRAPHS)  # global max pool
    x_d = jnp.maximum(x_d @ fc_w + fc_b, 0.0)
    # dropout is identity in eval/reference mode
    x_dis = _bn(jnp.maximum(dis_feature @ dis_w + dis_b, 0.0), bn_dis_g, bn_dis_b)
    x_mic = _bn(jnp.maximum(mic_feature @ mic_w + mic_b, 0.0), bn_mic_g, bn_mic_b)
    return (x_d, x_mic, x_dis)

if __name__ == "__main__":
    import jax
    _d = setup_inputs()
    print(jax.jit(kernel)(*tuple(_d.values())))

</pallas_src>

<mosaic_0001>
#map = affine_map<(d0, d1) -> (0, 0)>
#map1 = affine_map<(d0, d1) -> (0, 0, 0)>
#map2 = affine_map<(d0, d1) -> (0, 0, 0, 0)>
module attributes {stable_mosaic.version = 14 : i64} {
  func.func @agg(%arg0: i32, %arg1: i32, %arg2: memref<10112x128xf32, #tpu.memory_space<hbm>>, %arg3: memref<16x160x128xi32, #tpu.memory_space<hbm>>, %arg4: memref<2x16x160x128xi32, #tpu.memory_space<hbm>>, %arg5: memref<2x5120x128xf32, #tpu.memory_space<hbm>>, %arg6: memref<5120x128xf32, #tpu.memory_space<vmem_shared>>, %arg7: memref<8x128xi32, #tpu.memory_space<vmem>>, %arg8: memref<8x128xi32, #tpu.memory_space<vmem>>, %arg9: memref<128x128xf32, #tpu.memory_space<vmem>>, %arg10: memref<128x128xf32, #tpu.memory_space<vmem>>, %arg11: memref<!tpu.dma_semaphore, #tpu.memory_space<semaphore_mem>>, %arg12: memref<!tpu.dma_semaphore, #tpu.memory_space<semaphore_mem>>, %arg13: memref<!tpu.dma_semaphore, #tpu.memory_space<semaphore_mem>>, %arg14: memref<!tpu.dma_semaphore, #tpu.memory_space<semaphore_mem>>) attributes {dimension_semantics = [#tpu.dimension_semantics<core_parallel>, #tpu.dimension_semantics<subcore_parallel>], iteration_bounds = array<i64: 2, 16>, scalar_prefetch = 0 : i64, scratch_operands = 9 : i64, tpu.core_type = #tpu.core_type<sc_vector_subcore>, window_params = [{transform_indices = #map}, {transform_indices = #map1}, {transform_indices = #map2}, {transform_indices = #map1}]} {
    %broadcast_in_dim3A = arith.constant 0.000000e+00 : f32
    %broadcast_in_dim3A_0 = vector.broadcast %broadcast_in_dim3A : f32 to vector<16xf32>
    %scan3A = arith.constant 0 : i32
    %scan3A_1 = arith.constant 0 : i32
    %scan3A_2 = arith.constant 128 : i32
    %scan3A_3 = arith.addi %scan3A_1, %scan3A_2 : i32
    %scan3A_4 = arith.constant 1 : i32
    scf.for %scan3A_36 = %scan3A_1 to %scan3A_3 step %scan3A_4  : i32 {
      %swap3A = arith.index_cast %scan3A_36 : i32 to index
      %swap3A_37 = arith.constant 0 : index
      %swap3A_38 = tpu.vector_load %arg9[%swap3A, %swap3A_37] {strides = array<i32>} : memref<128x128xf32, #tpu.memory_space<vmem>>, vector<1x16xf32>,
      %swap3A_39 = vector.shape_cast %swap3A_38 : vector<1x16xf32> to vector<16xf32>
      %swap3A_40 = vector.shape_cast %broadcast_in_dim3A_0 : vector<16xf32> to vector<1x16xf32>
      tpu.vector_store %arg9[%swap3A, %swap3A_37], %swap3A_40 {strides = array<i32>} : memref<128x128xf32, #tpu.memory_space<vmem>>, vector<1x16xf32>,
      %swap3A_41 = arith.index_cast %scan3A_36 : i32 to index
      %swap3A_42 = arith.constant 16 : index
      %swap3A_43 = tpu.vector_load %arg9[%swap3A_41, %swap3A_42] {strides = array<i32>} : memref<128x128xf32, #tpu.memory_space<vmem>>, vector<1x16xf32>,
      %swap3A_44 = vector.shape_cast %swap3A_43 : vector<1x16xf32> to vector<16xf32>
      %swap3A_45 = vector.shape_cast %broadcast_in_dim3A_0 : vector<16xf32> to vector<1x16xf32>
      tpu.vector_store %arg9[%swap3A_41, %swap3A_42], %swap3A_45 {strides = array<i32>} : memref<128x128xf32, #tpu.memory_space<vmem>>, vector<1x16xf32>,
      %swap3A_46 = arith.index_cast %scan3A_36 : i32 to index
      %swap3A_47 = arith.constant 32 : index
      %swap3A_48 = tpu.vector_load %arg9[%swap3A_46, %swap3A_47] {strides = array<i32>} : memref<128x128xf32, #tpu.memory_space<vmem>>, vector<1x16xf32>,
      %swap3A_49 = vector.shape_cast %swap3A_48 : vector<1x16xf32> to vector<16xf32>
      %swap3A_50 = vector.shape_cast %broadcast_in_dim3A_0 : vector<16xf32> to vector<1x16xf32>
      tpu.vector_store %arg9[%swap3A_46, %swap3A_47], %swap3A_50 {strides = array<i32>} : memref<128x128xf32, #tpu.memory_space<vmem>>, vector<1x16xf32>,
      %swap3A_51 = arith.index_cast %scan3A_36 : i32 to index
      %swap3A_52 = arith.constant 48 : index
      %swap3A_53 = tpu.vector_load %arg9[%swap3A_51, %swap3A_52] {strides = array<i32>} : memref<128x128xf32, #tpu.memory_space<vmem>>, vector<1x16xf32>,
      %swap3A_54 = vector.shape_cast %swap3A_53 : vector<1x16xf32> to vector<16xf32>
      %swap3A_55 = vector.shape_cast %broadcast_in_dim3A_0 : vector<16xf32> to vector<1x16xf32>
      tpu.vector_store %arg9[%swap3A_51, %swap3A_52], %swap3A_55 {strides = array<i32>} : memref<128x128xf32, #tpu.memory_space<vmem>>, vector<1x16xf32>,
      %swap3A_56 = arith.index_cast %scan3A_36 : i32 to index
      %swap3A_57 = arith.constant 64 : index
      %swap3A_58 = tpu.vector_load %arg9[%swap3A_56, %swap3A_57] {strides = array<i32>} : memref<128x128xf32, #tpu.memory_space<vmem>>, vector<1x16xf32>,
      %swap3A_59 = vector.shape_cast %swap3A_58 : vector<1x16xf32> to vector<16xf32>
      %swap3A_60 = vector.shape_cast %broadcast_in_dim3A_0 : vector<16xf32> to vector<1x16xf32>
      tpu.vector_store %arg9[%swap3A_56, %swap3A_57], %swap3A_60 {strides = array<i32>} : memref<128x128xf32, #tpu.memory_space<vmem>>, vector<1x16xf32>,
      %swap3A_61 = arith.index_cast %scan3A_36 : i32 to index
      %swap3A_62 = arith.constant 80 : index
      %swap3A_63 = tpu.vector_load %arg9[%swap3A_61, %swap3A_62] {strides = array<i32>} : memref<128x128xf32, #tpu.memory_space<vmem>>, vector<1x16xf32>,
      %swap3A_64 = vector.shape_cast %swap3A_63 : vector<1x16xf32> to vector<16xf32>
      %swap3A_65 = vector.shape_cast %broadcast_in_dim3A_0 : vector<16xf32> to vector<1x16xf32>
      tpu.vector_store %arg9[%swap3A_61, %swap3A_62], %swap3A_65 {strides = array<i32>} : memref<128x128xf32, #tpu.memory_space<vmem>>, vector<1x16xf32>,
      %swap3A_66 = arith.index_cast %scan3A_36 : i32 to index
      %swap3A_67 = arith.constant 96 : index
      %swap3A_68 = tpu.vector_load %arg9[%swap3A_66, %swap3A_67] {strides = array<i32>} : memref<128x128xf32, #tpu.memory_space<vmem>>, vector<1x16xf32>,
      %swap3A_69 = vector.shape_cast %swap3A_68 : vector<1x16xf32> to vector<16xf32>
      %swap3A_70 = vector.shape_cast %broadcast_in_dim3A_0 : vector<16xf32> to vector<1x16xf32>
      tpu.vector_store %arg9[%swap3A_66, %swap3A_67], %swap3A_70 {strides = array<i32>} : memref<128x128xf32, #tpu.memory_space<vmem>>, vector<1x16xf32>,
      %swap3A_71 = arith.index_cast %scan3A_36 : i32 to index
      %swap3A_72 = arith.constant 112 : index
      %swap3A_73 = tpu.vector_load %arg9[%swap3A_71, %swap3A_72] {strides = array<i32>} : memref<128x128xf32, #tpu.memory_space<vmem>>, vector<1x16xf32>,
      %swap3A_74 = vector.shape_cast %swap3A_73 : vector<1x16xf32> to vector<16xf32>
      %swap3A_75 = vector.shape_cast %broadcast_in_dim3A_0 : vector<16xf32> to vector<1x16xf32>
      tpu.vector_store %arg9[%swap3A_71, %swap3A_72], %swap3A_75 {strides = array<i32>} : memref<128x128xf32, #tpu.memory_space<vmem>>, vector<1x16xf32>,
    }
    %scan3A_5 = arith.constant 128 : i32
    %mul3A = arith.constant 320 : i32
    %mul3A_6 = arith.muli %arg1, %mul3A : i32
    "tpu.region"() ({
      %run_scoped3A = tpu.sem_alloc : memref<!tpu.dma_semaphore, #tpu.memory_space<semaphore_mem>>
      %dma_start3A = arith.constant 0 : i32
      %dma_start3A_36 = tpu.memref_slice %arg6[%mul3A_6, %dma_start3A] : memref<5120x128xf32, #tpu.memory_space<vmem_shared>> -> memref<128x128xf32, #tpu.memory_space<vmem_shared>>
      %dma_start3A_37 = arith.constant 0 : i32
      %dma_start3A_38 = tpu.memref_slice %arg6[%mul3A_6, %dma_start3A_37] : memref<5120x128xf32, #tpu.memory_space<vmem_shared>> -> memref<128x128xf32, #tpu.memory_space<vmem_shared>>
      tpu.enqueue_dma source(%arg9 : memref<128x128xf32, #tpu.memory_space<vmem>>) target(%dma_start3A_38 : memref<128x128xf32, #tpu.memory_space<vmem_shared>>) target_semaphore(%run_scoped3A : memref<!tpu.dma_semaphore, #tpu.memory_space<semaphore_mem>>)
      %dma_wait3A_39 = arith.constant 0 : i32
      %dma_wait3A_40 = tpu.memref_slice %arg6[%mul3A_6, %dma_wait3A_39] : memref<5120x128xf32, #tpu.memory_space<vmem_shared>> -> memref<128x128xf32, #tpu.memory_space<vmem_shared>>
      %dma_wait3A_41 = arith.constant 0 : i32
      %dma_wait3A_42 = tpu.memref_slice %arg6[%mul3A_6, %dma_wait3A_41] : memref<5120x128xf32, #tpu.memory_space<vmem_shared>> -> memref<128x128xf32, #tpu.memory_space<vmem_shared>>
      tpu.wait_dma2 semaphore(%run_scoped3A : memref<!tpu.dma_semaphore, #tpu.memory_space<semaphore_mem>>) src(%arg9 : memref<128x128xf32, #tpu.memory_space<vmem>>) dst(%dma_wait3A_42 : memref<128x128xf32, #tpu.memory_space<vmem_shared>>)
      tpu.yield
    }) : () -> ()
    %mul3A_7 = arith.constant 320 : i32
    %mul3A_8 = arith.muli %arg1, %mul3A_7 : i32
    %add3A = arith.constant 128 : i32
    %add3A_9 = arith.addi %mul3A_8, %add3A : i32
    "tpu.region"() ({
      %run_scoped3A = tpu.sem_alloc : memref<!tpu.dma_semaphore, #tpu.memory_space<semaphore_mem>>
      %dma_start3A = arith.constant 0 : i32
      %dma_start3A_36 = tpu.memref_slice %arg6[%add3A_9, %dma_start3A] : memref<5120x128xf32, #tpu.memory_space<vmem_shared>> -> memref<128x128xf32, #tpu.memory_space<vmem_shared>>
      %dma_start3A_37 = arith.constant 0 : i32
      %dma_start3A_38 = tpu.memref_slice %arg6[%add3A_9, %dma_start3A_37] : memref<5120x128xf32, #tpu.memory_space<vmem_shared>> -> memref<128x128xf32, #tpu.memory_space<vmem_shared>>
      tpu.enqueue_dma source(%arg9 : memref<128x128xf32, #tpu.memory_space<vmem>>) target(%dma_start3A_38 : memref<128x128xf32, #tpu.memory_space<vmem_shared>>) target_semaphore(%run_scoped3A : memref<!tpu.dma_semaphore, #tpu.memory_space<semaphore_mem>>)
      %dma_wait3A_39 = arith.constant 0 : i32
      %dma_wait3A_40 = tpu.memref_slice %arg6[%add3A_9, %dma_wait3A_39] : memref<5120x128xf32, #tpu.memory_space<vmem_shared>> -> memref<128x128xf32, #tpu.memory_space<vmem_shared>>
      %dma_wait3A_41 = arith.constant 0 : i32
      %dma_wait3A_42 = tpu.memref_slice %arg6[%add3A_9, %dma_wait3A_41] : memref<5120x128xf32, #tpu.memory_space<vmem_shared>> -> memref<128x128xf32, #tpu.memory_space<vmem_shared>>
      tpu.wait_dma2 semaphore(%run_scoped3A : memref<!tpu.dma_semaphore, #tpu.memory_space<semaphore_mem>>) src(%arg9 : memref<128x128xf32, #tpu.memory_space<vmem>>) dst(%dma_wait3A_42 : memref<128x128xf32, #tpu.memory_space<vmem_shared>>)
      tpu.yield
    }) : () -> ()
    %mul3A_10 = arith.constant 320 : i32
    %mul3A_11 = arith.muli %arg1, %mul3A_10 : i32
    %add3A_12 = arith.constant 256 : i32
    %add3A_13 = arith.addi %mul3A_11, %add3A_12 : i32
    "tpu.region"() ({
      %run_scoped3A = tpu.sem_alloc : memref<!tpu.dma_semaphore, #tpu.memory_space<semaphore_mem>>
      %dma_start3A = arith.constant 0 : i32
      %dma_start3A_36 = arith.constant 0 : i32
      %dma_start3A_37 = tpu.memref_slice %arg9[%dma_start3A, %dma_start3A_36] : memref<128x128xf32, #tpu.memory_space<vmem>> -> memref<64x128xf32, #tpu.memory_space<vmem>>
      %dma_start3A_38 = arith.constant 0 : i32
      %dma_start3A_39 = tpu.memref_slice %arg6[%add3A_13, %dma_start3A_38] : memref<5120x128xf32, #tpu.memory_space<vmem_shared>> -> memref<64x128xf32, #tpu.memory_space<vmem_shared>>
      %dma_start3A_40 = arith.constant 0 : i32
      %dma_start3A_41 = tpu.memref_slice %arg6[%add3A_13, %dma_start3A_40] : memref<5120x128xf32, #tpu.memory_space<vmem_shared>> -> memref<64x128xf32, #tpu.memory_space<vmem_shared>>
      %dma_start3A_42 = arith.constant 0 : i32
      %dma_start3A_43 = arith.constant 0 : i32
      %dma_start3A_44 = tpu.memref_slice %arg9[%dma_start3A_42, %dma_start3A_43] : memref<128x128xf32, #tpu.memory_space<vmem>> -> memref<64x128xf32, #tpu.memory_space<vmem>>
      tpu.enqueue_dma source(%dma_start3A_44 : memref<64x128xf32, #tpu.memory_space<vmem>>) target(%dma_start3A_41 : memref<64x128xf32, #tpu.memory_space<vmem_shared>>) target_semaphore(%run_scoped3A : memref<!tpu.dma_semaphore, #tpu.memory_space<semaphore_mem>>)
      %dma_wait3A_45 = arith.constant 0 : i32
      %dma_wait3A_46 = arith.constant 0 : i32
      %dma_wait3A_47 = tpu.memref_slice %arg9[%dma_wait3A_45, %dma_wait3A_46] : memref<128x128xf32, #tpu.memory_space<vmem>> -> memref<64x128xf32, #tpu.memory_space<vmem>>
      %dma_wait3A_48 = arith.constant 0 : i32
      %dma_wait3A_49 = tpu.memref_slice %arg6[%add3A_13, %dma_wait3A_48] : memref<5120x128xf32, #tpu.memory_space<vmem_shared>> -> memref<64x128xf32, #tpu.memory_space<vmem_shared>>
      %dma_wait3A_50 = arith.constant 0 : i32
      %dma_wait3A_51 = tpu.memref_slice %arg6[%add3A_13, %dma_wait3A_50] : memref<5120x128xf32, #tpu.memory_space<vmem_shared>> -> memref<64x128xf32, #tpu.memory_space<vmem_shared>>
      %dma_wait3A_52 = arith.constant 0 : i32
      %dma_wait3A_53 = arith.constant 0 : i32
      %dma_wait3A_54 = tpu.memref_slice %arg9[%dma_wait3A_52, %dma_wait3A_53] : memref<128x128xf32, #tpu.memory_space<vmem>> -> memref<64x128xf32, #tpu.memory_space<vmem>>
      tpu.wait_dma2 semaphore(%run_scoped3A : memref<!tpu.dma_semaphore, #tpu.memory_space<semaphore_mem>>) src(%dma_wait3A_54 : memref<64x128xf32, #tpu.memory_space<vmem>>) dst(%dma_wait3A_51 : memref<64x128xf32, #tpu.memory_space<vmem_shared>>)
      tpu.yield
    }) : () -> ()
    %barrier3A = arith.constant 0 : index
    tpu.barrier barrier_id(%barrier3A)
    %scan3A_14 = arith.constant 0 : i32
    %scan3A_15 = arith.constant 0 : i32
    %scan3A_16 = arith.constant 80 : i32
    %scan3A_17 = arith.addi %scan3A_15, %scan3A_16 : i32
    %scan3A_18 = arith.constant 1 : i32
    scf.for %scan3A_36 = %scan3A_15 to %scan3A_17 step %scan3A_18  : i32 {
      %jit3A = arith.constant 4 : i32
      %eq3A = arith.constant 0 : i32
      %eq3A_37 = arith.cmpi eq, %jit3A, %eq3A : i32
      %jit3A_38 = arith.constant 1 : i32
      %select_n3A = arith.select %eq3A_37, %jit3A_38, %jit3A : i32
      %rem3A = arith.remsi %scan3A_36, %select_n3A : i32
      %ne3A = arith.constant 0 : i32
      %ne3A_39 = arith.cmpi ne, %rem3A, %ne3A : i32
      %lt3A = arith.constant 0 : i32
      %lt3A_40 = arith.cmpi slt, %rem3A, %lt3A : i32
      %lt3A_41 = arith.constant 0 : i32
      %lt3A_42 = arith.cmpi slt, %select_n3A, %lt3A_41 : i32
      %ne3A_43 = arith.xori %lt3A_40, %lt3A_42 : i1
      %and3A = arith.andi %ne3A_43, %ne3A_39 : i1
      %add3A_44 = arith.addi %rem3A, %select_n3A : i32
      %select_n3A_45 = arith.select %and3A, %add3A_44, %rem3A : i32
      %eq3A_46 = arith.constant 0 : i32
      %eq3A_47 = arith.cmpi eq, %select_n3A_45, %eq3A_46 : i32
      %convert_element_type3A = arith.extui %eq3A_47 : i1 to i32
      %cond3A = arith.constant 0 : i32
      %cond3A_48 = arith.cmpi ne, %convert_element_type3A, %cond3A : i32
      scf.if %cond3A_48 {
        %jit3A_115 = arith.constant 4 : i32
        %div3A = arith.divsi %scan3A_36, %jit3A_115 : i32
        %sign3A = arith.constant 0 : i32
        %sign3A_116 = arith.cmpi sgt, %scan3A_36, %sign3A : i32
        %sign3A_117 = arith.extui %sign3A_116 : i1 to i32
        %sign3A_118 = arith.constant 0 : i32
        %sign3A_119 = arith.cmpi slt, %scan3A_36, %sign3A_118 : i32
        %sign3A_120 = arith.extui %sign3A_119 : i1 to i32
        %sign3A_121 = arith.subi %sign3A_117, %sign3A_120 : i32
        %sign3A_122 = arith.constant 0 : i32
        %sign3A_123 = arith.cmpi sgt, %jit3A_115, %sign3A_122 : i32
        %sign3A_124 = arith.extui %sign3A_123 : i1 to i32
        %sign3A_125 = arith.constant 0 : i32
        %sign3A_126 = arith.cmpi slt, %jit3A_115, %sign3A_125 : i32
        %sign3A_127 = arith.extui %sign3A_126 : i1 to i32
        %sign3A_128 = arith.subi %sign3A_124, %sign3A_127 : i32
        %ne3A_129 = arith.cmpi ne, %sign3A_121, %sign3A_128 : i32
        %rem3A_130 = arith.remsi %scan3A_36, %jit3A_115 : i32
        %ne3A_131 = arith.constant 0 : i32
        %ne3A_132 = arith.cmpi ne, %rem3A_130, %ne3A_131 : i32
        %and3A_133 = arith.andi %ne3A_129, %ne3A_132 : i1
        %sub3A = arith.constant 1 : i32
        %sub3A_134 = arith.subi %div3A, %sub3A : i32
        %select_n3A_135 = arith.select %and3A_133, %sub3A_134, %div3A : i32
        %mul3A_136 = arith.constant 8 : i32
        %mul3A_137 = arith.muli %select_n3A_135, %mul3A_136 : i32
        "tpu.region"() ({
          %run_scoped3A = tpu.sem_alloc : memref<!tpu.dma_semaphore, #tpu.memory_space<semaphore_mem>>
          %dma_start3A_140 = arith.constant 0 : i32
          %dma_start3A_141 = tpu.memref_slice %arg3[%arg1, %mul3A_137, %dma_start3A_140] : memref<16x160x128xi32, #tpu.memory_space<hbm>> -> memref<1x8x128xi32, #tpu.memory_space<hbm>>
          %dma_start3A_142 = tpu.memref_squeeze %dma_start3A_141 : memref<1x8x128xi32, #tpu.memory_space<hbm>> -> memref<8x128xi32, #tpu.memory_space<hbm>>
          %dma_start3A_143 = arith.constant 0 : i32
          %dma_start3A_144 = tpu.memref_slice %arg3[%arg1, %mul3A_137, %dma_start3A_143] : memref<16x160x128xi32, #tpu.memory_space<hbm>> -> memref<1x8x128xi32, #tpu.memory_space<hbm>>
          %dma_start3A_145 = tpu.memref_squeeze %dma_start3A_144 : memref<1x8x128xi32, #tpu.memory_space<hbm>> -> memref<8x128xi32, #tpu.memory_space<hbm>>
          tpu.enqueue_dma source(%dma_start3A_145 : memref<8x128xi32, #tpu.memory_space<hbm>>) target(%arg7 : memref<8x128xi32, #tpu.memory_space<vmem>>) target_semaphore(%run_scoped3A : memref<!tpu.dma_semaphore, #tpu.memory_space<semaphore_mem>>)
          %dma_wait3A_146 = arith.constant 0 : i32
          %dma_wait3A_147 = tpu.memref_slice %arg3[%arg1, %mul3A_137, %dma_wait3A_146] : memref<16x160x128xi32, #tpu.memory_space<hbm>> -> memref<1x8x128xi32, #tpu.memory_space<hbm>>
          %dma_wait3A_148 = tpu.memref_squeeze %dma_wait3A_147 : memref<1x8x128xi32, #tpu.memory_space<hbm>> -> memref<8x128xi32, #tpu.memory_space<hbm>>
          %dma_wait3A_149 = arith.constant 0 : i32
          %dma_wait3A_150 = tpu.memref_slice %arg3[%arg1, %mul3A_137, %dma_wait3A_149] : memref<16x160x128xi32, #tpu.memory_space<hbm>> -> memref<1x8x128xi32, #tpu.memory_space<hbm>>
          %dma_wait3A_151 = tpu.memref_squeeze %dma_wait3A_150 : memref<1x8x128xi32, #tpu.memory_space<hbm>> -> memref<8x128xi32, #tpu.memory_space<hbm>>
          tpu.wait_dma2 semaphore(%run_scoped3A : memref<!tpu.dma_semaphore, #tpu.memory_space<semaphore_mem>>) src(%dma_wait3A_151 : memref<8x128xi32, #tpu.memory_space<hbm>>) dst(%arg7 : memref<8x128xi32, #tpu.memory_space<vmem>>)
          tpu.yield
        }) : () -> ()
        %mul3A_138 = arith.constant 8 : i32
        %mul3A_139 = arith.muli %select_n3A_135, %mul3A_138 : i32
        "tpu.region"() ({
          %run_scoped3A = tpu.sem_alloc : memref<!tpu.dma_semaphore, #tpu.memory_space<semaphore_mem>>
          %dma_start3A_140 = arith.constant 0 : i32
          %dma_start3A_141 = tpu.memref_slice %arg4[%arg0, %arg1, %mul3A_139, %dma_start3A_140] : memref<2x16x160x128xi32, #tpu.memory_space<hbm>> -> memref<1x1x8x128xi32, #tpu.memory_space<hbm>>
          %dma_start3A_142 = tpu.memref_squeeze %dma_start3A_141 : memref<1x1x8x128xi32, #tpu.memory_space<hbm>> -> memref<8x128xi32, #tpu.memory_space<hbm>>
          %dma_start3A_143 = arith.constant 0 : i32
          %dma_start3A_144 = tpu.memref_slice %arg4[%arg0, %arg1, %mul3A_139, %dma_start3A_143] : memref<2x16x160x128xi32, #tpu.memory_space<hbm>> -> memref<1x1x8x128xi32, #tpu.memory_space<hbm>>
          %dma_start3A_145 = tpu.memref_squeeze %dma_start3A_144 : memref<1x1x8x128xi32, #tpu.memory_space<hbm>> -> memref<8x128xi32, #tpu.memory_space<hbm>>
          tpu.enqueue_dma source(%dma_start3A_145 : memref<8x128xi32, #tpu.memory_space<hbm>>) target(%arg8 : memref<8x128xi32, #tpu.memory_space<vmem>>) target_semaphore(%run_scoped3A : memref<!tpu.dma_semaphore, #tpu.memory_space<semaphore_mem>>)
          %dma_wait3A_146 = arith.constant 0 : i32
          %dma_wait3A_147 = tpu.memref_slice %arg4[%arg0, %arg1, %mul3A_139, %dma_wait3A_146] : memref<2x16x160x128xi32, #tpu.memory_space<hbm>> -> memref<1x1x8x128xi32, #tpu.memory_space<hbm>>
          %dma_wait3A_148 = tpu.memref_squeeze %dma_wait3A_147 : memref<1x1x8x128xi32, #tpu.memory_space<hbm>> -> memref<8x128xi32, #tpu.memory_space<hbm>>
          %dma_wait3A_149 = arith.constant 0 : i32
          %dma_wait3A_150 = tpu.memref_slice %arg4[%arg0, %arg1, %mul3A_139, %dma_wait3A_149] : memref<2x16x160x128xi32, #tpu.memory_space<hbm>> -> memref<1x1x8x128xi32, #tpu.memory_space<hbm>>
          %dma_wait3A_151 = tpu.memref_squeeze %dma_wait3A_150 : memref<1x1x8x128xi32, #tpu.memory_space<hbm>> -> memref<8x128xi32, #tpu.memory_space<hbm>>
          tpu.wait_dma2 semaphore(%run_scoped3A : memref<!tpu.dma_semaphore, #tpu.memory_space<semaphore_mem>>) src(%dma_wait3A_151 : memref<8x128xi32, #tpu.memory_space<hbm>>) dst(%arg8 : memref<8x128xi32, #tpu.memory_space<vmem>>)
          tpu.yield
        }) : () -> ()
      } else {
      }
      %jit3A_49 = arith.constant 4 : i32
      %eq3A_50 = arith.constant 0 : i32
      %eq3A_51 = arith.cmpi eq, %jit3A_49, %eq3A_50 : i32
      %jit3A_52 = arith.constant 1 : i32
      %select_n3A_53 = arith.select %eq3A_51, %jit3A_52, %jit3A_49 : i32
      %rem3A_54 = arith.remsi %scan3A_36, %select_n3A_53 : i32
      %ne3A_55 = arith.constant 0 : i32
      %ne3A_56 = arith.cmpi ne, %rem3A_54, %ne3A_55 : i32
      %lt3A_57 = arith.constant 0 : i32
      %lt3A_58 = arith.cmpi slt, %rem3A_54, %lt3A_57 : i32
      %lt3A_59 = arith.constant 0 : i32
      %lt3A_60 = arith.cmpi slt, %select_n3A_53, %lt3A_59 : i32
      %ne3A_61 = arith.xori %lt3A_58, %lt3A_60 : i1
      %and3A_62 = arith.andi %ne3A_61, %ne3A_56 : i1
      %add3A_63 = arith.addi %rem3A_54, %select_n3A_53 : i32
      %select_n3A_64 = arith.select %and3A_62, %add3A_63, %rem3A_54 : i32
      %mul3A_65 = arith.constant 2 : i32
      %mul3A_66 = arith.muli %mul3A_65, %select_n3A_64 : i32
      %gt3A = arith.constant 0 : i32
      %gt3A_67 = arith.cmpi sgt, %scan3A_36, %gt3A : i32
      %convert_element_type3A_68 = arith.extui %gt3A_67 : i1 to i32
      %cond3A_69 = arith.constant 0 : i32
      %cond3A_70 = arith.cmpi ne, %convert_element_type3A_68, %cond3A_69 : i32
      scf.if %cond3A_70 {
        %dma_wait3A_115 = arith.constant 0 : i32
        %dma_wait3A_116 = arith.constant 0 : i32
        %dma_wait3A_117 = tpu.memref_slice %arg2[%dma_wait3A_115, %dma_wait3A_116] : memref<10112x128xf32, #tpu.memory_space<hbm>> -> memref<128x128xf32, #tpu.memory_space<hbm>>
        %dma_wait3A_118 = arith.constant 0 : i32
        %dma_wait3A_119 = arith.constant 0 : i32
        %dma_wait3A_120 = tpu.memref_slice %arg2[%dma_wait3A_118, %dma_wait3A_119] : memref<10112x128xf32, #tpu.memory_space<hbm>> -> memref<128x128xf32, #tpu.memory_space<hbm>>
        tpu.wait_dma2 semaphore(%arg13 : memref<!tpu.dma_semaphore, #tpu.memory_space<semaphore_mem>>) src(%dma_wait3A_120 : memref<128x128xf32, #tpu.memory_space<hbm>>) dst(%arg9 : memref<128x128xf32, #tpu.memory_space<vmem>>)
      } else {
      }
      %dma_start3A = arith.constant 0 : i32
      %dma_start3A_71 = tpu.memref_slice %arg7[%mul3A_66, %dma_start3A] : memref<8x128xi32, #tpu.memory_space<vmem>> -> memref<1x128xi32, #tpu.memory_space<vmem>>
      %dma_start3A_72 = tpu.memref_squeeze %dma_start3A_71 : memref<1x128xi32, #tpu.memory_space<vmem>> -> memref<128xi32, #tpu.memory_space<vmem>>
      %dma_start3A_73 = arith.constant 0 : i32
      %dma_start3A_74 = arith.constant 0 : i32
      %dma_start3A_75 = tpu.memref_slice %arg2[%dma_start3A_73, %dma_start3A_74] : memref<10112x128xf32, #tpu.memory_space<hbm>> -> memref<10112x128xf32, #tpu.memory_space<hbm>>
      tpu.enqueue_indirect_dma source(%dma_start3A_75 : memref<10112x128xf32, #tpu.memory_space<hbm>>) target(%arg9 : memref<128x128xf32, #tpu.memory_space<vmem>>) offsets(%dma_start3A_72 : memref<128xi32, #tpu.memory_space<vmem>>) semaphore(%arg11 : memref<!tpu.dma_semaphore, #tpu.memory_space<semaphore_mem>>)
      %gt3A_76 = arith.constant 0 : i32
      %gt3A_77 = arith.cmpi sgt, %scan3A_36, %gt3A_76 : i32
      %convert_element_type3A_78 = arith.extui %gt3A_77 : i1 to i32
      %cond3A_79 = arith.constant 0 : i32
      %cond3A_80 = arith.cmpi ne, %convert_element_type3A_78, %cond3A_79 : i32
      scf.if %cond3A_80 {
        %dma_wait3A_115 = arith.constant 0 : i32
        %dma_wait3A_116 = arith.constant 0 : i32
        %dma_wait3A_117 = tpu.memref_slice %arg2[%dma_wait3A_115, %dma_wait3A_116] : memref<10112x128xf32, #tpu.memory_space<hbm>> -> memref<128x128xf32, #tpu.memory_space<hbm>>
        %dma_wait3A_118 = arith.constant 0 : i32
        %dma_wait3A_119 = arith.constant 0 : i32
        %dma_wait3A_120 = tpu.memref_slice %arg2[%dma_wait3A_118, %dma_wait3A_119] : memref<10112x128xf32, #tpu.memory_space<hbm>> -> memref<128x128xf32, #tpu.memory_space<hbm>>
        tpu.wait_dma2 semaphore(%arg14 : memref<!tpu.dma_semaphore, #tpu.memory_space<semaphore_mem>>) src(%dma_wait3A_120 : memref<128x128xf32, #tpu.memory_space<hbm>>) dst(%arg10 : memref<128x128xf32, #tpu.memory_space<vmem>>)
      } else {
      }
      %add3A_81 = arith.constant 1 : i32
      %add3A_82 = arith.addi %mul3A_66, %add3A_81 : i32
      %dma_start3A_83 = arith.constant 0 : i32
      %dma_start3A_84 = tpu.memref_slice %arg7[%add3A_82, %dma_start3A_83] : memref<8x128xi32, #tpu.memory_space<vmem>> -> memref<1x128xi32, #tpu.memory_space<vmem>>
      %dma_start3A_85 = tpu.memref_squeeze %dma_start3A_84 : memref<1x128xi32, #tpu.memory_space<vmem>> -> memref<128xi32, #tpu.memory_space<vmem>>
      %dma_start3A_86 = arith.constant 0 : i32
      %dma_start3A_87 = arith.constant 0 : i32
      %dma_start3A_88 = tpu.memref_slice %arg2[%dma_start3A_86, %dma_start3A_87] : memref<10112x128xf32, #tpu.memory_space<hbm>> -> memref<10112x128xf32, #tpu.memory_space<hbm>>
      tpu.enqueue_indirect_dma source(%dma_start3A_88 : memref<10112x128xf32, #tpu.memory_space<hbm>>) target(%arg10 : memref<128x128xf32, #tpu.memory_space<vmem>>) offsets(%dma_start3A_85 : memref<128xi32, #tpu.memory_space<vmem>>) semaphore(%arg12 : memref<!tpu.dma_semaphore, #tpu.memory_space<semaphore_mem>>)
      %dma_wait3A_89 = arith.constant 0 : i32
      %dma_wait3A_90 = tpu.memref_slice %arg7[%mul3A_66, %dma_wait3A_89] : memref<8x128xi32, #tpu.memory_space<vmem>> -> memref<1x128xi32, #tpu.memory_space<vmem>>
      %dma_wait3A_91 = tpu.memref_squeeze %dma_wait3A_90 : memref<1x128xi32, #tpu.memory_space<vmem>> -> memref<128xi32, #tpu.memory_space<vmem>>
      %dma_wait3A_92 = arith.constant 0 : i32
      %dma_wait3A_93 = arith.constant 0 : i32
      %dma_wait3A_94 = tpu.memref_slice %arg2[%dma_wait3A_92, %dma_wait3A_93] : memref<10112x128xf32, #tpu.memory_space<hbm>> -> memref<10112x128xf32, #tpu.memory_space<hbm>>
      tpu.wait_indirect_dma semaphore(%arg11 : memref<!tpu.dma_semaphore, #tpu.memory_space<semaphore_mem>>) src(%dma_wait3A_94 : memref<10112x128xf32, #tpu.memory_space<hbm>>) dst(%arg9 : memref<128x128xf32, #tpu.memory_space<vmem>>)
      %dma_start3A_95 = arith.constant 0 : i32
      %dma_start3A_96 = tpu.memref_slice %arg8[%mul3A_66, %dma_start3A_95] : memref<8x128xi32, #tpu.memory_space<vmem>> -> memref<1x128xi32, #tpu.memory_space<vmem>>
      %dma_start3A_97 = tpu.memref_squeeze %dma_start3A_96 : memref<1x128xi32, #tpu.memory_space<vmem>> -> memref<128xi32, #tpu.memory_space<vmem>>
      %dma_start3A_98 = arith.constant 0 : i32
      %dma_start3A_99 = arith.constant 0 : i32
      %dma_start3A_100 = tpu.memref_slice %arg6[%dma_start3A_98, %dma_start3A_99] : memref<5120x128xf32, #tpu.memory_space<vmem_shared>> -> memref<5120x128xf32, #tpu.memory_space<vmem_shared>>
      tpu.enqueue_indirect_dma source(%arg9 : memref<128x128xf32, #tpu.memory_space<vmem>>) target(%dma_start3A_100 : memref<5120x128xf32, #tpu.memory_space<vmem_shared>>) offsets(%dma_start3A_97 : memref<128xi32, #tpu.memory_space<vmem>>) semaphore(%arg13 : memref<!tpu.dma_semaphore, #tpu.memory_space<semaphore_mem>>) {add = true}
      %dma_wait3A_101 = arith.constant 0 : i32
      %dma_wait3A_102 = tpu.memref_slice %arg7[%add3A_82, %dma_wait3A_101] : memref<8x128xi32, #tpu.memory_space<vmem>> -> memref<1x128xi32, #tpu.memory_space<vmem>>
      %dma_wait3A_103 = tpu.memref_squeeze %dma_wait3A_102 : memref<1x128xi32, #tpu.memory_space<vmem>> -> memref<128xi32, #tpu.memory_space<vmem>>
      %dma_wait3A_104 = arith.constant 0 : i32
      %dma_wait3A_105 = arith.constant 0 : i32
      %dma_wait3A_106 = tpu.memref_slice %arg2[%dma_wait3A_104, %dma_wait3A_105] : memref<10112x128xf32, #tpu.memory_space<hbm>> -> memref<10112x128xf32, #tpu.memory_space<hbm>>
      tpu.wait_indirect_dma semaphore(%arg12 : memref<!tpu.dma_semaphore, #tpu.memory_space<semaphore_mem>>) src(%dma_wait3A_106 : memref<10112x128xf32, #tpu.memory_space<hbm>>) dst(%arg10 : memref<128x128xf32, #tpu.memory_space<vmem>>)
      %add3A_107 = arith.constant 1 : i32
      %add3A_108 = arith.addi %mul3A_66, %add3A_107 : i32
      %dma_start3A_109 = arith.constant 0 : i32
      %dma_start3A_110 = tpu.memref_slice %arg8[%add3A_108, %dma_start3A_109] : memref<8x128xi32, #tpu.memory_space<vmem>> -> memref<1x128xi32, #tpu.memory_space<vmem>>
      %dma_start3A_111 = tpu.memref_squeeze %dma_start3A_110 : memref<1x128xi32, #tpu.memory_space<vmem>> -> memref<128xi32, #tpu.memory_space<vmem>>
      %dma_start3A_112 = arith.constant 0 : i32
      %dma_start3A_113 = arith.constant 0 : i32
      %dma_start3A_114 = tpu.memref_slice %arg6[%dma_start3A_112, %dma_start3A_113] : memref<5120x128xf32, #tpu.memory_space<vmem_shared>> -> memref<5120x128xf32, #tpu.memory_space<vmem_shared>>
      tpu.enqueue_indirect_dma source(%arg10 : memref<128x128xf32, #tpu.memory_space<vmem>>) target(%dma_start3A_114 : memref<5120x128xf32, #tpu.memory_space<vmem_shared>>) offsets(%dma_start3A_111 : memref<128xi32, #tpu.memory_space<vmem>>) semaphore(%arg14 : memref<!tpu.dma_semaphore, #tpu.memory_space<semaphore_mem>>) {add = true}
    }
    %scan3A_19 = arith.constant 80 : i32
    %dma_wait3A = arith.constant 0 : i32
    %dma_wait3A_20 = arith.constant 0 : i32
    %dma_wait3A_21 = tpu.memref_slice %arg2[%dma_wait3A, %dma_wait3A_20] : memref<10112x128xf32, #tpu.memory_space<hbm>> -> memref<128x128xf32, #tpu.memory_space<hbm>>
    %dma_wait3A_22 = arith.constant 0 : i32
    %dma_wait3A_23 = arith.constant 0 : i32
    %dma_wait3A_24 = tpu.memref_slice %arg2[%dma_wait3A_22, %dma_wait3A_23] : memref<10112x128xf32, #tpu.memory_space<hbm>> -> memref<128x128xf32, #tpu.memory_space<hbm>>
    tpu.wait_dma2 semaphore(%arg13 : memref<!tpu.dma_semaphore, #tpu.memory_space<semaphore_mem>>) src(%dma_wait3A_24 : memref<128x128xf32, #tpu.memory_space<hbm>>) dst(%arg9 : memref<128x128xf32, #tpu.memory_space<vmem>>)
    %dma_wait3A_25 = arith.constant 0 : i32
    %dma_wait3A_26 = arith.constant 0 : i32
    %dma_wait3A_27 = tpu.memref_slice %arg2[%dma_wait3A_25, %dma_wait3A_26] : memref<10112x128xf32, #tpu.memory_space<hbm>> -> memref<128x128xf32, #tpu.memory_space<hbm>>
    %dma_wait3A_28 = arith.constant 0 : i32
    %dma_wait3A_29 = arith.constant 0 : i32
    %dma_wait3A_30 = tpu.memref_slice %arg2[%dma_wait3A_28, %dma_wait3A_29] : memref<10112x128xf32, #tpu.memory_space<hbm>> -> memref<128x128xf32, #tpu.memory_space<hbm>>
    tpu.wait_dma2 semaphore(%arg14 : memref<!tpu.dma_semaphore, #tpu.memory_space<semaphore_mem>>) src(%dma_wait3A_30 : memref<128x128xf32, #tpu.memory_space<hbm>>) dst(%arg10 : memref<128x128xf32, #tpu.memory_space<vmem>>)
    %barrier3A_31 = arith.constant 0 : index
    tpu.barrier barrier_id(%barrier3A_31)
    %mul3A_32 = arith.constant 320 : i32
    %mul3A_33 = arith.muli %arg1, %mul3A_32 : i32
    %mul3A_34 = arith.constant 320 : i32
    %mul3A_35 = arith.muli %arg1, %mul3A_34 : i32
    "tpu.region"() ({
      %run_scoped3A = tpu.sem_alloc : memref<!tpu.dma_semaphore, #tpu.memory_space<semaphore_mem>>
      %dma_start3A = arith.constant 0 : i32
      %dma_start3A_36 = tpu.memref_slice %arg5[%arg0, %mul3A_35, %dma_start3A] : memref<2x5120x128xf32, #tpu.memory_space<hbm>> -> memref<1x320x128xf32, #tpu.memory_space<hbm>>
      %dma_start3A_37 = tpu.memref_squeeze %dma_start3A_36 : memref<1x320x128xf32, #tpu.memory_space<hbm>> -> memref<320x128xf32, #tpu.memory_space<hbm>>
      %dma_start3A_38 = arith.constant 0 : i32
      %dma_start3A_39 = tpu.memref_slice %arg6[%mul3A_33, %dma_start3A_38] : memref<5120x128xf32, #tpu.memory_space<vmem_shared>> -> memref<320x128xf32, #tpu.memory_space<vmem_shared>>
      tpu.enqueue_dma source(%dma_start3A_39 : memref<320x128xf32, #tpu.memory_space<vmem_shared>>) target(%dma_start3A_37 : memref<320x128xf32, #tpu.memory_space<hbm>>) target_semaphore(%run_scoped3A : memref<!tpu.dma_semaphore, #tpu.memory_space<semaphore_mem>>)
      %dma_wait3A_40 = arith.constant 0 : i32
      %dma_wait3A_41 = tpu.memref_slice %arg5[%arg0, %mul3A_35, %dma_wait3A_40] : memref<2x5120x128xf32, #tpu.memory_space<hbm>> -> memref<1x320x128xf32, #tpu.memory_space<hbm>>
      %dma_wait3A_42 = tpu.memref_squeeze %dma_wait3A_41 : memref<1x320x128xf32, #tpu.memory_space<hbm>> -> memref<320x128xf32, #tpu.memory_space<hbm>>
      %dma_wait3A_43 = arith.constant 0 : i32
      %dma_wait3A_44 = tpu.memref_slice %arg6[%mul3A_33, %dma_wait3A_43] : memref<5120x128xf32, #tpu.memory_space<vmem_shared>> -> memref<320x128xf32, #tpu.memory_space<vmem_shared>>
      tpu.wait_dma2 semaphore(%run_scoped3A : memref<!tpu.dma_semaphore, #tpu.memory_space<semaphore_mem>>) src(%dma_wait3A_44 : memref<320x128xf32, #tpu.memory_space<vmem_shared>>) dst(%dma_wait3A_42 : memref<320x128xf32, #tpu.memory_space<hbm>>)
      tpu.yield
    }) : () -> ()
    return
  }
}

#map = affine_map<(d0, d1) -> (0, 0)>
#map1 = affine_map<(d0, d1) -> (0, 0, 0)>
#map2 = affine_map<(d0, d1) -> (0, 0, 0, 0)>
module attributes {stable_mosaic.version = 14 : i64} {
  func.func @agg(%arg0: i32, %arg1: i32, %arg2: memref<10112x128xf32, #tpu.memory_space<hbm>>, %arg3: memref<16x160x128xi32, #tpu.memory_space<hbm>>, %arg4: memref<2x16x160x128xi32, #tpu.memory_space<hbm>>, %arg5: memref<2x5120x128xf32, #tpu.memory_space<hbm>>, %arg6: memref<5120x128xf32, #tpu.memory_space<vmem_shared>>, %arg7: memref<8x128xi32, #tpu.memory_space<vmem>>, %arg8: memref<8x128xi32, #tpu.memory_space<vmem>>, %arg9: memref<128x128xf32, #tpu.memory_space<vmem>>, %arg10: memref<128x128xf32, #tpu.memory_space<vmem>>, %arg11: memref<!tpu.dma_semaphore, #tpu.memory_space<semaphore_mem>>, %arg12: memref<!tpu.dma_semaphore, #tpu.memory_space<semaphore_mem>>, %arg13: memref<!tpu.dma_semaphore, #tpu.memory_space<semaphore_mem>>, %arg14: memref<!tpu.dma_semaphore, #tpu.memory_space<semaphore_mem>>) attributes {dimension_semantics = [#tpu.dimension_semantics<core_parallel>, #tpu.dimension_semantics<subcore_parallel>], iteration_bounds = array<i64: 2, 16>, scalar_prefetch = 0 : i64, scratch_operands = 9 : i64, tpu.core_type = #tpu.core_type<sc_vector_subcore>, window_params = [{transform_indices = #map}, {transform_indices = #map1}, {transform_indices = #map2}, {transform_indices = #map1}]} {
    %broadcast_in_dim3A = arith.constant 0.000000e+00 : f32
    %broadcast_in_dim3A_0 = vector.broadcast %broadcast_in_dim3A : f32 to vector<16xf32>
    %scan3A = arith.constant 0 : i32
    %scan3A_1 = arith.constant 0 : i32
    %scan3A_2 = arith.constant 128 : i32
    %scan3A_3 = arith.addi %scan3A_1, %scan3A_2 : i32
    %scan3A_4 = arith.constant 1 : i32
    scf.for %scan3A_36 = %scan3A_1 to %scan3A_3 step %scan3A_4  : i32 {
      %swap3A = arith.index_cast %scan3A_36 : i32 to index
      %swap3A_37 = arith.constant 0 : index
      %swap3A_38 = tpu.vector_load %arg9[%swap3A, %swap3A_37] {strides = array<i32>} : memref<128x128xf32, #tpu.memory_space<vmem>>, vector<1x16xf32>,
      %swap3A_39 = vector.shape_cast %swap3A_38 : vector<1x16xf32> to vector<16xf32>
      %swap3A_40 = vector.shape_cast %broadcast_in_dim3A_0 : vector<16xf32> to vector<1x16xf32>
      tpu.vector_store %arg9[%swap3A, %swap3A_37], %swap3A_40 {strides = array<i32>} : memref<128x128xf32, #tpu.memory_space<vmem>>, vector<1x16xf32>,
      %swap3A_41 = arith.index_cast %scan3A_36 : i32 to index
      %swap3A_42 = arith.constant 16 : index
      %swap3A_43 = tpu.vector_load %arg9[%swap3A_41, %swap3A_42] {strides = array<i32>} : memref<128x128xf32, #tpu.memory_space<vmem>>, vector<1x16xf32>,
      %swap3A_44 = vector.shape_cast %swap3A_43 : vector<1x16xf32> to vector<16xf32>
      %swap3A_45 = vector.shape_cast %broadcast_in_dim3A_0 : vector<16xf32> to vector<1x16xf32>
      tpu.vector_store %arg9[%swap3A_41, %swap3A_42], %swap3A_45 {strides = array<i32>} : memref<128x128xf32, #tpu.memory_space<vmem>>, vector<1x16xf32>,
      %swap3A_46 = arith.index_cast %scan3A_36 : i32 to index
      %swap3A_47 = arith.constant 32 : index
      %swap3A_48 = tpu.vector_load %arg9[%swap3A_46, %swap3A_47] {strides = array<i32>} : memref<128x128xf32, #tpu.memory_space<vmem>>, vector<1x16xf32>,
      %swap3A_49 = vector.shape_cast %swap3A_48 : vector<1x16xf32> to vector<16xf32>
      %swap3A_50 = vector.shape_cast %broadcast_in_dim3A_0 : vector<16xf32> to vector<1x16xf32>
      tpu.vector_store %arg9[%swap3A_46, %swap3A_47], %swap3A_50 {strides = array<i32>} : memref<128x128xf32, #tpu.memory_space<vmem>>, vector<1x16xf32>,
      %swap3A_51 = arith.index_cast %scan3A_36 : i32 to index
      %swap3A_52 = arith.constant 48 : index
      %swap3A_53 = tpu.vector_load %arg9[%swap3A_51, %swap3A_52] {strides = array<i32>} : memref<128x128xf32, #tpu.memory_space<vmem>>, vector<1x16xf32>,
      %swap3A_54 = vector.shape_cast %swap3A_53 : vector<1x16xf32> to vector<16xf32>
      %swap3A_55 = vector.shape_cast %broadcast_in_dim3A_0 : vector<16xf32> to vector<1x16xf32>
      tpu.vector_store %arg9[%swap3A_51, %swap3A_52], %swap3A_55 {strides = array<i32>} : memref<128x128xf32, #tpu.memory_space<vmem>>, vector<1x16xf32>,
      %swap3A_56 = arith.index_cast %scan3A_36 : i32 to index
      %swap3A_57 = arith.constant 64 : index
      %swap3A_58 = tpu.vector_load %arg9[%swap3A_56, %swap3A_57] {strides = array<i32>} : memref<128x128xf32, #tpu.memory_space<vmem>>, vector<1x16xf32>,
      %swap3A_59 = vector.shape_cast %swap3A_58 : vector<1x16xf32> to vector<16xf32>
      %swap3A_60 = vector.shape_cast %broadcast_in_dim3A_0 : vector<16xf32> to vector<1x16xf32>
      tpu.vector_store %arg9[%swap3A_56, %swap3A_57], %swap3A_60 {strides = array<i32>} : memref<128x128xf32, #tpu.memory_space<vmem>>, vector<1x16xf32>,
      %swap3A_61 = arith.index_cast %scan3A_36 : i32 to index
      %swap3A_62 = arith.constant 80 : index
      %swap3A_63 = tpu.vector_load %arg9[%swap3A_61, %swap3A_62] {strides = array<i32>} : memref<128x128xf32, #tpu.memory_space<vmem>>, vector<1x16xf32>,
      %swap3A_64 = vector.shape_cast %swap3A_63 : vector<1x16xf32> to vector<16xf32>
      %swap3A_65 = vector.shape_cast %broadcast_in_dim3A_0 : vector<16xf32> to vector<1x16xf32>
      tpu.vector_store %arg9[%swap3A_61, %swap3A_62], %swap3A_65 {strides = array<i32>} : memref<128x128xf32, #tpu.memory_space<vmem>>, vector<1x16xf32>,
      %swap3A_66 = arith.index_cast %scan3A_36 : i32 to index
      %swap3A_67 = arith.constant 96 : index
      %swap3A_68 = tpu.vector_load %arg9[%swap3A_66, %swap3A_67] {strides = array<i32>} : memref<128x128xf32, #tpu.memory_space<vmem>>, vector<1x16xf32>,
      %swap3A_69 = vector.shape_cast %swap3A_68 : vector<1x16xf32> to vector<16xf32>
      %swap3A_70 = vector.shape_cast %broadcast_in_dim3A_0 : vector<16xf32> to vector<1x16xf32>
      tpu.vector_store %arg9[%swap3A_66, %swap3A_67], %swap3A_70 {strides = array<i32>} : memref<128x128xf32, #tpu.memory_space<vmem>>, vector<1x16xf32>,
      %swap3A_71 = arith.index_cast %scan3A_36 : i32 to index
      %swap3A_72 = arith.constant 112 : index
      %swap3A_73 = tpu.vector_load %arg9[%swap3A_71, %swap3A_72] {strides = array<i32>} : memref<128x128xf32, #tpu.memory_space<vmem>>, vector<1x16xf32>,
      %swap3A_74 = vector.shape_cast %swap3A_73 : vector<1x16xf32> to vector<16xf32>
      %swap3A_75 = vector.shape_cast %broadcast_in_dim3A_0 : vector<16xf32> to vector<1x16xf32>
      tpu.vector_store %arg9[%swap3A_71, %swap3A_72], %swap3A_75 {strides = array<i32>} : memref<128x128xf32, #tpu.memory_space<vmem>>, vector<1x16xf32>,
    }
    %scan3A_5 = arith.constant 128 : i32
    %mul3A = arith.constant 320 : i32
    %mul3A_6 = arith.muli %arg1, %mul3A : i32
    "tpu.region"() ({
      %run_scoped3A = tpu.sem_alloc : memref<!tpu.dma_semaphore, #tpu.memory_space<semaphore_mem>>
      %dma_start3A = arith.constant 0 : i32
      %dma_start3A_36 = tpu.memref_slice %arg6[%mul3A_6, %dma_start3A] : memref<5120x128xf32, #tpu.memory_space<vmem_shared>> -> memref<128x128xf32, #tpu.memory_space<vmem_shared>>
      %dma_start3A_37 = arith.constant 0 : i32
      %dma_start3A_38 = tpu.memref_slice %arg6[%mul3A_6, %dma_start3A_37] : memref<5120x128xf32, #tpu.memory_space<vmem_shared>> -> memref<128x128xf32, #tpu.memory_space<vmem_shared>>
      tpu.enqueue_dma source(%arg9 : memref<128x128xf32, #tpu.memory_space<vmem>>) target(%dma_start3A_38 : memref<128x128xf32, #tpu.memory_space<vmem_shared>>) target_semaphore(%run_scoped3A : memref<!tpu.dma_semaphore, #tpu.memory_space<semaphore_mem>>)
      %dma_wait3A_39 = arith.constant 0 : i32
      %dma_wait3A_40 = tpu.memref_slice %arg6[%mul3A_6, %dma_wait3A_39] : memref<5120x128xf32, #tpu.memory_space<vmem_shared>> -> memref<128x128xf32, #tpu.memory_space<vmem_shared>>
      %dma_wait3A_41 = arith.constant 0 : i32
      %dma_wait3A_42 = tpu.memref_slice %arg6[%mul3A_6, %dma_wait3A_41] : memref<5120x128xf32, #tpu.memory_space<vmem_shared>> -> memref<128x128xf32, #tpu.memory_space<vmem_shared>>
      tpu.wait_dma2 semaphore(%run_scoped3A : memref<!tpu.dma_semaphore, #tpu.memory_space<semaphore_mem>>) src(%arg9 : memref<128x128xf32, #tpu.memory_space<vmem>>) dst(%dma_wait3A_42 : memref<128x128xf32, #tpu.memory_space<vmem_shared>>)
      tpu.yield
    }) : () -> ()
    %mul3A_7 = arith.constant 320 : i32
    %mul3A_8 = arith.muli %arg1, %mul3A_7 : i32
    %add3A = arith.constant 128 : i32
    %add3A_9 = arith.addi %mul3A_8, %add3A : i32
    "tpu.region"() ({
      %run_scoped3A = tpu.sem_alloc : memref<!tpu.dma_semaphore, #tpu.memory_space<semaphore_mem>>
      %dma_start3A = arith.constant 0 : i32
      %dma_start3A_36 = tpu.memref_slice %arg6[%add3A_9, %dma_start3A] : memref<5120x128xf32, #tpu.memory_space<vmem_shared>> -> memref<128x128xf32, #tpu.memory_space<vmem_shared>>
      %dma_start3A_37 = arith.constant 0 : i32
      %dma_start3A_38 = tpu.memref_slice %arg6[%add3A_9, %dma_start3A_37] : memref<5120x128xf32, #tpu.memory_space<vmem_shared>> -> memref<128x128xf32, #tpu.memory_space<vmem_shared>>
      tpu.enqueue_dma source(%arg9 : memref<128x128xf32, #tpu.memory_space<vmem>>) target(%dma_start3A_38 : memref<128x128xf32, #tpu.memory_space<vmem_shared>>) target_semaphore(%run_scoped3A : memref<!tpu.dma_semaphore, #tpu.memory_space<semaphore_mem>>)
      %dma_wait3A_39 = arith.constant 0 : i32
      %dma_wait3A_40 = tpu.memref_slice %arg6[%add3A_9, %dma_wait3A_39] : memref<5120x128xf32, #tpu.memory_space<vmem_shared>> -> memref<128x128xf32, #tpu.memory_space<vmem_shared>>
      %dma_wait3A_41 = arith.constant 0 : i32
      %dma_wait3A_42 = tpu.memref_slice %arg6[%add3A_9, %dma_wait3A_41] : memref<5120x128xf32, #tpu.memory_space<vmem_shared>> -> memref<128x128xf32, #tpu.memory_space<vmem_shared>>
      tpu.wait_dma2 semaphore(%run_scoped3A : memref<!tpu.dma_semaphore, #tpu.memory_space<semaphore_mem>>) src(%arg9 : memref<128x128xf32, #tpu.memory_space<vmem>>) dst(%dma_wait3A_42 : memref<128x128xf32, #tpu.memory_space<vmem_shared>>)
      tpu.yield
    }) : () -> ()
    %mul3A_10 = arith.constant 320 : i32
    %mul3A_11 = arith.muli %arg1, %mul3A_10 : i32
    %add3A_12 = arith.constant 256 : i32
    %add3A_13 = arith.addi %mul3A_11, %add3A_12 : i32
    "tpu.region"() ({
      %run_scoped3A = tpu.sem_alloc : memref<!tpu.dma_semaphore, #tpu.memory_space<semaphore_mem>>
      %dma_start3A = arith.constant 0 : i32
      %dma_start3A_36 = arith.constant 0 : i32
      %dma_start3A_37 = tpu.memref_slice %arg9[%dma_start3A, %dma_start3A_36] : memref<128x128xf32, #tpu.memory_space<vmem>> -> memref<64x128xf32, #tpu.memory_space<vmem>>
      %dma_start3A_38 = arith.constant 0 : i32
      %dma_start3A_39 = tpu.memref_slice %arg6[%add3A_13, %dma_start3A_38] : memref<5120x128xf32, #tpu.memory_space<vmem_shared>> -> memref<64x128xf32, #tpu.memory_space<vmem_shared>>
      %dma_start3A_40 = arith.constant 0 : i32
      %dma_start3A_41 = tpu.memref_slice %arg6[%add3A_13, %dma_start3A_40] : memref<5120x128xf32, #tpu.memory_space<vmem_shared>> -> memref<64x128xf32, #tpu.memory_space<vmem_shared>>
      %dma_start3A_42 = arith.constant 0 : i32
      %dma_start3A_43 = arith.constant 0 : i32
      %dma_start3A_44 = tpu.memref_slice %arg9[%dma_start3A_42, %dma_start3A_43] : memref<128x128xf32, #tpu.memory_space<vmem>> -> memref<64x128xf32, #tpu.memory_space<vmem>>
      tpu.enqueue_dma source(%dma_start3A_44 : memref<64x128xf32, #tpu.memory_space<vmem>>) target(%dma_start3A_41 : memref<64x128xf32, #tpu.memory_space<vmem_shared>>) target_semaphore(%run_scoped3A : memref<!tpu.dma_semaphore, #tpu.memory_space<semaphore_mem>>)
      %dma_wait3A_45 = arith.constant 0 : i32
      %dma_wait3A_46 = arith.constant 0 : i32
      %dma_wait3A_47 = tpu.memref_slice %arg9[%dma_wait3A_45, %dma_wait3A_46] : memref<128x128xf32, #tpu.memory_space<vmem>> -> memref<64x128xf32, #tpu.memory_space<vmem>>
      %dma_wait3A_48 = arith.constant 0 : i32
      %dma_wait3A_49 = tpu.memref_slice %arg6[%add3A_13, %dma_wait3A_48] : memref<5120x128xf32, #tpu.memory_space<vmem_shared>> -> memref<64x128xf32, #tpu.memory_space<vmem_shared>>
      %dma_wait3A_50 = arith.constant 0 : i32
      %dma_wait3A_51 = tpu.memref_slice %arg6[%add3A_13, %dma_wait3A_50] : memref<5120x128xf32, #tpu.memory_space<vmem_shared>> -> memref<64x128xf32, #tpu.memory_space<vmem_shared>>
      %dma_wait3A_52 = arith.constant 0 : i32
      %dma_wait3A_53 = arith.constant 0 : i32
      %dma_wait3A_54 = tpu.memref_slice %arg9[%dma_wait3A_52, %dma_wait3A_53] : memref<128x128xf32, #tpu.memory_space<vmem>> -> memref<64x128xf32, #tpu.memory_space<vmem>>
      tpu.wait_dma2 semaphore(%run_scoped3A : memref<!tpu.dma_semaphore, #tpu.memory_space<semaphore_mem>>) src(%dma_wait3A_54 : memref<64x128xf32, #tpu.memory_space<vmem>>) dst(%dma_wait3A_51 : memref<64x128xf32, #tpu.memory_space<vmem_shared>>)
      tpu.yield
    }) : () -> ()
    %barrier3A = arith.constant 0 : index
    tpu.barrier barrier_id(%barrier3A)
    %scan3A_14 = arith.constant 0 : i32
    %scan3A_15 = arith.constant 0 : i32
    %scan3A_16 = arith.constant 80 : i32
    %scan3A_17 = arith.addi %scan3A_15, %scan3A_16 : i32
    %scan3A_18 = arith.constant 1 : i32
    scf.for %scan3A_36 = %scan3A_15 to %scan3A_17 step %scan3A_18  : i32 {
      %jit3A = arith.constant 4 : i32
      %eq3A = arith.constant 0 : i32
      %eq3A_37 = arith.cmpi eq, %jit3A, %eq3A : i32
      %jit3A_38 = arith.constant 1 : i32
      %select_n3A = arith.select %eq3A_37, %jit3A_38, %jit3A : i32
      %rem3A = arith.remsi %scan3A_36, %select_n3A : i32
      %ne3A = arith.constant 0 : i32
      %ne3A_39 = arith.cmpi ne, %rem3A, %ne3A : i32
      %lt3A = arith.constant 0 : i32
      %lt3A_40 = arith.cmpi slt, %rem3A, %lt3A : i32
      %lt3A_41 = arith.constant 0 : i32
      %lt3A_42 = arith.cmpi slt, %select_n3A, %lt3A_41 : i32
      %ne3A_43 = arith.xori %lt3A_40, %lt3A_42 : i1
      %and3A = arith.andi %ne3A_43, %ne3A_39 : i1
      %add3A_44 = arith.addi %rem3A, %select_n3A : i32
      %select_n3A_45 = arith.select %and3A, %add3A_44, %rem3A : i32
      %eq3A_46 = arith.constant 0 : i32
      %eq3A_47 = arith.cmpi eq, %select_n3A_45, %eq3A_46 : i32
      %convert_element_type3A = arith.extui %eq3A_47 : i1 to i32
      %cond3A = arith.constant 0 : i32
      %cond3A_48 = arith.cmpi ne, %convert_element_type3A, %cond3A : i32
      scf.if %cond3A_48 {
        %jit3A_115 = arith.constant 4 : i32
        %div3A = arith.divsi %scan3A_36, %jit3A_115 : i32
        %sign3A = arith.constant 0 : i32
        %sign3A_116 = arith.cmpi sgt, %scan3A_36, %sign3A : i32
        %sign3A_117 = arith.extui %sign3A_116 : i1 to i32
        %sign3A_118 = arith.constant 0 : i32
        %sign3A_119 = arith.cmpi slt, %scan3A_36, %sign3A_118 : i32
        %sign3A_120 = arith.extui %sign3A_119 : i1 to i32
        %sign3A_121 = arith.subi %sign3A_117, %sign3A_120 : i32
        %sign3A_122 = arith.constant 0 : i32
        %sign3A_123 = arith.cmpi sgt, %jit3A_115, %sign3A_122 : i32
        %sign3A_124 = arith.extui %sign3A_123 : i1 to i32
        %sign3A_125 = arith.constant 0 : i32
        %sign3A_126 = arith.cmpi slt, %jit3A_115, %sign3A_125 : i32
        %sign3A_127 = arith.extui %sign3A_126 : i1 to i32
        %sign3A_128 = arith.subi %sign3A_124, %sign3A_127 : i32
        %ne3A_129 = arith.cmpi ne, %sign3A_121, %sign3A_128 : i32
        %rem3A_130 = arith.remsi %scan3A_36, %jit3A_115 : i32
        %ne3A_131 = arith.constant 0 : i32
        %ne3A_132 = arith.cmpi ne, %rem3A_130, %ne3A_131 : i32
        %and3A_133 = arith.andi %ne3A_129, %ne3A_132 : i1
        %sub3A = arith.constant 1 : i32
        %sub3A_134 = arith.subi %div3A, %sub3A : i32
        %select_n3A_135 = arith.select %and3A_133, %sub3A_134, %div3A : i32
        %mul3A_136 = arith.constant 8 : i32
        %mul3A_137 = arith.muli %select_n3A_135, %mul3A_136 : i32
        "tpu.region"() ({
          %run_scoped3A = tpu.sem_alloc : memref<!tpu.dma_semaphore, #tpu.memory_space<semaphore_mem>>
          %dma_start3A_140 = arith.constant 0 : i32
          %dma_start3A_141 = tpu.memref_slice %arg3[%arg1, %mul3A_137, %dma_start3A_140] : memref<16x160x128xi32, #tpu.memory_space<hbm>> -> memref<1x8x128xi32, #tpu.memory_space<hbm>>
          %dma_start3A_142 = tpu.memref_squeeze %dma_start3A_141 : memref<1x8x128xi32, #tpu.memory_space<hbm>> -> memref<8x128xi32, #tpu.memory_space<hbm>>
          %dma_start3A_143 = arith.constant 0 : i32
          %dma_start3A_144 = tpu.memref_slice %arg3[%arg1, %mul3A_137, %dma_start3A_143] : memref<16x160x128xi32, #tpu.memory_space<hbm>> -> memref<1x8x128xi32, #tpu.memory_space<hbm>>
          %dma_start3A_145 = tpu.memref_squeeze %dma_start3A_144 : memref<1x8x128xi32, #tpu.memory_space<hbm>> -> memref<8x128xi32, #tpu.memory_space<hbm>>
          tpu.enqueue_dma source(%dma_start3A_145 : memref<8x128xi32, #tpu.memory_space<hbm>>) target(%arg7 : memref<8x128xi32, #tpu.memory_space<vmem>>) target_semaphore(%run_scoped3A : memref<!tpu.dma_semaphore, #tpu.memory_space<semaphore_mem>>)
          %dma_wait3A_146 = arith.constant 0 : i32
          %dma_wait3A_147 = tpu.memref_slice %arg3[%arg1, %mul3A_137, %dma_wait3A_146] : memref<16x160x128xi32, #tpu.memory_space<hbm>> -> memref<1x8x128xi32, #tpu.memory_space<hbm>>
          %dma_wait3A_148 = tpu.memref_squeeze %dma_wait3A_147 : memref<1x8x128xi32, #tpu.memory_space<hbm>> -> memref<8x128xi32, #tpu.memory_space<hbm>>
          %dma_wait3A_149 = arith.constant 0 : i32
          %dma_wait3A_150 = tpu.memref_slice %arg3[%arg1, %mul3A_137, %dma_wait3A_149] : memref<16x160x128xi32, #tpu.memory_space<hbm>> -> memref<1x8x128xi32, #tpu.memory_space<hbm>>
          %dma_wait3A_151 = tpu.memref_squeeze %dma_wait3A_150 : memref<1x8x128xi32, #tpu.memory_space<hbm>> -> memref<8x128xi32, #tpu.memory_space<hbm>>
          tpu.wait_dma2 semaphore(%run_scoped3A : memref<!tpu.dma_semaphore, #tpu.memory_space<semaphore_mem>>) src(%dma_wait3A_151 : memref<8x128xi32, #tpu.memory_space<hbm>>) dst(%arg7 : memref<8x128xi32, #tpu.memory_space<vmem>>)
          tpu.yield
        }) : () -> ()
        %mul3A_138 = arith.constant 8 : i32
        %mul3A_139 = arith.muli %select_n3A_135, %mul3A_138 : i32
        "tpu.region"() ({
          %run_scoped3A = tpu.sem_alloc : memref<!tpu.dma_semaphore, #tpu.memory_space<semaphore_mem>>
          %dma_start3A_140 = arith.constant 0 : i32
          %dma_start3A_141 = tpu.memref_slice %arg4[%arg0, %arg1, %mul3A_139, %dma_start3A_140] : memref<2x16x160x128xi32, #tpu.memory_space<hbm>> -> memref<1x1x8x128xi32, #tpu.memory_space<hbm>>
          %dma_start3A_142 = tpu.memref_squeeze %dma_start3A_141 : memref<1x1x8x128xi32, #tpu.memory_space<hbm>> -> memref<8x128xi32, #tpu.memory_space<hbm>>
          %dma_start3A_143 = arith.constant 0 : i32
          %dma_start3A_144 = tpu.memref_slice %arg4[%arg0, %arg1, %mul3A_139, %dma_start3A_143] : memref<2x16x160x128xi32, #tpu.memory_space<hbm>> -> memref<1x1x8x128xi32, #tpu.memory_space<hbm>>
          %dma_start3A_145 = tpu.memref_squeeze %dma_start3A_144 : memref<1x1x8x128xi32, #tpu.memory_space<hbm>> -> memref<8x128xi32, #tpu.memory_space<hbm>>
          tpu.enqueue_dma source(%dma_start3A_145 : memref<8x128xi32, #tpu.memory_space<hbm>>) target(%arg8 : memref<8x128xi32, #tpu.memory_space<vmem>>) target_semaphore(%run_scoped3A : memref<!tpu.dma_semaphore, #tpu.memory_space<semaphore_mem>>)
          %dma_wait3A_146 = arith.constant 0 : i32
          %dma_wait3A_147 = tpu.memref_slice %arg4[%arg0, %arg1, %mul3A_139, %dma_wait3A_146] : memref<2x16x160x128xi32, #tpu.memory_space<hbm>> -> memref<1x1x8x128xi32, #tpu.memory_space<hbm>>
          %dma_wait3A_148 = tpu.memref_squeeze %dma_wait3A_147 : memref<1x1x8x128xi32, #tpu.memory_space<hbm>> -> memref<8x128xi32, #tpu.memory_space<hbm>>
          %dma_wait3A_149 = arith.constant 0 : i32
          %dma_wait3A_150 = tpu.memref_slice %arg4[%arg0, %arg1, %mul3A_139, %dma_wait3A_149] : memref<2x16x160x128xi32, #tpu.memory_space<hbm>> -> memref<1x1x8x128xi32, #tpu.memory_space<hbm>>
          %dma_wait3A_151 = tpu.memref_squeeze %dma_wait3A_150 : memref<1x1x8x128xi32, #tpu.memory_space<hbm>> -> memref<8x128xi32, #tpu.memory_space<hbm>>
          tpu.wait_dma2 semaphore(%run_scoped3A : memref<!tpu.dma_semaphore, #tpu.memory_space<semaphore_mem>>) src(%dma_wait3A_151 : memref<8x128xi32, #tpu.memory_space<hbm>>) dst(%arg8 : memref<8x128xi32, #tpu.memory_space<vmem>>)
          tpu.yield
        }) : () -> ()
      } else {
      }
      %jit3A_49 = arith.constant 4 : i32
      %eq3A_50 = arith.constant 0 : i32
      %eq3A_51 = arith.cmpi eq, %jit3A_49, %eq3A_50 : i32
      %jit3A_52 = arith.constant 1 : i32
      %select_n3A_53 = arith.select %eq3A_51, %jit3A_52, %jit3A_49 : i32
      %rem3A_54 = arith.remsi %scan3A_36, %select_n3A_53 : i32
      %ne3A_55 = arith.constant 0 : i32
      %ne3A_56 = arith.cmpi ne, %rem3A_54, %ne3A_55 : i32
      %lt3A_57 = arith.constant 0 : i32
      %lt3A_58 = arith.cmpi slt, %rem3A_54, %lt3A_57 : i32
      %lt3A_59 = arith.constant 0 : i32
      %lt3A_60 = arith.cmpi slt, %select_n3A_53, %lt3A_59 : i32
      %ne3A_61 = arith.xori %lt3A_58, %lt3A_60 : i1
      %and3A_62 = arith.andi %ne3A_61, %ne3A_56 : i1
      %add3A_63 = arith.addi %rem3A_54, %select_n3A_53 : i32
      %select_n3A_64 = arith.select %and3A_62, %add3A_63, %rem3A_54 : i32
      %mul3A_65 = arith.constant 2 : i32
      %mul3A_66 = arith.muli %mul3A_65, %select_n3A_64 : i32
      %gt3A = arith.constant 0 : i32
      %gt3A_67 = arith.cmpi sgt, %scan3A_36, %gt3A : i32
      %convert_element_type3A_68 = arith.extui %gt3A_67 : i1 to i32
      %cond3A_69 = arith.constant 0 : i32
      %cond3A_70 = arith.cmpi ne, %convert_element_type3A_68, %cond3A_69 : i32
      scf.if %cond3A_70 {
        %dma_wait3A_115 = arith.constant 0 : i32
        %dma_wait3A_116 = arith.constant 0 : i32
        %dma_wait3A_117 = tpu.memref_slice %arg2[%dma_wait3A_115, %dma_wait3A_116] : memref<10112x128xf32, #tpu.memory_space<hbm>> -> memref<128x128xf32, #tpu.memory_space<hbm>>
        %dma_wait3A_118 = arith.constant 0 : i32
        %dma_wait3A_119 = arith.constant 0 : i32
        %dma_wait3A_120 = tpu.memref_slice %arg2[%dma_wait3A_118, %dma_wait3A_119] : memref<10112x128xf32, #tpu.memory_space<hbm>> -> memref<128x128xf32, #tpu.memory_space<hbm>>
        tpu.wait_dma2 semaphore(%arg13 : memref<!tpu.dma_semaphore, #tpu.memory_space<semaphore_mem>>) src(%dma_wait3A_120 : memref<128x128xf32, #tpu.memory_space<hbm>>) dst(%arg9 : memref<128x128xf32, #tpu.memory_space<vmem>>)
      } else {
      }
      %dma_start3A = arith.constant 0 : i32
      %dma_start3A_71 = tpu.memref_slice %arg7[%mul3A_66, %dma_start3A] : memref<8x128xi32, #tpu.memory_space<vmem>> -> memref<1x128xi32, #tpu.memory_space<vmem>>
      %dma_start3A_72 = tpu.memref_squeeze %dma_start3A_71 : memref<1x128xi32, #tpu.memory_space<vmem>> -> memref<128xi32, #tpu.memory_space<vmem>>
      %dma_start3A_73 = arith.constant 0 : i32
      %dma_start3A_74 = arith.constant 0 : i32
      %dma_start3A_75 = tpu.memref_slice %arg2[%dma_start3A_73, %dma_start3A_74] : memref<10112x128xf32, #tpu.memory_space<hbm>> -> memref<10112x128xf32, #tpu.memory_space<hbm>>
      tpu.enqueue_indirect_dma source(%dma_start3A_75 : memref<10112x128xf32, #tpu.memory_space<hbm>>) target(%arg9 : memref<128x128xf32, #tpu.memory_space<vmem>>) offsets(%dma_start3A_72 : memref<128xi32, #tpu.memory_space<vmem>>) semaphore(%arg11 : memref<!tpu.dma_semaphore, #tpu.memory_space<semaphore_mem>>)
      %gt3A_76 = arith.constant 0 : i32
      %gt3A_77 = arith.cmpi sgt, %scan3A_36, %gt3A_76 : i32
      %convert_element_type3A_78 = arith.extui %gt3A_77 : i1 to i32
      %cond3A_79 = arith.constant 0 : i32
      %cond3A_80 = arith.cmpi ne, %convert_element_type3A_78, %cond3A_79 : i32
      scf.if %cond3A_80 {
        %dma_wait3A_115 = arith.constant 0 : i32
        %dma_wait3A_116 = arith.constant 0 : i32
        %dma_wait3A_117 = tpu.memref_slice %arg2[%dma_wait3A_115, %dma_wait3A_116] : memref<10112x128xf32, #tpu.memory_space<hbm>> -> memref<128x128xf32, #tpu.memory_space<hbm>>
        %dma_wait3A_118 = arith.constant 0 : i32
        %dma_wait3A_119 = arith.constant 0 : i32
        %dma_wait3A_120 = tpu.memref_slice %arg2[%dma_wait3A_118, %dma_wait3A_119] : memref<10112x128xf32, #tpu.memory_space<hbm>> -> memref<128x128xf32, #tpu.memory_space<hbm>>
        tpu.wait_dma2 semaphore(%arg14 : memref<!tpu.dma_semaphore, #tpu.memory_space<semaphore_mem>>) src(%dma_wait3A_120 : memref<128x128xf32, #tpu.memory_space<hbm>>) dst(%arg10 : memref<128x128xf32, #tpu.memory_space<vmem>>)
      } else {
      }
      %add3A_81 = arith.constant 1 : i32
      %add3A_82 = arith.addi %mul3A_66, %add3A_81 : i32
      %dma_start3A_83 = arith.constant 0 : i32
      %dma_start3A_84 = tpu.memref_slice %arg7[%add3A_82, %dma_start3A_83] : memref<8x128xi32, #tpu.memory_space<vmem>> -> memref<1x128xi32, #tpu.memory_space<vmem>>
      %dma_start3A_85 = tpu.memref_squeeze %dma_start3A_84 : memref<1x128xi32, #tpu.memory_space<vmem>> -> memref<128xi32, #tpu.memory_space<vmem>>
      %dma_start3A_86 = arith.constant 0 : i32
      %dma_start3A_87 = arith.constant 0 : i32
      %dma_start3A_88 = tpu.memref_slice %arg2[%dma_start3A_86, %dma_start3A_87] : memref<10112x128xf32, #tpu.memory_space<hbm>> -> memref<10112x128xf32, #tpu.memory_space<hbm>>
      tpu.enqueue_indirect_dma source(%dma_start3A_88 : memref<10112x128xf32, #tpu.memory_space<hbm>>) target(%arg10 : memref<128x128xf32, #tpu.memory_space<vmem>>) offsets(%dma_start3A_85 : memref<128xi32, #tpu.memory_space<vmem>>) semaphore(%arg12 : memref<!tpu.dma_semaphore, #tpu.memory_space<semaphore_mem>>)
      %dma_wait3A_89 = arith.constant 0 : i32
      %dma_wait3A_90 = tpu.memref_slice %arg7[%mul3A_66, %dma_wait3A_89] : memref<8x128xi32, #tpu.memory_space<vmem>> -> memref<1x128xi32, #tpu.memory_space<vmem>>
      %dma_wait3A_91 = tpu.memref_squeeze %dma_wait3A_90 : memref<1x128xi32, #tpu.memory_space<vmem>> -> memref<128xi32, #tpu.memory_space<vmem>>
      %dma_wait3A_92 = arith.constant 0 : i32
      %dma_wait3A_93 = arith.constant 0 : i32
      %dma_wait3A_94 = tpu.memref_slice %arg2[%dma_wait3A_92, %dma_wait3A_93] : memref<10112x128xf32, #tpu.memory_space<hbm>> -> memref<10112x128xf32, #tpu.memory_space<hbm>>
      tpu.wait_indirect_dma semaphore(%arg11 : memref<!tpu.dma_semaphore, #tpu.memory_space<semaphore_mem>>) src(%dma_wait3A_94 : memref<10112x128xf32, #tpu.memory_space<hbm>>) dst(%arg9 : memref<128x128xf32, #tpu.memory_space<vmem>>)
      %dma_start3A_95 = arith.constant 0 : i32
      %dma_start3A_96 = tpu.memref_slice %arg8[%mul3A_66, %dma_start3A_95] : memref<8x128xi32, #tpu.memory_space<vmem>> -> memref<1x128xi32, #tpu.memory_space<vmem>>
      %dma_start3A_97 = tpu.memref_squeeze %dma_start3A_96 : memref<1x128xi32, #tpu.memory_space<vmem>> -> memref<128xi32, #tpu.memory_space<vmem>>
      %dma_start3A_98 = arith.constant 0 : i32
      %dma_start3A_99 = arith.constant 0 : i32
      %dma_start3A_100 = tpu.memref_slice %arg6[%dma_start3A_98, %dma_start3A_99] : memref<5120x128xf32, #tpu.memory_space<vmem_shared>> -> memref<5120x128xf32, #tpu.memory_space<vmem_shared>>
      tpu.enqueue_indirect_dma source(%arg9 : memref<128x128xf32, #tpu.memory_space<vmem>>) target(%dma_start3A_100 : memref<5120x128xf32, #tpu.memory_space<vmem_shared>>) offsets(%dma_start3A_97 : memref<128xi32, #tpu.memory_space<vmem>>) semaphore(%arg13 : memref<!tpu.dma_semaphore, #tpu.memory_space<semaphore_mem>>) {add = true}
      %dma_wait3A_101 = arith.constant 0 : i32
      %dma_wait3A_102 = tpu.memref_slice %arg7[%add3A_82, %dma_wait3A_101] : memref<8x128xi32, #tpu.memory_space<vmem>> -> memref<1x128xi32, #tpu.memory_space<vmem>>
      %dma_wait3A_103 = tpu.memref_squeeze %dma_wait3A_102 : memref<1x128xi32, #tpu.memory_space<vmem>> -> memref<128xi32, #tpu.memory_space<vmem>>
      %dma_wait3A_104 = arith.constant 0 : i32
      %dma_wait3A_105 = arith.constant 0 : i32
      %dma_wait3A_106 = tpu.memref_slice %arg2[%dma_wait3A_104, %dma_wait3A_105] : memref<10112x128xf32, #tpu.memory_space<hbm>> -> memref<10112x128xf32, #tpu.memory_space<hbm>>
      tpu.wait_indirect_dma semaphore(%arg12 : memref<!tpu.dma_semaphore, #tpu.memory_space<semaphore_mem>>) src(%dma_wait3A_106 : memref<10112x128xf32, #tpu.memory_space<hbm>>) dst(%arg10 : memref<128x128xf32, #tpu.memory_space<vmem>>)
      %add3A_107 = arith.constant 1 : i32
      %add3A_108 = arith.addi %mul3A_66, %add3A_107 : i32
      %dma_start3A_109 = arith.constant 0 : i32
      %dma_start3A_110 = tpu.memref_slice %arg8[%add3A_108, %dma_start3A_109] : memref<8x128xi32, #tpu.memory_space<vmem>> -> memref<1x128xi32, #tpu.memory_space<vmem>>
      %dma_start3A_111 = tpu.memref_squeeze %dma_start3A_110 : memref<1x128xi32, #tpu.memory_space<vmem>> -> memref<128xi32, #tpu.memory_space<vmem>>
      %dma_start3A_112 = arith.constant 0 : i32
      %dma_start3A_113 = arith.constant 0 : i32
      %dma_start3A_114 = tpu.memref_slice %arg6[%dma_start3A_112, %dma_start3A_113] : memref<5120x128xf32, #tpu.memory_space<vmem_shared>> -> memref<5120x128xf32, #tpu.memory_space<vmem_shared>>
      tpu.enqueue_indirect_dma source(%arg10 : memref<128x128xf32, #tpu.memory_space<vmem>>) target(%dma_start3A_114 : memref<5120x128xf32, #tpu.memory_space<vmem_shared>>) offsets(%dma_start3A_111 : memref<128xi32, #tpu.memory_space<vmem>>) semaphore(%arg14 : memref<!tpu.dma_semaphore, #tpu.memory_space<semaphore_mem>>) {add = true}
    }
    %scan3A_19 = arith.constant 80 : i32
    %dma_wait3A = arith.constant 0 : i32
    %dma_wait3A_20 = arith.constant 0 : i32
    %dma_wait3A_21 = tpu.memref_slice %arg2[%dma_wait3A, %dma_wait3A_20] : memref<10112x128xf32, #tpu.memory_space<hbm>> -> memref<128x128xf32, #tpu.memory_space<hbm>>
    %dma_wait3A_22 = arith.constant 0 : i32
    %dma_wait3A_23 = arith.constant 0 : i32
    %dma_wait3A_24 = tpu.memref_slice %arg2[%dma_wait3A_22, %dma_wait3A_23] : memref<10112x128xf32, #tpu.memory_space<hbm>> -> memref<128x128xf32, #tpu.memory_space<hbm>>
    tpu.wait_dma2 semaphore(%arg13 : memref<!tpu.dma_semaphore, #tpu.memory_space<semaphore_mem>>) src(%dma_wait3A_24 : memref<128x128xf32, #tpu.memory_space<hbm>>) dst(%arg9 : memref<128x128xf32, #tpu.memory_space<vmem>>)
    %dma_wait3A_25 = arith.constant 0 : i32
    %dma_wait3A_26 = arith.constant 0 : i32
    %dma_wait3A_27 = tpu.memref_slice %arg2[%dma_wait3A_25, %dma_wait3A_26] : memref<10112x128xf32, #tpu.memory_space<hbm>> -> memref<128x128xf32, #tpu.memory_space<hbm>>
    %dma_wait3A_28 = arith.constant 0 : i32
    %dma_wait3A_29 = arith.constant 0 : i32
    %dma_wait3A_30 = tpu.memref_slice %arg2[%dma_wait3A_28, %dma_wait3A_29] : memref<10112x128xf32, #tpu.memory_space<hbm>> -> memref<128x128xf32, #tpu.memory_space<hbm>>
    tpu.wait_dma2 semaphore(%arg14 : memref<!tpu.dma_semaphore, #tpu.memory_space<semaphore_mem>>) src(%dma_wait3A_30 : memref<128x128xf32, #tpu.memory_space<hbm>>) dst(%arg10 : memref<128x128xf32, #tpu.memory_space<vmem>>)
    %barrier3A_31 = arith.constant 0 : index
    tpu.barrier barrier_id(%barrier3A_31)
    %mul3A_32 = arith.constant 320 : i32
    %mul3A_33 = arith.muli %arg1, %mul3A_32 : i32
    %mul3A_34 = arith.constant 320 : i32
    %mul3A_35 = arith.muli %arg1, %mul3A_34 : i32
    "tpu.region"() ({
      %run_scoped3A = tpu.sem_alloc : memref<!tpu.dma_semaphore, #tpu.memory_space<semaphore_mem>>
      %dma_start3A = arith.constant 0 : i32
      %dma_start3A_36 = tpu.memref_slice %arg5[%arg0, %mul3A_35, %dma_start3A] : memref<2x5120x128xf32, #tpu.memory_space<hbm>> -> memref<1x320x128xf32, #tpu.memory_space<hbm>>
      %dma_start3A_37 = tpu.memref_squeeze %dma_start3A_36 : memref<1x320x128xf32, #tpu.memory_space<hbm>> -> memref<320x128xf32, #tpu.memory_space<hbm>>
      %dma_start3A_38 = arith.constant 0 : i32
      %dma_start3A_39 = tpu.memref_slice %arg6[%mul3A_33, %dma_start3A_38] : memref<5120x128xf32, #tpu.memory_space<vmem_shared>> -> memref<320x128xf32, #tpu.memory_space<vmem_shared>>
      tpu.enqueue_dma source(%dma_start3A_39 : memref<320x128xf32, #tpu.memory_space<vmem_shared>>) target(%dma_start3A_37 : memref<320x128xf32, #tpu.memory_space<hbm>>) target_semaphore(%run_scoped3A : memref<!tpu.dma_semaphore, #tpu.memory_space<semaphore_mem>>)
      %dma_wait3A_40 = arith.constant 0 : i32
      %dma_wait3A_41 = tpu.memref_slice %arg5[%arg0, %mul3A_35, %dma_wait3A_40] : memref<2x5120x128xf32, #tpu.memory_space<hbm>> -> memref<1x320x128xf32, #tpu.memory_space<hbm>>
      %dma_wait3A_42 = tpu.memref_squeeze %dma_wait3A_41 : memref<1x320x128xf32, #tpu.memory_space<hbm>> -> memref<320x128xf32, #tpu.memory_space<hbm>>
      %dma_wait3A_43 = arith.constant 0 : i32
      %dma_wait3A_44 = tpu.memref_slice %arg6[%mul3A_33, %dma_wait3A_43] : memref<5120x128xf32, #tpu.memory_space<vmem_shared>> -> memref<320x128xf32, #tpu.memory_space<vmem_shared>>
      tpu.wait_dma2 semaphore(%run_scoped3A : memref<!tpu.dma_semaphore, #tpu.memory_space<semaphore_mem>>) src(%dma_wait3A_44 : memref<320x128xf32, #tpu.memory_space<vmem_shared>>) dst(%dma_wait3A_42 : memref<320x128xf32, #tpu.memory_space<hbm>>)
      tpu.yield
    }) : () -> ()
    return
  }
}

#map = affine_map<(d0, d1) -> (0, 0)>
#map1 = affine_map<(d0, d1) -> (0, 0, 0)>
#map2 = affine_map<(d0, d1) -> (0, 0, 0, 0)>
module attributes {stable_mosaic.version = 14 : i64} {
  func.func @agg(%arg0: i32, %arg1: i32, %arg2: memref<10112x128xf32, #tpu.memory_space<hbm>>, %arg3: memref<16x160x128xi32, #tpu.memory_space<hbm>>, %arg4: memref<2x16x160x128xi32, #tpu.memory_space<hbm>>, %arg5: memref<2x5120x128xf32, #tpu.memory_space<hbm>>, %arg6: memref<5120x128xf32, #tpu.memory_space<vmem_shared>>, %arg7: memref<8x128xi32, #tpu.memory_space<vmem>>, %arg8: memref<8x128xi32, #tpu.memory_space<vmem>>, %arg9: memref<128x128xf32, #tpu.memory_space<vmem>>, %arg10: memref<128x128xf32, #tpu.memory_space<vmem>>, %arg11: memref<!tpu.dma_semaphore, #tpu.memory_space<semaphore_mem>>, %arg12: memref<!tpu.dma_semaphore, #tpu.memory_space<semaphore_mem>>, %arg13: memref<!tpu.dma_semaphore, #tpu.memory_space<semaphore_mem>>, %arg14: memref<!tpu.dma_semaphore, #tpu.memory_space<semaphore_mem>>) attributes {dimension_semantics = [#tpu.dimension_semantics<core_parallel>, #tpu.dimension_semantics<subcore_parallel>], iteration_bounds = array<i64: 2, 16>, scalar_prefetch = 0 : i64, scratch_operands = 9 : i64, tpu.core_type = #tpu.core_type<sc_vector_subcore>, window_params = [{transform_indices = #map}, {transform_indices = #map1}, {transform_indices = #map2}, {transform_indices = #map1}]} {
    %broadcast_in_dim3A = arith.constant 0.000000e+00 : f32
    %broadcast_in_dim3A_0 = vector.broadcast %broadcast_in_dim3A : f32 to vector<16xf32>
    %scan3A = arith.constant 0 : i32
    %scan3A_1 = arith.constant 0 : i32
    %scan3A_2 = arith.constant 128 : i32
    %scan3A_3 = arith.addi %scan3A_1, %scan3A_2 : i32
    %scan3A_4 = arith.constant 1 : i32
    scf.for %scan3A_36 = %scan3A_1 to %scan3A_3 step %scan3A_4  : i32 {
      %swap3A = arith.index_cast %scan3A_36 : i32 to index
      %swap3A_37 = arith.constant 0 : index
      %swap3A_38 = tpu.vector_load %arg9[%swap3A, %swap3A_37] {strides = array<i32>} : memref<128x128xf32, #tpu.memory_space<vmem>>, vector<1x16xf32>,
      %swap3A_39 = vector.shape_cast %swap3A_38 : vector<1x16xf32> to vector<16xf32>
      %swap3A_40 = vector.shape_cast %broadcast_in_dim3A_0 : vector<16xf32> to vector<1x16xf32>
      tpu.vector_store %arg9[%swap3A, %swap3A_37], %swap3A_40 {strides = array<i32>} : memref<128x128xf32, #tpu.memory_space<vmem>>, vector<1x16xf32>,
      %swap3A_41 = arith.index_cast %scan3A_36 : i32 to index
      %swap3A_42 = arith.constant 16 : index
      %swap3A_43 = tpu.vector_load %arg9[%swap3A_41, %swap3A_42] {strides = array<i32>} : memref<128x128xf32, #tpu.memory_space<vmem>>, vector<1x16xf32>,
      %swap3A_44 = vector.shape_cast %swap3A_43 : vector<1x16xf32> to vector<16xf32>
      %swap3A_45 = vector.shape_cast %broadcast_in_dim3A_0 : vector<16xf32> to vector<1x16xf32>
      tpu.vector_store %arg9[%swap3A_41, %swap3A_42], %swap3A_45 {strides = array<i32>} : memref<128x128xf32, #tpu.memory_space<vmem>>, vector<1x16xf32>,
      %swap3A_46 = arith.index_cast %scan3A_36 : i32 to index
      %swap3A_47 = arith.constant 32 : index
      %swap3A_48 = tpu.vector_load %arg9[%swap3A_46, %swap3A_47] {strides = array<i32>} : memref<128x128xf32, #tpu.memory_space<vmem>>, vector<1x16xf32>,
      %swap3A_49 = vector.shape_cast %swap3A_48 : vector<1x16xf32> to vector<16xf32>
      %swap3A_50 = vector.shape_cast %broadcast_in_dim3A_0 : vector<16xf32> to vector<1x16xf32>
      tpu.vector_store %arg9[%swap3A_46, %swap3A_47], %swap3A_50 {strides = array<i32>} : memref<128x128xf32, #tpu.memory_space<vmem>>, vector<1x16xf32>,
      %swap3A_51 = arith.index_cast %scan3A_36 : i32 to index
      %swap3A_52 = arith.constant 48 : index
      %swap3A_53 = tpu.vector_load %arg9[%swap3A_51, %swap3A_52] {strides = array<i32>} : memref<128x128xf32, #tpu.memory_space<vmem>>, vector<1x16xf32>,
      %swap3A_54 = vector.shape_cast %swap3A_53 : vector<1x16xf32> to vector<16xf32>
      %swap3A_55 = vector.shape_cast %broadcast_in_dim3A_0 : vector<16xf32> to vector<1x16xf32>
      tpu.vector_store %arg9[%swap3A_51, %swap3A_52], %swap3A_55 {strides = array<i32>} : memref<128x128xf32, #tpu.memory_space<vmem>>, vector<1x16xf32>,
      %swap3A_56 = arith.index_cast %scan3A_36 : i32 to index
      %swap3A_57 = arith.constant 64 : index
      %swap3A_58 = tpu.vector_load %arg9[%swap3A_56, %swap3A_57] {strides = array<i32>} : memref<128x128xf32, #tpu.memory_space<vmem>>, vector<1x16xf32>,
      %swap3A_59 = vector.shape_cast %swap3A_58 : vector<1x16xf32> to vector<16xf32>
      %swap3A_60 = vector.shape_cast %broadcast_in_dim3A_0 : vector<16xf32> to vector<1x16xf32>
      tpu.vector_store %arg9[%swap3A_56, %swap3A_57], %swap3A_60 {strides = array<i32>} : memref<128x128xf32, #tpu.memory_space<vmem>>, vector<1x16xf32>,
      %swap3A_61 = arith.index_cast %scan3A_36 : i32 to index
      %swap3A_62 = arith.constant 80 : index
      %swap3A_63 = tpu.vector_load %arg9[%swap3A_61, %swap3A_62] {strides = array<i32>} : memref<128x128xf32, #tpu.memory_space<vmem>>, vector<1x16xf32>,
      %swap3A_64 = vector.shape_cast %swap3A_63 : vector<1x16xf32> to vector<16xf32>
      %swap3A_65 = vector.shape_cast %broadcast_in_dim3A_0 : vector<16xf32> to vector<1x16xf32>
      tpu.vector_store %arg9[%swap3A_61, %swap3A_62], %swap3A_65 {strides = array<i32>} : memref<128x128xf32, #tpu.memory_space<vmem>>, vector<1x16xf32>,
      %swap3A_66 = arith.index_cast %scan3A_36 : i32 to index
      %swap3A_67 = arith.constant 96 : index
      %swap3A_68 = tpu.vector_load %arg9[%swap3A_66, %swap3A_67] {strides = array<i32>} : memref<128x128xf32, #tpu.memory_space<vmem>>, vector<1x16xf32>,
      %swap3A_69 = vector.shape_cast %swap3A_68 : vector<1x16xf32> to vector<16xf32>
      %swap3A_70 = vector.shape_cast %broadcast_in_dim3A_0 : vector<16xf32> to vector<1x16xf32>
      tpu.vector_store %arg9[%swap3A_66, %swap3A_67], %swap3A_70 {strides = array<i32>} : memref<128x128xf32, #tpu.memory_space<vmem>>, vector<1x16xf32>,
      %swap3A_71 = arith.index_cast %scan3A_36 : i32 to index
      %swap3A_72 = arith.constant 112 : index
      %swap3A_73 = tpu.vector_load %arg9[%swap3A_71, %swap3A_72] {strides = array<i32>} : memref<128x128xf32, #tpu.memory_space<vmem>>, vector<1x16xf32>,
      %swap3A_74 = vector.shape_cast %swap3A_73 : vector<1x16xf32> to vector<16xf32>
      %swap3A_75 = vector.shape_cast %broadcast_in_dim3A_0 : vector<16xf32> to vector<1x16xf32>
      tpu.vector_store %arg9[%swap3A_71, %swap3A_72], %swap3A_75 {strides = array<i32>} : memref<128x128xf32, #tpu.memory_space<vmem>>, vector<1x16xf32>,
    }
    %scan3A_5 = arith.constant 128 : i32
    %mul3A = arith.constant 320 : i32
    %mul3A_6 = arith.muli %arg1, %mul3A : i32
    "tpu.region"() ({
      %run_scoped3A = tpu.sem_alloc : memref<!tpu.dma_semaphore, #tpu.memory_space<semaphore_mem>>
      %dma_start3A = arith.constant 0 : i32
      %dma_start3A_36 = tpu.memref_slice %arg6[%mul3A_6, %dma_start3A] : memref<5120x128xf32, #tpu.memory_space<vmem_shared>> -> memref<128x128xf32, #tpu.memory_space<vmem_shared>>
      %dma_start3A_37 = arith.constant 0 : i32
      %dma_start3A_38 = tpu.memref_slice %arg6[%mul3A_6, %dma_start3A_37] : memref<5120x128xf32, #tpu.memory_space<vmem_shared>> -> memref<128x128xf32, #tpu.memory_space<vmem_shared>>
      tpu.enqueue_dma source(%arg9 : memref<128x128xf32, #tpu.memory_space<vmem>>) target(%dma_start3A_38 : memref<128x128xf32, #tpu.memory_space<vmem_shared>>) target_semaphore(%run_scoped3A : memref<!tpu.dma_semaphore, #tpu.memory_space<semaphore_mem>>)
      %dma_wait3A_39 = arith.constant 0 : i32
      %dma_wait3A_40 = tpu.memref_slice %arg6[%mul3A_6, %dma_wait3A_39] : memref<5120x128xf32, #tpu.memory_space<vmem_shared>> -> memref<128x128xf32, #tpu.memory_space<vmem_shared>>
      %dma_wait3A_41 = arith.constant 0 : i32
      %dma_wait3A_42 = tpu.memref_slice %arg6[%mul3A_6, %dma_wait3A_41] : memref<5120x128xf32, #tpu.memory_space<vmem_shared>> -> memref<128x128xf32, #tpu.memory_space<vmem_shared>>
      tpu.wait_dma2 semaphore(%run_scoped3A : memref<!tpu.dma_semaphore, #tpu.memory_space<semaphore_mem>>) src(%arg9 : memref<128x128xf32, #tpu.memory_space<vmem>>) dst(%dma_wait3A_42 : memref<128x128xf32, #tpu.memory_space<vmem_shared>>)
      tpu.yield
    }) : () -> ()
    %mul3A_7 = arith.constant 320 : i32
    %mul3A_8 = arith.muli %arg1, %mul3A_7 : i32
    %add3A = arith.constant 128 : i32
    %add3A_9 = arith.addi %mul3A_8, %add3A : i32
    "tpu.region"() ({
      %run_scoped3A = tpu.sem_alloc : memref<!tpu.dma_semaphore, #tpu.memory_space<semaphore_mem>>
      %dma_start3A = arith.constant 0 : i32
      %dma_start3A_36 = tpu.memref_slice %arg6[%add3A_9, %dma_start3A] : memref<5120x128xf32, #tpu.memory_space<vmem_shared>> -> memref<128x128xf32, #tpu.memory_space<vmem_shared>>
      %dma_start3A_37 = arith.constant 0 : i32
      %dma_start3A_38 = tpu.memref_slice %arg6[%add3A_9, %dma_start3A_37] : memref<5120x128xf32, #tpu.memory_space<vmem_shared>> -> memref<128x128xf32, #tpu.memory_space<vmem_shared>>
      tpu.enqueue_dma source(%arg9 : memref<128x128xf32, #tpu.memory_space<vmem>>) target(%dma_start3A_38 : memref<128x128xf32, #tpu.memory_space<vmem_shared>>) target_semaphore(%run_scoped3A : memref<!tpu.dma_semaphore, #tpu.memory_space<semaphore_mem>>)
      %dma_wait3A_39 = arith.constant 0 : i32
      %dma_wait3A_40 = tpu.memref_slice %arg6[%add3A_9, %dma_wait3A_39] : memref<5120x128xf32, #tpu.memory_space<vmem_shared>> -> memref<128x128xf32, #tpu.memory_space<vmem_shared>>
      %dma_wait3A_41 = arith.constant 0 : i32
      %dma_wait3A_42 = tpu.memref_slice %arg6[%add3A_9, %dma_wait3A_41] : memref<5120x128xf32, #tpu.memory_space<vmem_shared>> -> memref<128x128xf32, #tpu.memory_space<vmem_shared>>
      tpu.wait_dma2 semaphore(%run_scoped3A : memref<!tpu.dma_semaphore, #tpu.memory_space<semaphore_mem>>) src(%arg9 : memref<128x128xf32, #tpu.memory_space<vmem>>) dst(%dma_wait3A_42 : memref<128x128xf32, #tpu.memory_space<vmem_shared>>)
      tpu.yield
    }) : () -> ()
    %mul3A_10 = arith.constant 320 : i32
    %mul3A_11 = arith.muli %arg1, %mul3A_10 : i32
    %add3A_12 = arith.constant 256 : i32
    %add3A_13 = arith.addi %mul3A_11, %add3A_12 : i32
    "tpu.region"() ({
      %run_scoped3A = tpu.sem_alloc : memref<!tpu.dma_semaphore, #tpu.memory_space<semaphore_mem>>
      %dma_start3A = arith.constant 0 : i32
      %dma_start3A_36 = arith.constant 0 : i32
      %dma_start3A_37 = tpu.memref_slice %arg9[%dma_start3A, %dma_start3A_36] : memref<128x128xf32, #tpu.memory_space<vmem>> -> memref<64x128xf32, #tpu.memory_space<vmem>>
      %dma_start3A_38 = arith.constant 0 : i32
      %dma_start3A_39 = tpu.memref_slice %arg6[%add3A_13, %dma_start3A_38] : memref<5120x128xf32, #tpu.memory_space<vmem_shared>> -> memref<64x128xf32, #tpu.memory_space<vmem_shared>>
      %dma_start3A_40 = arith.constant 0 : i32
      %dma_start3A_41 = tpu.memref_slice %arg6[%add3A_13, %dma_start3A_40] : memref<5120x128xf32, #tpu.memory_space<vmem_shared>> -> memref<64x128xf32, #tpu.memory_space<vmem_shared>>
      %dma_start3A_42 = arith.constant 0 : i32
      %dma_start3A_43 = arith.constant 0 : i32
      %dma_start3A_44 = tpu.memref_slice %arg9[%dma_start3A_42, %dma_start3A_43] : memref<128x128xf32, #tpu.memory_space<vmem>> -> memref<64x128xf32, #tpu.memory_space<vmem>>
      tpu.enqueue_dma source(%dma_start3A_44 : memref<64x128xf32, #tpu.memory_space<vmem>>) target(%dma_start3A_41 : memref<64x128xf32, #tpu.memory_space<vmem_shared>>) target_semaphore(%run_scoped3A : memref<!tpu.dma_semaphore, #tpu.memory_space<semaphore_mem>>)
      %dma_wait3A_45 = arith.constant 0 : i32
      %dma_wait3A_46 = arith.constant 0 : i32
      %dma_wait3A_47 = tpu.memref_slice %arg9[%dma_wait3A_45, %dma_wait3A_46] : memref<128x128xf32, #tpu.memory_space<vmem>> -> memref<64x128xf32, #tpu.memory_space<vmem>>
      %dma_wait3A_48 = arith.constant 0 : i32
      %dma_wait3A_49 = tpu.memref_slice %arg6[%add3A_13, %dma_wait3A_48] : memref<5120x128xf32, #tpu.memory_space<vmem_shared>> -> memref<64x128xf32, #tpu.memory_space<vmem_shared>>
      %dma_wait3A_50 = arith.constant 0 : i32
      %dma_wait3A_51 = tpu.memref_slice %arg6[%add3A_13, %dma_wait3A_50] : memref<5120x128xf32, #tpu.memory_space<vmem_shared>> -> memref<64x128xf32, #tpu.memory_space<vmem_shared>>
      %dma_wait3A_52 = arith.constant 0 : i32
      %dma_wait3A_53 = arith.constant 0 : i32
      %dma_wait3A_54 = tpu.memref_slice %arg9[%dma_wait3A_52, %dma_wait3A_53] : memref<128x128xf32, #tpu.memory_space<vmem>> -> memref<64x128xf32, #tpu.memory_space<vmem>>
      tpu.wait_dma2 semaphore(%run_scoped3A : memref<!tpu.dma_semaphore, #tpu.memory_space<semaphore_mem>>) src(%dma_wait3A_54 : memref<64x128xf32, #tpu.memory_space<vmem>>) dst(%dma_wait3A_51 : memref<64x128xf32, #tpu.memory_space<vmem_shared>>)
      tpu.yield
    }) : () -> ()
    %barrier3A = arith.constant 0 : index
    tpu.barrier barrier_id(%barrier3A)
    %scan3A_14 = arith.constant 0 : i32
    %scan3A_15 = arith.constant 0 : i32
    %scan3A_16 = arith.constant 80 : i32
    %scan3A_17 = arith.addi %scan3A_15, %scan3A_16 : i32
    %scan3A_18 = arith.constant 1 : i32
    scf.for %scan3A_36 = %scan3A_15 to %scan3A_17 step %scan3A_18  : i32 {
      %jit3A = arith.constant 4 : i32
      %eq3A = arith.constant 0 : i32
      %eq3A_37 = arith.cmpi eq, %jit3A, %eq3A : i32
      %jit3A_38 = arith.constant 1 : i32
      %select_n3A = arith.select %eq3A_37, %jit3A_38, %jit3A : i32
      %rem3A = arith.remsi %scan3A_36, %select_n3A : i32
      %ne3A = arith.constant 0 : i32
      %ne3A_39 = arith.cmpi ne, %rem3A, %ne3A : i32
      %lt3A = arith.constant 0 : i32
      %lt3A_40 = arith.cmpi slt, %rem3A, %lt3A : i32
      %lt3A_41 = arith.constant 0 : i32
      %lt3A_42 = arith.cmpi slt, %select_n3A, %lt3A_41 : i32
      %ne3A_43 = arith.xori %lt3A_40, %lt3A_42 : i1
      %and3A = arith.andi %ne3A_43, %ne3A_39 : i1
      %add3A_44 = arith.addi %rem3A, %select_n3A : i32
      %select_n3A_45 = arith.select %and3A, %add3A_44, %rem3A : i32
      %eq3A_46 = arith.constant 0 : i32
      %eq3A_47 = arith.cmpi eq, %select_n3A_45, %eq3A_46 : i32
      %convert_element_type3A = arith.extui %eq3A_47 : i1 to i32
      %cond3A = arith.constant 0 : i32
      %cond3A_48 = arith.cmpi ne, %convert_element_type3A, %cond3A : i32
      scf.if %cond3A_48 {
        %jit3A_115 = arith.constant 4 : i32
        %div3A = arith.divsi %scan3A_36, %jit3A_115 : i32
        %sign3A = arith.constant 0 : i32
        %sign3A_116 = arith.cmpi sgt, %scan3A_36, %sign3A : i32
        %sign3A_117 = arith.extui %sign3A_116 : i1 to i32
        %sign3A_118 = arith.constant 0 : i32
        %sign3A_119 = arith.cmpi slt, %scan3A_36, %sign3A_118 : i32
        %sign3A_120 = arith.extui %sign3A_119 : i1 to i32
        %sign3A_121 = arith.subi %sign3A_117, %sign3A_120 : i32
        %sign3A_122 = arith.constant 0 : i32
        %sign3A_123 = arith.cmpi sgt, %jit3A_115, %sign3A_122 : i32
        %sign3A_124 = arith.extui %sign3A_123 : i1 to i32
        %sign3A_125 = arith.constant 0 : i32
        %sign3A_126 = arith.cmpi slt, %jit3A_115, %sign3A_125 : i32
        %sign3A_127 = arith.extui %sign3A_126 : i1 to i32
        %sign3A_128 = arith.subi %sign3A_124, %sign3A_127 : i32
        %ne3A_129 = arith.cmpi ne, %sign3A_121, %sign3A_128 : i32
        %rem3A_130 = arith.remsi %scan3A_36, %jit3A_115 : i32
        %ne3A_131 = arith.constant 0 : i32
        %ne3A_132 = arith.cmpi ne, %rem3A_130, %ne3A_131 : i32
        %and3A_133 = arith.andi %ne3A_129, %ne3A_132 : i1
        %sub3A = arith.constant 1 : i32
        %sub3A_134 = arith.subi %div3A, %sub3A : i32
        %select_n3A_135 = arith.select %and3A_133, %sub3A_134, %div3A : i32
        %mul3A_136 = arith.constant 8 : i32
        %mul3A_137 = arith.muli %select_n3A_135, %mul3A_136 : i32
        "tpu.region"() ({
          %run_scoped3A = tpu.sem_alloc : memref<!tpu.dma_semaphore, #tpu.memory_space<semaphore_mem>>
          %dma_start3A_140 = arith.constant 0 : i32
          %dma_start3A_141 = tpu.memref_slice %arg3[%arg1, %mul3A_137, %dma_start3A_140] : memref<16x160x128xi32, #tpu.memory_space<hbm>> -> memref<1x8x128xi32, #tpu.memory_space<hbm>>
          %dma_start3A_142 = tpu.memref_squeeze %dma_start3A_141 : memref<1x8x128xi32, #tpu.memory_space<hbm>> -> memref<8x128xi32, #tpu.memory_space<hbm>>
          %dma_start3A_143 = arith.constant 0 : i32
          %dma_start3A_144 = tpu.memref_slice %arg3[%arg1, %mul3A_137, %dma_start3A_143] : memref<16x160x128xi32, #tpu.memory_space<hbm>> -> memref<1x8x128xi32, #tpu.memory_space<hbm>>
          %dma_start3A_145 = tpu.memref_squeeze %dma_start3A_144 : memref<1x8x128xi32, #tpu.memory_space<hbm>> -> memref<8x128xi32, #tpu.memory_space<hbm>>
          tpu.enqueue_dma source(%dma_start3A_145 : memref<8x128xi32, #tpu.memory_space<hbm>>) target(%arg7 : memref<8x128xi32, #tpu.memory_space<vmem>>) target_semaphore(%run_scoped3A : memref<!tpu.dma_semaphore, #tpu.memory_space<semaphore_mem>>)
          %dma_wait3A_146 = arith.constant 0 : i32
          %dma_wait3A_147 = tpu.memref_slice %arg3[%arg1, %mul3A_137, %dma_wait3A_146] : memref<16x160x128xi32, #tpu.memory_space<hbm>> -> memref<1x8x128xi32, #tpu.memory_space<hbm>>
          %dma_wait3A_148 = tpu.memref_squeeze %dma_wait3A_147 : memref<1x8x128xi32, #tpu.memory_space<hbm>> -> memref<8x128xi32, #tpu.memory_space<hbm>>
          %dma_wait3A_149 = arith.constant 0 : i32
          %dma_wait3A_150 = tpu.memref_slice %arg3[%arg1, %mul3A_137, %dma_wait3A_149] : memref<16x160x128xi32, #tpu.memory_space<hbm>> -> memref<1x8x128xi32, #tpu.memory_space<hbm>>
          %dma_wait3A_151 = tpu.memref_squeeze %dma_wait3A_150 : memref<1x8x128xi32, #tpu.memory_space<hbm>> -> memref<8x128xi32, #tpu.memory_space<hbm>>
          tpu.wait_dma2 semaphore(%run_scoped3A : memref<!tpu.dma_semaphore, #tpu.memory_space<semaphore_mem>>) src(%dma_wait3A_151 : memref<8x128xi32, #tpu.memory_space<hbm>>) dst(%arg7 : memref<8x128xi32, #tpu.memory_space<vmem>>)
          tpu.yield
        }) : () -> ()
        %mul3A_138 = arith.constant 8 : i32
        %mul3A_139 = arith.muli %select_n3A_135, %mul3A_138 : i32
        "tpu.region"() ({
          %run_scoped3A = tpu.sem_alloc : memref<!tpu.dma_semaphore, #tpu.memory_space<semaphore_mem>>
          %dma_start3A_140 = arith.constant 0 : i32
          %dma_start3A_141 = tpu.memref_slice %arg4[%arg0, %arg1, %mul3A_139, %dma_start3A_140] : memref<2x16x160x128xi32, #tpu.memory_space<hbm>> -> memref<1x1x8x128xi32, #tpu.memory_space<hbm>>
          %dma_start3A_142 = tpu.memref_squeeze %dma_start3A_141 : memref<1x1x8x128xi32, #tpu.memory_space<hbm>> -> memref<8x128xi32, #tpu.memory_space<hbm>>
          %dma_start3A_143 = arith.constant 0 : i32
          %dma_start3A_144 = tpu.memref_slice %arg4[%arg0, %arg1, %mul3A_139, %dma_start3A_143] : memref<2x16x160x128xi32, #tpu.memory_space<hbm>> -> memref<1x1x8x128xi32, #tpu.memory_space<hbm>>
          %dma_start3A_145 = tpu.memref_squeeze %dma_start3A_144 : memref<1x1x8x128xi32, #tpu.memory_space<hbm>> -> memref<8x128xi32, #tpu.memory_space<hbm>>
          tpu.enqueue_dma source(%dma_start3A_145 : memref<8x128xi32, #tpu.memory_space<hbm>>) target(%arg8 : memref<8x128xi32, #tpu.memory_space<vmem>>) target_semaphore(%run_scoped3A : memref<!tpu.dma_semaphore, #tpu.memory_space<semaphore_mem>>)
          %dma_wait3A_146 = arith.constant 0 : i32
          %dma_wait3A_147 = tpu.memref_slice %arg4[%arg0, %arg1, %mul3A_139, %dma_wait3A_146] : memref<2x16x160x128xi32, #tpu.memory_space<hbm>> -> memref<1x1x8x128xi32, #tpu.memory_space<hbm>>
          %dma_wait3A_148 = tpu.memref_squeeze %dma_wait3A_147 : memref<1x1x8x128xi32, #tpu.memory_space<hbm>> -> memref<8x128xi32, #tpu.memory_space<hbm>>
          %dma_wait3A_149 = arith.constant 0 : i32
          %dma_wait3A_150 = tpu.memref_slice %arg4[%arg0, %arg1, %mul3A_139, %dma_wait3A_149] : memref<2x16x160x128xi32, #tpu.memory_space<hbm>> -> memref<1x1x8x128xi32, #tpu.memory_space<hbm>>
          %dma_wait3A_151 = tpu.memref_squeeze %dma_wait3A_150 : memref<1x1x8x128xi32, #tpu.memory_space<hbm>> -> memref<8x128xi32, #tpu.memory_space<hbm>>
          tpu.wait_dma2 semaphore(%run_scoped3A : memref<!tpu.dma_semaphore, #tpu.memory_space<semaphore_mem>>) src(%dma_wait3A_151 : memref<8x128xi32, #tpu.memory_space<hbm>>) dst(%arg8 : memref<8x128xi32, #tpu.memory_space<vmem>>)
          tpu.yield
        }) : () -> ()
      } else {
      }
      %jit3A_49 = arith.constant 4 : i32
      %eq3A_50 = arith.constant 0 : i32
      %eq3A_51 = arith.cmpi eq, %jit3A_49, %eq3A_50 : i32
      %jit3A_52 = arith.constant 1 : i32
      %select_n3A_53 = arith.select %eq3A_51, %jit3A_52, %jit3A_49 : i32
      %rem3A_54 = arith.remsi %scan3A_36, %select_n3A_53 : i32
      %ne3A_55 = arith.constant 0 : i32
      %ne3A_56 = arith.cmpi ne, %rem3A_54, %ne3A_55 : i32
      %lt3A_57 = arith.constant 0 : i32
      %lt3A_58 = arith.cmpi slt, %rem3A_54, %lt3A_57 : i32
      %lt3A_59 = arith.constant 0 : i32
      %lt3A_60 = arith.cmpi slt, %select_n3A_53, %lt3A_59 : i32
      %ne3A_61 = arith.xori %lt3A_58, %lt3A_60 : i1
      %and3A_62 = arith.andi %ne3A_61, %ne3A_56 : i1
      %add3A_63 = arith.addi %rem3A_54, %select_n3A_53 : i32
      %select_n3A_64 = arith.select %and3A_62, %add3A_63, %rem3A_54 : i32
      %mul3A_65 = arith.constant 2 : i32
      %mul3A_66 = arith.muli %mul3A_65, %select_n3A_64 : i32
      %gt3A = arith.constant 0 : i32
      %gt3A_67 = arith.cmpi sgt, %scan3A_36, %gt3A : i32
      %convert_element_type3A_68 = arith.extui %gt3A_67 : i1 to i32
      %cond3A_69 = arith.constant 0 : i32
      %cond3A_70 = arith.cmpi ne, %convert_element_type3A_68, %cond3A_69 : i32
      scf.if %cond3A_70 {
        %dma_wait3A_115 = arith.constant 0 : i32
        %dma_wait3A_116 = arith.constant 0 : i32
        %dma_wait3A_117 = tpu.memref_slice %arg2[%dma_wait3A_115, %dma_wait3A_116] : memref<10112x128xf32, #tpu.memory_space<hbm>> -> memref<128x128xf32, #tpu.memory_space<hbm>>
        %dma_wait3A_118 = arith.constant 0 : i32
        %dma_wait3A_119 = arith.constant 0 : i32
        %dma_wait3A_120 = tpu.memref_slice %arg2[%dma_wait3A_118, %dma_wait3A_119] : memref<10112x128xf32, #tpu.memory_space<hbm>> -> memref<128x128xf32, #tpu.memory_space<hbm>>
        tpu.wait_dma2 semaphore(%arg13 : memref<!tpu.dma_semaphore, #tpu.memory_space<semaphore_mem>>) src(%dma_wait3A_120 : memref<128x128xf32, #tpu.memory_space<hbm>>) dst(%arg9 : memref<128x128xf32, #tpu.memory_space<vmem>>)
      } else {
      }
      %dma_start3A = arith.constant 0 : i32
      %dma_start3A_71 = tpu.memref_slice %arg7[%mul3A_66, %dma_start3A] : memref<8x128xi32, #tpu.memory_space<vmem>> -> memref<1x128xi32, #tpu.memory_space<vmem>>
      %dma_start3A_72 = tpu.memref_squeeze %dma_start3A_71 : memref<1x128xi32, #tpu.memory_space<vmem>> -> memref<128xi32, #tpu.memory_space<vmem>>
      %dma_start3A_73 = arith.constant 0 : i32
      %dma_start3A_74 = arith.constant 0 : i32
      %dma_start3A_75 = tpu.memref_slice %arg2[%dma_start3A_73, %dma_start3A_74] : memref<10112x128xf32, #tpu.memory_space<hbm>> -> memref<10112x128xf32, #tpu.memory_space<hbm>>
      tpu.enqueue_indirect_dma source(%dma_start3A_75 : memref<10112x128xf32, #tpu.memory_space<hbm>>) target(%arg9 : memref<128x128xf32, #tpu.memory_space<vmem>>) offsets(%dma_start3A_72 : memref<128xi32, #tpu.memory_space<vmem>>) semaphore(%arg11 : memref<!tpu.dma_semaphore, #tpu.memory_space<semaphore_mem>>)
      %gt3A_76 = arith.constant 0 : i32
      %gt3A_77 = arith.cmpi sgt, %scan3A_36, %gt3A_76 : i32
      %convert_element_type3A_78 = arith.extui %gt3A_77 : i1 to i32
      %cond3A_79 = arith.constant 0 : i32
      %cond3A_80 = arith.cmpi ne, %convert_element_type3A_78, %cond3A_79 : i32
      scf.if %cond3A_80 {
        %dma_wait3A_115 = arith.constant 0 : i32
        %dma_wait3A_116 = arith.constant 0 : i32
        %dma_wait3A_117 = tpu.memref_slice %arg2[%dma_wait3A_115, %dma_wait3A_116] : memref<10112x128xf32, #tpu.memory_space<hbm>> -> memref<128x128xf32, #tpu.memory_space<hbm>>
        %dma_wait3A_118 = arith.constant 0 : i32
        %dma_wait3A_119 = arith.constant 0 : i32
        %dma_wait3A_120 = tpu.memref_slice %arg2[%dma_wait3A_118, %dma_wait3A_119] : memref<10112x128xf32, #tpu.memory_space<hbm>> -> memref<128x128xf32, #tpu.memory_space<hbm>>
        tpu.wait_dma2 semaphore(%arg14 : memref<!tpu.dma_semaphore, #tpu.memory_space<semaphore_mem>>) src(%dma_wait3A_120 : memref<128x128xf32, #tpu.memory_space<hbm>>) dst(%arg10 : memref<128x128xf32, #tpu.memory_space<vmem>>)
      } else {
      }
      %add3A_81 = arith.constant 1 : i32
      %add3A_82 = arith.addi %mul3A_66, %add3A_81 : i32
      %dma_start3A_83 = arith.constant 0 : i32
      %dma_start3A_84 = tpu.memref_slice %arg7[%add3A_82, %dma_start3A_83] : memref<8x128xi32, #tpu.memory_space<vmem>> -> memref<1x128xi32, #tpu.memory_space<vmem>>
      %dma_start3A_85 = tpu.memref_squeeze %dma_start3A_84 : memref<1x128xi32, #tpu.memory_space<vmem>> -> memref<128xi32, #tpu.memory_space<vmem>>
      %dma_start3A_86 = arith.constant 0 : i32
      %dma_start3A_87 = arith.constant 0 : i32
      %dma_start3A_88 = tpu.memref_slice %arg2[%dma_start3A_86, %dma_start3A_87] : memref<10112x128xf32, #tpu.memory_space<hbm>> -> memref<10112x128xf32, #tpu.memory_space<hbm>>
      tpu.enqueue_indirect_dma source(%dma_start3A_88 : memref<10112x128xf32, #tpu.memory_space<hbm>>) target(%arg10 : memref<128x128xf32, #tpu.memory_space<vmem>>) offsets(%dma_start3A_85 : memref<128xi32, #tpu.memory_space<vmem>>) semaphore(%arg12 : memref<!tpu.dma_semaphore, #tpu.memory_space<semaphore_mem>>)
      %dma_wait3A_89 = arith.constant 0 : i32
      %dma_wait3A_90 = tpu.memref_slice %arg7[%mul3A_66, %dma_wait3A_89] : memref<8x128xi32, #tpu.memory_space<vmem>> -> memref<1x128xi32, #tpu.memory_space<vmem>>
      %dma_wait3A_91 = tpu.memref_squeeze %dma_wait3A_90 : memref<1x128xi32, #tpu.memory_space<vmem>> -> memref<128xi32, #tpu.memory_space<vmem>>
      %dma_wait3A_92 = arith.constant 0 : i32
      %dma_wait3A_93 = arith.constant 0 : i32
      %dma_wait3A_94 = tpu.memref_slice %arg2[%dma_wait3A_92, %dma_wait3A_93] : memref<10112x128xf32, #tpu.memory_space<hbm>> -> memref<10112x128xf32, #tpu.memory_space<hbm>>
      tpu.wait_indirect_dma semaphore(%arg11 : memref<!tpu.dma_semaphore, #tpu.memory_space<semaphore_mem>>) src(%dma_wait3A_94 : memref<10112x128xf32, #tpu.memory_space<hbm>>) dst(%arg9 : memref<128x128xf32, #tpu.memory_space<vmem>>)
      %dma_start3A_95 = arith.constant 0 : i32
      %dma_start3A_96 = tpu.memref_slice %arg8[%mul3A_66, %dma_start3A_95] : memref<8x128xi32, #tpu.memory_space<vmem>> -> memref<1x128xi32, #tpu.memory_space<vmem>>
      %dma_start3A_97 = tpu.memref_squeeze %dma_start3A_96 : memref<1x128xi32, #tpu.memory_space<vmem>> -> memref<128xi32, #tpu.memory_space<vmem>>
      %dma_start3A_98 = arith.constant 0 : i32
      %dma_start3A_99 = arith.constant 0 : i32
      %dma_start3A_100 = tpu.memref_slice %arg6[%dma_start3A_98, %dma_start3A_99] : memref<5120x128xf32, #tpu.memory_space<vmem_shared>> -> memref<5120x128xf32, #tpu.memory_space<vmem_shared>>
      tpu.enqueue_indirect_dma source(%arg9 : memref<128x128xf32, #tpu.memory_space<vmem>>) target(%dma_start3A_100 : memref<5120x128xf32, #tpu.memory_space<vmem_shared>>) offsets(%dma_start3A_97 : memref<128xi32, #tpu.memory_space<vmem>>) semaphore(%arg13 : memref<!tpu.dma_semaphore, #tpu.memory_space<semaphore_mem>>) {add = true}
      %dma_wait3A_101 = arith.constant 0 : i32
      %dma_wait3A_102 = tpu.memref_slice %arg7[%add3A_82, %dma_wait3A_101] : memref<8x128xi32, #tpu.memory_space<vmem>> -> memref<1x128xi32, #tpu.memory_space<vmem>>
      %dma_wait3A_103 = tpu.memref_squeeze %dma_wait3A_102 : memref<1x128xi32, #tpu.memory_space<vmem>> -> memref<128xi32, #tpu.memory_space<vmem>>
      %dma_wait3A_104 = arith.constant 0 : i32
      %dma_wait3A_105 = arith.constant 0 : i32
      %dma_wait3A_106 = tpu.memref_slice %arg2[%dma_wait3A_104, %dma_wait3A_105] : memref<10112x128xf32, #tpu.memory_space<hbm>> -> memref<10112x128xf32, #tpu.memory_space<hbm>>
      tpu.wait_indirect_dma semaphore(%arg12 : memref<!tpu.dma_semaphore, #tpu.memory_space<semaphore_mem>>) src(%dma_wait3A_106 : memref<10112x128xf32, #tpu.memory_space<hbm>>) dst(%arg10 : memref<128x128xf32, #tpu.memory_space<vmem>>)
      %add3A_107 = arith.constant 1 : i32
      %add3A_108 = arith.addi %mul3A_66, %add3A_107 : i32
      %dma_start3A_109 = arith.constant 0 : i32
      %dma_start3A_110 = tpu.memref_slice %arg8[%add3A_108, %dma_start3A_109] : memref<8x128xi32, #tpu.memory_space<vmem>> -> memref<1x128xi32, #tpu.memory_space<vmem>>
      %dma_start3A_111 = tpu.memref_squeeze %dma_start3A_110 : memref<1x128xi32, #tpu.memory_space<vmem>> -> memref<128xi32, #tpu.memory_space<vmem>>
      %dma_start3A_112 = arith.constant 0 : i32
      %dma_start3A_113 = arith.constant 0 : i32
      %dma_start3A_114 = tpu.memref_slice %arg6[%dma_start3A_112, %dma_start3A_113] : memref<5120x128xf32, #tpu.memory_space<vmem_shared>> -> memref<5120x128xf32, #tpu.memory_space<vmem_shared>>
      tpu.enqueue_indirect_dma source(%arg10 : memref<128x128xf32, #tpu.memory_space<vmem>>) target(%dma_start3A_114 : memref<5120x128xf32, #tpu.memory_space<vmem_shared>>) offsets(%dma_start3A_111 : memref<128xi32, #tpu.memory_space<vmem>>) semaphore(%arg14 : memref<!tpu.dma_semaphore, #tpu.memory_space<semaphore_mem>>) {add = true}
    }
    %scan3A_19 = arith.constant 80 : i32
    %dma_wait3A = arith.constant 0 : i32
    %dma_wait3A_20 = arith.constant 0 : i32
    %dma_wait3A_21 = tpu.memref_slice %arg2[%dma_wait3A, %dma_wait3A_20] : memref<10112x128xf32, #tpu.memory_space<hbm>> -> memref<128x128xf32, #tpu.memory_space<hbm>>
    %dma_wait3A_22 = arith.constant 0 : i32
    %dma_wait3A_23 = arith.constant 0 : i32
    %dma_wait3A_24 = tpu.memref_slice %arg2[%dma_wait3A_22, %dma_wait3A_23] : memref<10112x128xf32, #tpu.memory_space<hbm>> -> memref<128x128xf32, #tpu.memory_space<hbm>>
    tpu.wait_dma2 semaphore(%arg13 : memref<!tpu.dma_semaphore, #tpu.memory_space<semaphore_mem>>) src(%dma_wait3A_24 : memref<128x128xf32, #tpu.memory_space<hbm>>) dst(%arg9 : memref<128x128xf32, #tpu.memory_space<vmem>>)
    %dma_wait3A_25 = arith.constant 0 : i32
    %dma_wait3A_26 = arith.constant 0 : i32
    %dma_wait3A_27 = tpu.memref_slice %arg2[%dma_wait3A_25, %dma_wait3A_26] : memref<10112x128xf32, #tpu.memory_space<hbm>> -> memref<128x128xf32, #tpu.memory_space<hbm>>
    %dma_wait3A_28 = arith.constant 0 : i32
    %dma_wait3A_29 = arith.constant 0 : i32
    %dma_wait3A_30 = tpu.memref_slice %arg2[%dma_wait3A_28, %dma_wait3A_29] : memref<10112x128xf32, #tpu.memory_space<hbm>> -> memref<128x128xf32, #tpu.memory_space<hbm>>
    tpu.wait_dma2 semaphore(%arg14 : memref<!tpu.dma_semaphore, #tpu.memory_space<semaphore_mem>>) src(%dma_wait3A_30 : memref<128x128xf32, #tpu.memory_space<hbm>>) dst(%arg10 : memref<128x128xf32, #tpu.memory_space<vmem>>)
    %barrier3A_31 = arith.constant 0 : index
    tpu.barrier barrier_id(%barrier3A_31)
    %mul3A_32 = arith.constant 320 : i32
    %mul3A_33 = arith.muli %arg1, %mul3A_32 : i32
    %mul3A_34 = arith.constant 320 : i32
    %mul3A_35 = arith.muli %arg1, %mul3A_34 : i32
    "tpu.region"() ({
      %run_scoped3A = tpu.sem_alloc : memref<!tpu.dma_semaphore, #tpu.memory_space<semaphore_mem>>
      %dma_start3A = arith.constant 0 : i32
      %dma_start3A_36 = tpu.memref_slice %arg5[%arg0, %mul3A_35, %dma_start3A] : memref<2x5120x128xf32, #tpu.memory_space<hbm>> -> memref<1x320x128xf32, #tpu.memory_space<hbm>>
      %dma_start3A_37 = tpu.memref_squeeze %dma_start3A_36 : memref<1x320x128xf32, #tpu.memory_space<hbm>> -> memref<320x128xf32, #tpu.memory_space<hbm>>
      %dma_start3A_38 = arith.constant 0 : i32
      %dma_start3A_39 = tpu.memref_slice %arg6[%mul3A_33, %dma_start3A_38] : memref<5120x128xf32, #tpu.memory_space<vmem_shared>> -> memref<320x128xf32, #tpu.memory_space<vmem_shared>>
      tpu.enqueue_dma source(%dma_start3A_39 : memref<320x128xf32, #tpu.memory_space<vmem_shared>>) target(%dma_start3A_37 : memref<320x128xf32, #tpu.memory_space<hbm>>) target_semaphore(%run_scoped3A : memref<!tpu.dma_semaphore, #tpu.memory_space<semaphore_mem>>)
      %dma_wait3A_40 = arith.constant 0 : i32
      %dma_wait3A_41 = tpu.memref_slice %arg5[%arg0, %mul3A_35, %dma_wait3A_40] : memref<2x5120x128xf32, #tpu.memory_space<hbm>> -> memref<1x320x128xf32, #tpu.memory_space<hbm>>
      %dma_wait3A_42 = tpu.memref_squeeze %dma_wait3A_41 : memref<1x320x128xf32, #tpu.memory_space<hbm>> -> memref<320x128xf32, #tpu.memory_space<hbm>>
      %dma_wait3A_43 = arith.constant 0 : i32
      %dma_wait3A_44 = tpu.memref_slice %arg6[%mul3A_33, %dma_wait3A_43] : memref<5120x128xf32, #tpu.memory_space<vmem_shared>> -> memref<320x128xf32, #tpu.memory_space<vmem_shared>>
      tpu.wait_dma2 semaphore(%run_scoped3A : memref<!tpu.dma_semaphore, #tpu.memory_space<semaphore_mem>>) src(%dma_wait3A_44 : memref<320x128xf32, #tpu.memory_space<vmem_shared>>) dst(%dma_wait3A_42 : memref<320x128xf32, #tpu.memory_space<hbm>>)
      tpu.yield
    }) : () -> ()
    return
  }
}

module attributes {stable_mosaic.version = 14 : i64} {
  func.func @_gin_layer_body(%arg0: memref<10112x128xf32, #tpu.memory_space<vmem>>, %arg1: memref<2x5120x128xf32, #tpu.memory_space<vmem>>, %arg2: memref<128x128xf32, #tpu.memory_space<vmem>>, %arg3: memref<128xf32, #tpu.memory_space<vmem>>, %arg4: memref<128x128xf32, #tpu.memory_space<vmem>>, %arg5: memref<128xf32, #tpu.memory_space<vmem>>, %arg6: memref<128xf32, #tpu.memory_space<vmem>>, %arg7: memref<128xf32, #tpu.memory_space<vmem>>, %arg8: memref<10112x128xf32, #tpu.memory_space<vmem>>) attributes {dimension_semantics = [], scalar_prefetch = 0 : i64, scratch_operands = 0 : i64, tpu.core_type = #tpu.core_type<tc>} {
    %get3A = arith.constant 0 : index
    %get3A_0 = arith.constant 0 : index
    %get3A_1 = arith.constant 0 : index
    %get3A_2 = vector.load %arg1[%get3A, %get3A_0, %get3A_1] : memref<2x5120x128xf32, #tpu.memory_space<vmem>>, vector<1x5056x128xf32>
    %get3A_3 = vector.shape_cast %get3A_2 : vector<1x5056x128xf32> to vector<5056x128xf32>
    %get3A_4 = arith.constant 1 : index
    %get3A_5 = arith.constant 0 : index
    %get3A_6 = arith.constant 0 : index
    %get3A_7 = vector.load %arg1[%get3A_4, %get3A_5, %get3A_6] : memref<2x5120x128xf32, #tpu.memory_space<vmem>>, vector<1x4944x128xf32>
    %get3A_8 = vector.shape_cast %get3A_7 : vector<1x4944x128xf32> to vector<4944x128xf32>
    %concatenate3A = tpu.concatenate %get3A_3, %get3A_8 in 0 : vector<5056x128xf32>, vector<4944x128xf32> -> vector<10000x128xf32>
    %get3A_9 = arith.constant 0 : index
    %get3A_10 = arith.constant 0 : index
    %get3A_11 = vector.load %arg0[%get3A_9, %get3A_10] : memref<10112x128xf32, #tpu.memory_space<vmem>>, vector<10000x128xf32>
    %add3A = arith.addf %get3A_11, %concatenate3A : vector<10000x128xf32>
    %get3A_12 = arith.constant 0 : index
    %get3A_13 = arith.constant 0 : index
    %get3A_14 = vector.load %arg2[%get3A_12, %get3A_13] : memref<128x128xf32, #tpu.memory_space<vmem>>, vector<128x128xf32>
    %dot_general3A = arith.constant dense<0.000000e+00> : vector<10000x128xf32>
    %dot_general3A_15 = tpu.matmul %add3A, %get3A_14, %dot_general3A {dimension_numbers = #tpu.dot_dimension_numbers<[1], [0], [0], [1], [0, 0, 1, 1], [], []>, transpose_lhs_hint = false} : vector<10000x128xf32>, vector<128x128xf32>, vector<10000x128xf32> -> vector<10000x128xf32>
    %get3A_16 = arith.constant 0 : index
    %get3A_17 = vector.load %arg3[%get3A_16] : memref<128xf32, #tpu.memory_space<vmem>>, vector<128xf32>
    %broadcast_in_dim3A = vector.shape_cast %get3A_17 : vector<128xf32> to vector<1x128xf32>
    %add3A_18 = vector.broadcast %broadcast_in_dim3A : vector<1x128xf32> to vector<10000x128xf32>
    %add3A_19 = arith.addf %dot_general3A_15, %add3A_18 : vector<10000x128xf32>
    %max3A = arith.constant 0.000000e+00 : f32
    %max3A_20 = vector.broadcast %max3A : f32 to vector<10000x128xf32>
    %max3A_21 = arith.maximumf %add3A_19, %max3A_20 : vector<10000x128xf32>
    %get3A_22 = arith.constant 0 : index
    %get3A_23 = arith.constant 0 : index
    %get3A_24 = vector.load %arg4[%get3A_22, %get3A_23] : memref<128x128xf32, #tpu.memory_space<vmem>>, vector<128x128xf32>
    %dot_general3A_25 = arith.constant dense<0.000000e+00> : vector<10000x128xf32>
    %dot_general3A_26 = tpu.matmul %max3A_21, %get3A_24, %dot_general3A_25 {dimension_numbers = #tpu.dot_dimension_numbers<[1], [0], [0], [1], [0, 0, 1, 1], [], []>, transpose_lhs_hint = false} : vector<10000x128xf32>, vector<128x128xf32>, vector<10000x128xf32> -> vector<10000x128xf32>
    %get3A_27 = arith.constant 0 : index
    %get3A_28 = vector.load %arg5[%get3A_27] : memref<128xf32, #tpu.memory_space<vmem>>, vector<128xf32>
    %broadcast_in_dim3A_29 = vector.shape_cast %get3A_28 : vector<128xf32> to vector<1x128xf32>
    %add3A_30 = vector.broadcast %broadcast_in_dim3A_29 : vector<1x128xf32> to vector<10000x128xf32>
    %add3A_31 = arith.addf %dot_general3A_26, %add3A_30 : vector<10000x128xf32>
    %max3A_32 = arith.constant 0.000000e+00 : f32
    %max3A_33 = vector.broadcast %max3A_32 : f32 to vector<10000x128xf32>
    %max3A_34 = arith.maximumf %add3A_31, %max3A_33 : vector<10000x128xf32>
    %get3A_35 = arith.constant 0 : index
    %get3A_36 = vector.load %arg6[%get3A_35] : memref<128xf32, #tpu.memory_space<vmem>>, vector<128xf32>
    %get3A_37 = arith.constant 0 : index
    %get3A_38 = vector.load %arg7[%get3A_37] : memref<128xf32, #tpu.memory_space<vmem>>, vector<128xf32>
    %reduce_sum3A = arith.constant dense<0.000000e+00> : vector<128xf32>
    %reduce_sum3A_39 = vector.multi_reduction <add>, %max3A_34, %reduce_sum3A [0] : vector<10000x128xf32> to vector<128xf32>
    %div3A = arith.constant 1.000000e+04 : f32
    %div3A_40 = vector.broadcast %div3A : f32 to vector<128xf32>
    %div3A_41 = arith.divf %reduce_sum3A_39, %div3A_40 : vector<128xf32>
    %broadcast_in_dim3A_42 = vector.shape_cast %div3A_41 : vector<128xf32> to vector<1x128xf32>
    %sub3A = vector.broadcast %broadcast_in_dim3A_42 : vector<1x128xf32> to vector<10000x128xf32>
    %sub3A_43 = arith.subf %max3A_34, %sub3A : vector<10000x128xf32>
    %broadcast_in_dim3A_44 = vector.shape_cast %div3A_41 : vector<128xf32> to vector<1x128xf32>
    %sub3A_45 = vector.broadcast %broadcast_in_dim3A_44 : vector<1x128xf32> to vector<10000x128xf32>
    %sub3A_46 = arith.subf %max3A_34, %sub3A_45 : vector<10000x128xf32>
    %mul3A = arith.mulf %sub3A_43, %sub3A_46 : vector<10000x128xf32>
    %reduce_sum3A_47 = arith.constant dense<0.000000e+00> : vector<128xf32>
    %reduce_sum3A_48 = vector.multi_reduction <add>, %mul3A, %reduce_sum3A_47 [0] : vector<10000x128xf32> to vector<128xf32>
    %div3A_49 = arith.constant 1.000000e+04 : f32
    %div3A_50 = vector.broadcast %div3A_49 : f32 to vector<128xf32>
    %div3A_51 = arith.divf %reduce_sum3A_48, %div3A_50 : vector<128xf32>
    %broadcast_in_dim3A_52 = vector.shape_cast %div3A_41 : vector<128xf32> to vector<1x128xf32>
    %sub3A_53 = vector.broadcast %broadcast_in_dim3A_52 : vector<1x128xf32> to vector<10000x128xf32>
    %sub3A_54 = arith.subf %max3A_34, %sub3A_53 : vector<10000x128xf32>
    %add3A_55 = arith.constant 9.99999974E-6 : f32
    %add3A_56 = vector.broadcast %add3A_55 : f32 to vector<128xf32>
    %add3A_57 = arith.addf %div3A_51, %add3A_56 : vector<128xf32>
    %sqrt3A = math.sqrt %add3A_57 : vector<128xf32>
    %broadcast_in_dim3A_58 = vector.shape_cast %sqrt3A : vector<128xf32> to vector<1x128xf32>
    %div3A_59 = vector.broadcast %broadcast_in_dim3A_58 : vector<1x128xf32> to vector<10000x128xf32>
    %div3A_60 = arith.divf %sub3A_54, %div3A_59 : vector<10000x128xf32>
    %broadcast_in_dim3A_61 = vector.shape_cast %get3A_36 : vector<128xf32> to vector<1x128xf32>
    %mul3A_62 = vector.broadcast %broadcast_in_dim3A_61 : vector<1x128xf32> to vector<10000x128xf32>
    %mul3A_63 = arith.mulf %div3A_60, %mul3A_62 : vector<10000x128xf32>
    %broadcast_in_dim3A_64 = vector.shape_cast %get3A_38 : vector<128xf32> to vector<1x128xf32>
    %add3A_65 = vector.broadcast %broadcast_in_dim3A_64 : vector<1x128xf32> to vector<10000x128xf32>
    %add3A_66 = arith.addf %mul3A_63, %add3A_65 : vector<10000x128xf32>
    %broadcast_in_dim3A_67 = arith.constant 0.000000e+00 : f32
    %broadcast_in_dim3A_68 = vector.broadcast %broadcast_in_dim3A_67 : f32 to vector<112x128xf32>
    %concatenate3A_69 = tpu.concatenate %add3A_66, %broadcast_in_dim3A_68 in 0 : vector<10000x128xf32>, vector<112x128xf32> -> vector<10112x128xf32>
    %swap3A = arith.constant 0 : index
    %swap3A_70 = arith.constant 0 : index
    %swap3A_71 = vector.load %arg8[%swap3A, %swap3A_70] : memref<10112x128xf32, #tpu.memory_space<vmem>>, vector<10112x128xf32>
    tpu.vector_store %arg8[%swap3A, %swap3A_70], %concatenate3A_69 {strides = array<i32>} : memref<10112x128xf32, #tpu.memory_space<vmem>>, vector<10112x128xf32>,
    return
  }
}

module attributes {stable_mosaic.version = 14 : i64} {
  func.func @_branch_body(%arg0: memref<4096x512xf32, #tpu.memory_space<vmem>>, %arg1: memref<4096x512xf32, #tpu.memory_space<vmem>>, %arg2: memref<512x128xf32, #tpu.memory_space<vmem>>, %arg3: memref<128xf32, #tpu.memory_space<vmem>>, %arg4: memref<512x128xf32, #tpu.memory_space<vmem>>, %arg5: memref<128xf32, #tpu.memory_space<vmem>>, %arg6: memref<128xf32, #tpu.memory_space<vmem>>, %arg7: memref<128xf32, #tpu.memory_space<vmem>>, %arg8: memref<128xf32, #tpu.memory_space<vmem>>, %arg9: memref<128xf32, #tpu.memory_space<vmem>>, %arg10: memref<4096x128xf32, #tpu.memory_space<vmem>>, %arg11: memref<4096x128xf32, #tpu.memory_space<vmem>>) attributes {dimension_semantics = [], scalar_prefetch = 0 : i64, scratch_operands = 0 : i64, tpu.core_type = #tpu.core_type<tc>} {
    %get3A = arith.constant 0 : index
    %get3A_0 = arith.constant 0 : index
    %get3A_1 = vector.load %arg0[%get3A, %get3A_0] : memref<4096x512xf32, #tpu.memory_space<vmem>>, vector<4096x512xf32>
    %get3A_2 = arith.constant 0 : index
    %get3A_3 = arith.constant 0 : index
    %get3A_4 = vector.load %arg2[%get3A_2, %get3A_3] : memref<512x128xf32, #tpu.memory_space<vmem>>, vector<512x128xf32>
    %dot_general3A = arith.constant dense<0.000000e+00> : vector<4096x128xf32>
    %dot_general3A_5 = tpu.matmul %get3A_1, %get3A_4, %dot_general3A {dimension_numbers = #tpu.dot_dimension_numbers<[1], [0], [0], [1], [0, 0, 1, 1], [], []>, transpose_lhs_hint = false} : vector<4096x512xf32>, vector<512x128xf32>, vector<4096x128xf32> -> vector<4096x128xf32>
    %get3A_6 = arith.constant 0 : index
    %get3A_7 = vector.load %arg3[%get3A_6] : memref<128xf32, #tpu.memory_space<vmem>>, vector<128xf32>
    %broadcast_in_dim3A = vector.shape_cast %get3A_7 : vector<128xf32> to vector<1x128xf32>
    %add3A = vector.broadcast %broadcast_in_dim3A : vector<1x128xf32> to vector<4096x128xf32>
    %add3A_8 = arith.addf %dot_general3A_5, %add3A : vector<4096x128xf32>
    %max3A = arith.constant 0.000000e+00 : f32
    %max3A_9 = vector.broadcast %max3A : f32 to vector<4096x128xf32>
    %max3A_10 = arith.maximumf %add3A_8, %max3A_9 : vector<4096x128xf32>
    %get3A_11 = arith.constant 0 : index
    %get3A_12 = vector.load %arg6[%get3A_11] : memref<128xf32, #tpu.memory_space<vmem>>, vector<128xf32>
    %get3A_13 = arith.constant 0 : index
    %get3A_14 = vector.load %arg7[%get3A_13] : memref<128xf32, #tpu.memory_space<vmem>>, vector<128xf32>
    %reduce_sum3A = arith.constant dense<0.000000e+00> : vector<128xf32>
    %reduce_sum3A_15 = vector.multi_reduction <add>, %max3A_10, %reduce_sum3A [0] : vector<4096x128xf32> to vector<128xf32>
    %div3A = arith.constant 4.096000e+03 : f32
    %div3A_16 = vector.broadcast %div3A : f32 to vector<128xf32>
    %div3A_17 = arith.divf %reduce_sum3A_15, %div3A_16 : vector<128xf32>
    %broadcast_in_dim3A_18 = vector.shape_cast %div3A_17 : vector<128xf32> to vector<1x128xf32>
    %sub3A = vector.broadcast %broadcast_in_dim3A_18 : vector<1x128xf32> to vector<4096x128xf32>
    %sub3A_19 = arith.subf %max3A_10, %sub3A : vector<4096x128xf32>
    %broadcast_in_dim3A_20 = vector.shape_cast %div3A_17 : vector<128xf32> to vector<1x128xf32>
    %sub3A_21 = vector.broadcast %broadcast_in_dim3A_20 : vector<1x128xf32> to vector<4096x128xf32>
    %sub3A_22 = arith.subf %max3A_10, %sub3A_21 : vector<4096x128xf32>
    %mul3A = arith.mulf %sub3A_19, %sub3A_22 : vector<4096x128xf32>
    %reduce_sum3A_23 = arith.constant dense<0.000000e+00> : vector<128xf32>
    %reduce_sum3A_24 = vector.multi_reduction <add>, %mul3A, %reduce_sum3A_23 [0] : vector<4096x128xf32> to vector<128xf32>
    %div3A_25 = arith.constant 4.096000e+03 : f32
    %div3A_26 = vector.broadcast %div3A_25 : f32 to vector<128xf32>
    %div3A_27 = arith.divf %reduce_sum3A_24, %div3A_26 : vector<128xf32>
    %broadcast_in_dim3A_28 = vector.shape_cast %div3A_17 : vector<128xf32> to vector<1x128xf32>
    %sub3A_29 = vector.broadcast %broadcast_in_dim3A_28 : vector<1x128xf32> to vector<4096x128xf32>
    %sub3A_30 = arith.subf %max3A_10, %sub3A_29 : vector<4096x128xf32>
    %add3A_31 = arith.constant 9.99999974E-6 : f32
    %add3A_32 = vector.broadcast %add3A_31 : f32 to vector<128xf32>
    %add3A_33 = arith.addf %div3A_27, %add3A_32 : vector<128xf32>
    %sqrt3A = math.sqrt %add3A_33 : vector<128xf32>
    %broadcast_in_dim3A_34 = vector.shape_cast %sqrt3A : vector<128xf32> to vector<1x128xf32>
    %div3A_35 = vector.broadcast %broadcast_in_dim3A_34 : vector<1x128xf32> to vector<4096x128xf32>
    %div3A_36 = arith.divf %sub3A_30, %div3A_35 : vector<4096x128xf32>
    %broadcast_in_dim3A_37 = vector.shape_cast %get3A_12 : vector<128xf32> to vector<1x128xf32>
    %mul3A_38 = vector.broadcast %broadcast_in_dim3A_37 : vector<1x128xf32> to vector<4096x128xf32>
    %mul3A_39 = arith.mulf %div3A_36, %mul3A_38 : vector<4096x128xf32>
    %broadcast_in_dim3A_40 = vector.shape_cast %get3A_14 : vector<128xf32> to vector<1x128xf32>
    %add3A_41 = vector.broadcast %broadcast_in_dim3A_40 : vector<1x128xf32> to vector<4096x128xf32>
    %add3A_42 = arith.addf %mul3A_39, %add3A_41 : vector<4096x128xf32>
    %swap3A = arith.constant 0 : index
    %swap3A_43 = arith.constant 0 : index
    %swap3A_44 = vector.load %arg10[%swap3A, %swap3A_43] : memref<4096x128xf32, #tpu.memory_space<vmem>>, vector<4096x128xf32>
    tpu.vector_store %arg10[%swap3A, %swap3A_43], %add3A_42 {strides = array<i32>} : memref<4096x128xf32, #tpu.memory_space<vmem>>, vector<4096x128xf32>,
    %get3A_45 = arith.constant 0 : index
    %get3A_46 = arith.constant 0 : index
    %get3A_47 = vector.load %arg1[%get3A_45, %get3A_46] : memref<4096x512xf32, #tpu.memory_space<vmem>>, vector<4096x512xf32>
    %get3A_48 = arith.constant 0 : index
    %get3A_49 = arith.constant 0 : index
    %get3A_50 = vector.load %arg4[%get3A_48, %get3A_49] : memref<512x128xf32, #tpu.memory_space<vmem>>, vector<512x128xf32>
    %dot_general3A_51 = arith.constant dense<0.000000e+00> : vector<4096x128xf32>
    %dot_general3A_52 = tpu.matmul %get3A_47, %get3A_50, %dot_general3A_51 {dimension_numbers = #tpu.dot_dimension_numbers<[1], [0], [0], [1], [0, 0, 1, 1], [], []>, transpose_lhs_hint = false} : vector<4096x512xf32>, vector<512x128xf32>, vector<4096x128xf32> -> vector<4096x128xf32>
    %get3A_53 = arith.constant 0 : index
    %get3A_54 = vector.load %arg5[%get3A_53] : memref<128xf32, #tpu.memory_space<vmem>>, vector<128xf32>
    %broadcast_in_dim3A_55 = vector.shape_cast %get3A_54 : vector<128xf32> to vector<1x128xf32>
    %add3A_56 = vector.broadcast %broadcast_in_dim3A_55 : vector<1x128xf32> to vector<4096x128xf32>
    %add3A_57 = arith.addf %dot_general3A_52, %add3A_56 : vector<4096x128xf32>
    %max3A_58 = arith.constant 0.000000e+00 : f32
    %max3A_59 = vector.broadcast %max3A_58 : f32 to vector<4096x128xf32>
    %max3A_60 = arith.maximumf %add3A_57, %max3A_59 : vector<4096x128xf32>
    %get3A_61 = arith.constant 0 : index
    %get3A_62 = vector.load %arg8[%get3A_61] : memref<128xf32, #tpu.memory_space<vmem>>, vector<128xf32>
    %get3A_63 = arith.constant 0 : index
    %get3A_64 = vector.load %arg9[%get3A_63] : memref<128xf32, #tpu.memory_space<vmem>>, vector<128xf32>
    %reduce_sum3A_65 = arith.constant dense<0.000000e+00> : vector<128xf32>
    %reduce_sum3A_66 = vector.multi_reduction <add>, %max3A_60, %reduce_sum3A_65 [0] : vector<4096x128xf32> to vector<128xf32>
    %div3A_67 = arith.constant 4.096000e+03 : f32
    %div3A_68 = vector.broadcast %div3A_67 : f32 to vector<128xf32>
    %div3A_69 = arith.divf %reduce_sum3A_66, %div3A_68 : vector<128xf32>
    %broadcast_in_dim3A_70 = vector.shape_cast %div3A_69 : vector<128xf32> to vector<1x128xf32>
    %sub3A_71 = vector.broadcast %broadcast_in_dim3A_70 : vector<1x128xf32> to vector<4096x128xf32>
    %sub3A_72 = arith.subf %max3A_60, %sub3A_71 : vector<4096x128xf32>
    %broadcast_in_dim3A_73 = vector.shape_cast %div3A_69 : vector<128xf32> to vector<1x128xf32>
    %sub3A_74 = vector.broadcast %broadcast_in_dim3A_73 : vector<1x128xf32> to vector<4096x128xf32>
    %sub3A_75 = arith.subf %max3A_60, %sub3A_74 : vector<4096x128xf32>
    %mul3A_76 = arith.mulf %sub3A_72, %sub3A_75 : vector<4096x128xf32>
    %reduce_sum3A_77 = arith.constant dense<0.000000e+00> : vector<128xf32>
    %reduce_sum3A_78 = vector.multi_reduction <add>, %mul3A_76, %reduce_sum3A_77 [0] : vector<4096x128xf32> to vector<128xf32>
    %div3A_79 = arith.constant 4.096000e+03 : f32
    %div3A_80 = vector.broadcast %div3A_79 : f32 to vector<128xf32>
    %div3A_81 = arith.divf %reduce_sum3A_78, %div3A_80 : vector<128xf32>
    %broadcast_in_dim3A_82 = vector.shape_cast %div3A_69 : vector<128xf32> to vector<1x128xf32>
    %sub3A_83 = vector.broadcast %broadcast_in_dim3A_82 : vector<1x128xf32> to vector<4096x128xf32>
    %sub3A_84 = arith.subf %max3A_60, %sub3A_83 : vector<4096x128xf32>
    %add3A_85 = arith.constant 9.99999974E-6 : f32
    %add3A_86 = vector.broadcast %add3A_85 : f32 to vector<128xf32>
    %add3A_87 = arith.addf %div3A_81, %add3A_86 : vector<128xf32>
    %sqrt3A_88 = math.sqrt %add3A_87 : vector<128xf32>
    %broadcast_in_dim3A_89 = vector.shape_cast %sqrt3A_88 : vector<128xf32> to vector<1x128xf32>
    %div3A_90 = vector.broadcast %broadcast_in_dim3A_89 : vector<1x128xf32> to vector<4096x128xf32>
    %div3A_91 = arith.divf %sub3A_84, %div3A_90 : vector<4096x128xf32>
    %broadcast_in_dim3A_92 = vector.shape_cast %get3A_62 : vector<128xf32> to vector<1x128xf32>
    %mul3A_93 = vector.broadcast %broadcast_in_dim3A_92 : vector<1x128xf32> to vector<4096x128xf32>
    %mul3A_94 = arith.mulf %div3A_91, %mul3A_93 : vector<4096x128xf32>
    %broadcast_in_dim3A_95 = vector.shape_cast %get3A_64 : vector<128xf32> to vector<1x128xf32>
    %add3A_96 = vector.broadcast %broadcast_in_dim3A_95 : vector<1x128xf32> to vector<4096x128xf32>
    %add3A_97 = arith.addf %mul3A_94, %add3A_96 : vector<4096x128xf32>
    %swap3A_98 = arith.constant 0 : index
    %swap3A_99 = arith.constant 0 : index
    %swap3A_100 = vector.load %arg11[%swap3A_98, %swap3A_99] : memref<4096x128xf32, #tpu.memory_space<vmem>>, vector<4096x128xf32>
    tpu.vector_store %arg11[%swap3A_98, %swap3A_99], %add3A_97 {strides = array<i32>} : memref<4096x128xf32, #tpu.memory_space<vmem>>, vector<4096x128xf32>,
    return
  }
}

module attributes {stable_mosaic.version = 14 : i64} {
  func.func @_scan_body(%arg0: memref<10112x128xf32, #tpu.memory_space<vmem>>, %arg1: memref<10112x1xi32, #tpu.memory_space<vmem>>, %arg2: memref<10112x128xf32, #tpu.memory_space<vmem>>) attributes {dimension_semantics = [], scalar_prefetch = 0 : i64, scratch_operands = 0 : i64, tpu.core_type = #tpu.core_type<tc>} {
    %get3A = arith.constant 0 : index
    %get3A_0 = arith.constant 0 : index
    %get3A_1 = vector.load %arg1[%get3A, %get3A_0] : memref<10112x1xi32, #tpu.memory_space<vmem>>, vector<10112x1xi32>
    %get3A_2 = arith.constant 0 : index
    %get3A_3 = arith.constant 0 : index
    %get3A_4 = vector.load %arg0[%get3A_2, %get3A_3] : memref<10112x128xf32, #tpu.memory_space<vmem>>, vector<10112x128xf32>
    %swap3A = arith.constant 0 : index
    %swap3A_5 = arith.constant 0 : index
    %swap3A_6 = vector.load %arg2[%swap3A, %swap3A_5] : memref<10112x128xf32, #tpu.memory_space<vmem>>, vector<10112x128xf32>
    tpu.vector_store %arg2[%swap3A, %swap3A_5], %get3A_4 {strides = array<i32>} : memref<10112x128xf32, #tpu.memory_space<vmem>>, vector<10112x128xf32>,
    %get3A_7 = arith.constant 0 : index
    %get3A_8 = arith.constant 0 : index
    %get3A_9 = vector.load %arg2[%get3A_7, %get3A_8] : memref<10112x128xf32, #tpu.memory_space<vmem>>, vector<10112x128xf32>
    %broadcast_in_dim3A = arith.constant -3.40282347E+38 : f32
    %broadcast_in_dim3A_10 = vector.broadcast %broadcast_in_dim3A : f32 to vector<1x128xf32>
    %slice3A = vector.extract_strided_slice %get3A_9 {offsets = [0, 0], sizes = [10111, 128], strides = [1, 1]} : vector<10112x128xf32> to vector<10111x128xf32>
    %concatenate3A = tpu.concatenate %broadcast_in_dim3A_10, %slice3A in 0 : vector<1x128xf32>, vector<10111x128xf32> -> vector<10112x128xf32>
    %broadcast_in_dim3A_11 = arith.constant -1 : i32
    %broadcast_in_dim3A_12 = vector.broadcast %broadcast_in_dim3A_11 : i32 to vector<1x1xi32>
    %slice3A_13 = vector.extract_strided_slice %get3A_1 {offsets = [0, 0], sizes = [10111, 1], strides = [1, 1]} : vector<10112x1xi32> to vector<10111x1xi32>
    %concatenate3A_14 = tpu.concatenate %broadcast_in_dim3A_12, %slice3A_13 in 0 : vector<1x1xi32>, vector<10111x1xi32> -> vector<10112x1xi32>
    %eq3A = arith.cmpi eq, %concatenate3A_14, %get3A_1 : vector<10112x1xi32>
    %max3A = arith.maximumf %get3A_9, %concatenate3A : vector<10112x128xf32>
    %broadcast_in_dim3A_15 = vector.shape_cast %eq3A : vector<10112x1xi1> to vector<10112x1xi1>
    %broadcast_in_dim3A_16 = vector.broadcast %broadcast_in_dim3A_15 : vector<10112x1xi1> to vector<10112x128xi1>
    %select_n3A = arith.select %broadcast_in_dim3A_16, %max3A, %get3A_9 : vector<10112x128xi1>, vector<10112x128xf32>
    %swap3A_17 = arith.constant 0 : index
    %swap3A_18 = arith.constant 0 : index
    %swap3A_19 = vector.load %arg2[%swap3A_17, %swap3A_18] : memref<10112x128xf32, #tpu.memory_space<vmem>>, vector<10112x128xf32>
    tpu.vector_store %arg2[%swap3A_17, %swap3A_18], %select_n3A {strides = array<i32>} : memref<10112x128xf32, #tpu.memory_space<vmem>>, vector<10112x128xf32>,
    %get3A_20 = arith.constant 0 : index
    %get3A_21 = arith.constant 0 : index
    %get3A_22 = vector.load %arg2[%get3A_20, %get3A_21] : memref<10112x128xf32, #tpu.memory_space<vmem>>, vector<10112x128xf32>
    %broadcast_in_dim3A_23 = arith.constant -3.40282347E+38 : f32
    %broadcast_in_dim3A_24 = vector.broadcast %broadcast_in_dim3A_23 : f32 to vector<2x128xf32>
    %slice3A_25 = vector.extract_strided_slice %get3A_22 {offsets = [0, 0], sizes = [10110, 128], strides = [1, 1]} : vector<10112x128xf32> to vector<10110x128xf32>
    %concatenate3A_26 = tpu.concatenate %broadcast_in_dim3A_24, %slice3A_25 in 0 : vector<2x128xf32>, vector<10110x128xf32> -> vector<10112x128xf32>
    %broadcast_in_dim3A_27 = arith.constant -1 : i32
    %broadcast_in_dim3A_28 = vector.broadcast %broadcast_in_dim3A_27 : i32 to vector<2x1xi32>
    %slice3A_29 = vector.extract_strided_slice %get3A_1 {offsets = [0, 0], sizes = [10110, 1], strides = [1, 1]} : vector<10112x1xi32> to vector<10110x1xi32>
    %concatenate3A_30 = tpu.concatenate %broadcast_in_dim3A_28, %slice3A_29 in 0 : vector<2x1xi32>, vector<10110x1xi32> -> vector<10112x1xi32>
    %eq3A_31 = arith.cmpi eq, %concatenate3A_30, %get3A_1 : vector<10112x1xi32>
    %max3A_32 = arith.maximumf %get3A_22, %concatenate3A_26 : vector<10112x128xf32>
    %broadcast_in_dim3A_33 = vector.shape_cast %eq3A_31 : vector<10112x1xi1> to vector<10112x1xi1>
    %broadcast_in_dim3A_34 = vector.broadcast %broadcast_in_dim3A_33 : vector<10112x1xi1> to vector<10112x128xi1>
    %select_n3A_35 = arith.select %broadcast_in_dim3A_34, %max3A_32, %get3A_22 : vector<10112x128xi1>, vector<10112x128xf32>
    %swap3A_36 = arith.constant 0 : index
    %swap3A_37 = arith.constant 0 : index
    %swap3A_38 = vector.load %arg2[%swap3A_36, %swap3A_37] : memref<10112x128xf32, #tpu.memory_space<vmem>>, vector<10112x128xf32>
    tpu.vector_store %arg2[%swap3A_36, %swap3A_37], %select_n3A_35 {strides = array<i32>} : memref<10112x128xf32, #tpu.memory_space<vmem>>, vector<10112x128xf32>,
    %get3A_39 = arith.constant 0 : index
    %get3A_40 = arith.constant 0 : index
    %get3A_41 = vector.load %arg2[%get3A_39, %get3A_40] : memref<10112x128xf32, #tpu.memory_space<vmem>>, vector<10112x128xf32>
    %broadcast_in_dim3A_42 = arith.constant -3.40282347E+38 : f32
    %broadcast_in_dim3A_43 = vector.broadcast %broadcast_in_dim3A_42 : f32 to vector<4x128xf32>
    %slice3A_44 = vector.extract_strided_slice %get3A_41 {offsets = [0, 0], sizes = [10108, 128], strides = [1, 1]} : vector<10112x128xf32> to vector<10108x128xf32>
    %concatenate3A_45 = tpu.concatenate %broadcast_in_dim3A_43, %slice3A_44 in 0 : vector<4x128xf32>, vector<10108x128xf32> -> vector<10112x128xf32>
    %broadcast_in_dim3A_46 = arith.constant -1 : i32
    %broadcast_in_dim3A_47 = vector.broadcast %broadcast_in_dim3A_46 : i32 to vector<4x1xi32>
    %slice3A_48 = vector.extract_strided_slice %get3A_1 {offsets = [0, 0], sizes = [10108, 1], strides = [1, 1]} : vector<10112x1xi32> to vector<10108x1xi32>
    %concatenate3A_49 = tpu.concatenate %broadcast_in_dim3A_47, %slice3A_48 in 0 : vector<4x1xi32>, vector<10108x1xi32> -> vector<10112x1xi32>
    %eq3A_50 = arith.cmpi eq, %concatenate3A_49, %get3A_1 : vector<10112x1xi32>
    %max3A_51 = arith.maximumf %get3A_41, %concatenate3A_45 : vector<10112x128xf32>
    %broadcast_in_dim3A_52 = vector.shape_cast %eq3A_50 : vector<10112x1xi1> to vector<10112x1xi1>
    %broadcast_in_dim3A_53 = vector.broadcast %broadcast_in_dim3A_52 : vector<10112x1xi1> to vector<10112x128xi1>
    %select_n3A_54 = arith.select %broadcast_in_dim3A_53, %max3A_51, %get3A_41 : vector<10112x128xi1>, vector<10112x128xf32>
    %swap3A_55 = arith.constant 0 : index
    %swap3A_56 = arith.constant 0 : index
    %swap3A_57 = vector.load %arg2[%swap3A_55, %swap3A_56] : memref<10112x128xf32, #tpu.memory_space<vmem>>, vector<10112x128xf32>
    tpu.vector_store %arg2[%swap3A_55, %swap3A_56], %select_n3A_54 {strides = array<i32>} : memref<10112x128xf32, #tpu.memory_space<vmem>>, vector<10112x128xf32>,
    %get3A_58 = arith.constant 0 : index
    %get3A_59 = arith.constant 0 : index
    %get3A_60 = vector.load %arg2[%get3A_58, %get3A_59] : memref<10112x128xf32, #tpu.memory_space<vmem>>, vector<10112x128xf32>
    %broadcast_in_dim3A_61 = arith.constant -3.40282347E+38 : f32
    %broadcast_in_dim3A_62 = vector.broadcast %broadcast_in_dim3A_61 : f32 to vector<8x128xf32>
    %slice3A_63 = vector.extract_strided_slice %get3A_60 {offsets = [0, 0], sizes = [10104, 128], strides = [1, 1]} : vector<10112x128xf32> to vector<10104x128xf32>
    %concatenate3A_64 = tpu.concatenate %broadcast_in_dim3A_62, %slice3A_63 in 0 : vector<8x128xf32>, vector<10104x128xf32> -> vector<10112x128xf32>
    %broadcast_in_dim3A_65 = arith.constant -1 : i32
    %broadcast_in_dim3A_66 = vector.broadcast %broadcast_in_dim3A_65 : i32 to vector<8x1xi32>
    %slice3A_67 = vector.extract_strided_slice %get3A_1 {offsets = [0, 0], sizes = [10104, 1], strides = [1, 1]} : vector<10112x1xi32> to vector<10104x1xi32>
    %concatenate3A_68 = tpu.concatenate %broadcast_in_dim3A_66, %slice3A_67 in 0 : vector<8x1xi32>, vector<10104x1xi32> -> vector<10112x1xi32>
    %eq3A_69 = arith.cmpi eq, %concatenate3A_68, %get3A_1 : vector<10112x1xi32>
    %max3A_70 = arith.maximumf %get3A_60, %concatenate3A_64 : vector<10112x128xf32>
    %broadcast_in_dim3A_71 = vector.shape_cast %eq3A_69 : vector<10112x1xi1> to vector<10112x1xi1>
    %broadcast_in_dim3A_72 = vector.broadcast %broadcast_in_dim3A_71 : vector<10112x1xi1> to vector<10112x128xi1>
    %select_n3A_73 = arith.select %broadcast_in_dim3A_72, %max3A_70, %get3A_60 : vector<10112x128xi1>, vector<10112x128xf32>
    %swap3A_74 = arith.constant 0 : index
    %swap3A_75 = arith.constant 0 : index
    %swap3A_76 = vector.load %arg2[%swap3A_74, %swap3A_75] : memref<10112x128xf32, #tpu.memory_space<vmem>>, vector<10112x128xf32>
    tpu.vector_store %arg2[%swap3A_74, %swap3A_75], %select_n3A_73 {strides = array<i32>} : memref<10112x128xf32, #tpu.memory_space<vmem>>, vector<10112x128xf32>,
    %get3A_77 = arith.constant 0 : index
    %get3A_78 = arith.constant 0 : index
    %get3A_79 = vector.load %arg2[%get3A_77, %get3A_78] : memref<10112x128xf32, #tpu.memory_space<vmem>>, vector<10112x128xf32>
    %broadcast_in_dim3A_80 = arith.constant -3.40282347E+38 : f32
    %broadcast_in_dim3A_81 = vector.broadcast %broadcast_in_dim3A_80 : f32 to vector<16x128xf32>
    %slice3A_82 = vector.extract_strided_slice %get3A_79 {offsets = [0, 0], sizes = [10096, 128], strides = [1, 1]} : vector<10112x128xf32> to vector<10096x128xf32>
    %concatenate3A_83 = tpu.concatenate %broadcast_in_dim3A_81, %slice3A_82 in 0 : vector<16x128xf32>, vector<10096x128xf32> -> vector<10112x128xf32>
    %broadcast_in_dim3A_84 = arith.constant -1 : i32
    %broadcast_in_dim3A_85 = vector.broadcast %broadcast_in_dim3A_84 : i32 to vector<16x1xi32>
    %slice3A_86 = vector.extract_strided_slice %get3A_1 {offsets = [0, 0], sizes = [10096, 1], strides = [1, 1]} : vector<10112x1xi32> to vector<10096x1xi32>
    %concatenate3A_87 = tpu.concatenate %broadcast_in_dim3A_85, %slice3A_86 in 0 : vector<16x1xi32>, vector<10096x1xi32> -> vector<10112x1xi32>
    %eq3A_88 = arith.cmpi eq, %concatenate3A_87, %get3A_1 : vector<10112x1xi32>
    %max3A_89 = arith.maximumf %get3A_79, %concatenate3A_83 : vector<10112x128xf32>
    %broadcast_in_dim3A_90 = vector.shape_cast %eq3A_88 : vector<10112x1xi1> to vector<10112x1xi1>
    %broadcast_in_dim3A_91 = vector.broadcast %broadcast_in_dim3A_90 : vector<10112x1xi1> to vector<10112x128xi1>
    %select_n3A_92 = arith.select %broadcast_in_dim3A_91, %max3A_89, %get3A_79 : vector<10112x128xi1>, vector<10112x128xf32>
    %swap3A_93 = arith.constant 0 : index
    %swap3A_94 = arith.constant 0 : index
    %swap3A_95 = vector.load %arg2[%swap3A_93, %swap3A_94] : memref<10112x128xf32, #tpu.memory_space<vmem>>, vector<10112x128xf32>
    tpu.vector_store %arg2[%swap3A_93, %swap3A_94], %select_n3A_92 {strides = array<i32>} : memref<10112x128xf32, #tpu.memory_space<vmem>>, vector<10112x128xf32>,
    %get3A_96 = arith.constant 0 : index
    %get3A_97 = arith.constant 0 : index
    %get3A_98 = vector.load %arg2[%get3A_96, %get3A_97] : memref<10112x128xf32, #tpu.memory_space<vmem>>, vector<10112x128xf32>
    %broadcast_in_dim3A_99 = arith.constant -3.40282347E+38 : f32
    %broadcast_in_dim3A_100 = vector.broadcast %broadcast_in_dim3A_99 : f32 to vector<32x128xf32>
    %slice3A_101 = vector.extract_strided_slice %get3A_98 {offsets = [0, 0], sizes = [10080, 128], strides = [1, 1]} : vector<10112x128xf32> to vector<10080x128xf32>
    %concatenate3A_102 = tpu.concatenate %broadcast_in_dim3A_100, %slice3A_101 in 0 : vector<32x128xf32>, vector<10080x128xf32> -> vector<10112x128xf32>
    %broadcast_in_dim3A_103 = arith.constant -1 : i32
    %broadcast_in_dim3A_104 = vector.broadcast %broadcast_in_dim3A_103 : i32 to vector<32x1xi32>
    %slice3A_105 = vector.extract_strided_slice %get3A_1 {offsets = [0, 0], sizes = [10080, 1], strides = [1, 1]} : vector<10112x1xi32> to vector<10080x1xi32>
    %concatenate3A_106 = tpu.concatenate %broadcast_in_dim3A_104, %slice3A_105 in 0 : vector<32x1xi32>, vector<10080x1xi32> -> vector<10112x1xi32>
    %eq3A_107 = arith.cmpi eq, %concatenate3A_106, %get3A_1 : vector<10112x1xi32>
    %max3A_108 = arith.maximumf %get3A_98, %concatenate3A_102 : vector<10112x128xf32>
    %broadcast_in_dim3A_109 = vector.shape_cast %eq3A_107 : vector<10112x1xi1> to vector<10112x1xi1>
    %broadcast_in_dim3A_110 = vector.broadcast %broadcast_in_dim3A_109 : vector<10112x1xi1> to vector<10112x128xi1>
    %select_n3A_111 = arith.select %broadcast_in_dim3A_110, %max3A_108, %get3A_98 : vector<10112x128xi1>, vector<10112x128xf32>
    %swap3A_112 = arith.constant 0 : index
    %swap3A_113 = arith.constant 0 : index
    %swap3A_114 = vector.load %arg2[%swap3A_112, %swap3A_113] : memref<10112x128xf32, #tpu.memory_space<vmem>>, vector<10112x128xf32>
    tpu.vector_store %arg2[%swap3A_112, %swap3A_113], %select_n3A_111 {strides = array<i32>} : memref<10112x128xf32, #tpu.memory_space<vmem>>, vector<10112x128xf32>,
    %get3A_115 = arith.constant 0 : index
    %get3A_116 = arith.constant 0 : index
    %get3A_117 = vector.load %arg2[%get3A_115, %get3A_116] : memref<10112x128xf32, #tpu.memory_space<vmem>>, vector<10112x128xf32>
    %broadcast_in_dim3A_118 = arith.constant -3.40282347E+38 : f32
    %broadcast_in_dim3A_119 = vector.broadcast %broadcast_in_dim3A_118 : f32 to vector<64x128xf32>
    %slice3A_120 = vector.extract_strided_slice %get3A_117 {offsets = [0, 0], sizes = [10048, 128], strides = [1, 1]} : vector<10112x128xf32> to vector<10048x128xf32>
    %concatenate3A_121 = tpu.concatenate %broadcast_in_dim3A_119, %slice3A_120 in 0 : vector<64x128xf32>, vector<10048x128xf32> -> vector<10112x128xf32>
    %broadcast_in_dim3A_122 = arith.constant -1 : i32
    %broadcast_in_dim3A_123 = vector.broadcast %broadcast_in_dim3A_122 : i32 to vector<64x1xi32>
    %slice3A_124 = vector.extract_strided_slice %get3A_1 {offsets = [0, 0], sizes = [10048, 1], strides = [1, 1]} : vector<10112x1xi32> to vector<10048x1xi32>
    %concatenate3A_125 = tpu.concatenate %broadcast_in_dim3A_123, %slice3A_124 in 0 : vector<64x1xi32>, vector<10048x1xi32> -> vector<10112x1xi32>
    %eq3A_126 = arith.cmpi eq, %concatenate3A_125, %get3A_1 : vector<10112x1xi32>
    %max3A_127 = arith.maximumf %get3A_117, %concatenate3A_121 : vector<10112x128xf32>
    %broadcast_in_dim3A_128 = vector.shape_cast %eq3A_126 : vector<10112x1xi1> to vector<10112x1xi1>
    %broadcast_in_dim3A_129 = vector.broadcast %broadcast_in_dim3A_128 : vector<10112x1xi1> to vector<10112x128xi1>
    %select_n3A_130 = arith.select %broadcast_in_dim3A_129, %max3A_127, %get3A_117 : vector<10112x128xi1>, vector<10112x128xf32>
    %swap3A_131 = arith.constant 0 : index
    %swap3A_132 = arith.constant 0 : index
    %swap3A_133 = vector.load %arg2[%swap3A_131, %swap3A_132] : memref<10112x128xf32, #tpu.memory_space<vmem>>, vector<10112x128xf32>
    tpu.vector_store %arg2[%swap3A_131, %swap3A_132], %select_n3A_130 {strides = array<i32>} : memref<10112x128xf32, #tpu.memory_space<vmem>>, vector<10112x128xf32>,
    %get3A_134 = arith.constant 0 : index
    %get3A_135 = arith.constant 0 : index
    %get3A_136 = vector.load %arg2[%get3A_134, %get3A_135] : memref<10112x128xf32, #tpu.memory_space<vmem>>, vector<10112x128xf32>
    %broadcast_in_dim3A_137 = arith.constant -3.40282347E+38 : f32
    %broadcast_in_dim3A_138 = vector.broadcast %broadcast_in_dim3A_137 : f32 to vector<128x128xf32>
    %slice3A_139 = vector.extract_strided_slice %get3A_136 {offsets = [0, 0], sizes = [9984, 128], strides = [1, 1]} : vector<10112x128xf32> to vector<9984x128xf32>
    %concatenate3A_140 = tpu.concatenate %broadcast_in_dim3A_138, %slice3A_139 in 0 : vector<128x128xf32>, vector<9984x128xf32> -> vector<10112x128xf32>
    %broadcast_in_dim3A_141 = arith.constant -1 : i32
    %broadcast_in_dim3A_142 = vector.broadcast %broadcast_in_dim3A_141 : i32 to vector<128x1xi32>
    %slice3A_143 = vector.extract_strided_slice %get3A_1 {offsets = [0, 0], sizes = [9984, 1], strides = [1, 1]} : vector<10112x1xi32> to vector<9984x1xi32>
    %concatenate3A_144 = tpu.concatenate %broadcast_in_dim3A_142, %slice3A_143 in 0 : vector<128x1xi32>, vector<9984x1xi32> -> vector<10112x1xi32>
    %eq3A_145 = arith.cmpi eq, %concatenate3A_144, %get3A_1 : vector<10112x1xi32>
    %max3A_146 = arith.maximumf %get3A_136, %concatenate3A_140 : vector<10112x128xf32>
    %broadcast_in_dim3A_147 = vector.shape_cast %eq3A_145 : vector<10112x1xi1> to vector<10112x1xi1>
    %broadcast_in_dim3A_148 = vector.broadcast %broadcast_in_dim3A_147 : vector<10112x1xi1> to vector<10112x128xi1>
    %select_n3A_149 = arith.select %broadcast_in_dim3A_148, %max3A_146, %get3A_136 : vector<10112x128xi1>, vector<10112x128xf32>
    %swap3A_150 = arith.constant 0 : index
    %swap3A_151 = arith.constant 0 : index
    %swap3A_152 = vector.load %arg2[%swap3A_150, %swap3A_151] : memref<10112x128xf32, #tpu.memory_space<vmem>>, vector<10112x128xf32>
    tpu.vector_store %arg2[%swap3A_150, %swap3A_151], %select_n3A_149 {strides = array<i32>} : memref<10112x128xf32, #tpu.memory_space<vmem>>, vector<10112x128xf32>,
    %get3A_153 = arith.constant 0 : index
    %get3A_154 = arith.constant 0 : index
    %get3A_155 = vector.load %arg2[%get3A_153, %get3A_154] : memref<10112x128xf32, #tpu.memory_space<vmem>>, vector<10112x128xf32>
    %broadcast_in_dim3A_156 = arith.constant -3.40282347E+38 : f32
    %broadcast_in_dim3A_157 = vector.broadcast %broadcast_in_dim3A_156 : f32 to vector<256x128xf32>
    %slice3A_158 = vector.extract_strided_slice %get3A_155 {offsets = [0, 0], sizes = [9856, 128], strides = [1, 1]} : vector<10112x128xf32> to vector<9856x128xf32>
    %concatenate3A_159 = tpu.concatenate %broadcast_in_dim3A_157, %slice3A_158 in 0 : vector<256x128xf32>, vector<9856x128xf32> -> vector<10112x128xf32>
    %broadcast_in_dim3A_160 = arith.constant -1 : i32
    %broadcast_in_dim3A_161 = vector.broadcast %broadcast_in_dim3A_160 : i32 to vector<256x1xi32>
    %slice3A_162 = vector.extract_strided_slice %get3A_1 {offsets = [0, 0], sizes = [9856, 1], strides = [1, 1]} : vector<10112x1xi32> to vector<9856x1xi32>
    %concatenate3A_163 = tpu.concatenate %broadcast_in_dim3A_161, %slice3A_162 in 0 : vector<256x1xi32>, vector<9856x1xi32> -> vector<10112x1xi32>
    %eq3A_164 = arith.cmpi eq, %concatenate3A_163, %get3A_1 : vector<10112x1xi32>
    %max3A_165 = arith.maximumf %get3A_155, %concatenate3A_159 : vector<10112x128xf32>
    %broadcast_in_dim3A_166 = vector.shape_cast %eq3A_164 : vector<10112x1xi1> to vector<10112x1xi1>
    %broadcast_in_dim3A_167 = vector.broadcast %broadcast_in_dim3A_166 : vector<10112x1xi1> to vector<10112x128xi1>
    %select_n3A_168 = arith.select %broadcast_in_dim3A_167, %max3A_165, %get3A_155 : vector<10112x128xi1>, vector<10112x128xf32>
    %swap3A_169 = arith.constant 0 : index
    %swap3A_170 = arith.constant 0 : index
    %swap3A_171 = vector.load %arg2[%swap3A_169, %swap3A_170] : memref<10112x128xf32, #tpu.memory_space<vmem>>, vector<10112x128xf32>
    tpu.vector_store %arg2[%swap3A_169, %swap3A_170], %select_n3A_168 {strides = array<i32>} : memref<10112x128xf32, #tpu.memory_space<vmem>>, vector<10112x128xf32>,
    %get3A_172 = arith.constant 0 : index
    %get3A_173 = arith.constant 0 : index
    %get3A_174 = vector.load %arg2[%get3A_172, %get3A_173] : memref<10112x128xf32, #tpu.memory_space<vmem>>, vector<10112x128xf32>
    %broadcast_in_dim3A_175 = arith.constant -3.40282347E+38 : f32
    %broadcast_in_dim3A_176 = vector.broadcast %broadcast_in_dim3A_175 : f32 to vector<512x128xf32>
    %slice3A_177 = vector.extract_strided_slice %get3A_174 {offsets = [0, 0], sizes = [9600, 128], strides = [1, 1]} : vector<10112x128xf32> to vector<9600x128xf32>
    %concatenate3A_178 = tpu.concatenate %broadcast_in_dim3A_176, %slice3A_177 in 0 : vector<512x128xf32>, vector<9600x128xf32> -> vector<10112x128xf32>
    %broadcast_in_dim3A_179 = arith.constant -1 : i32
    %broadcast_in_dim3A_180 = vector.broadcast %broadcast_in_dim3A_179 : i32 to vector<512x1xi32>
    %slice3A_181 = vector.extract_strided_slice %get3A_1 {offsets = [0, 0], sizes = [9600, 1], strides = [1, 1]} : vector<10112x1xi32> to vector<9600x1xi32>
    %concatenate3A_182 = tpu.concatenate %broadcast_in_dim3A_180, %slice3A_181 in 0 : vector<512x1xi32>, vector<9600x1xi32> -> vector<10112x1xi32>
    %eq3A_183 = arith.cmpi eq, %concatenate3A_182, %get3A_1 : vector<10112x1xi32>
    %max3A_184 = arith.maximumf %get3A_174, %concatenate3A_178 : vector<10112x128xf32>
    %broadcast_in_dim3A_185 = vector.shape_cast %eq3A_183 : vector<10112x1xi1> to vector<10112x1xi1>
    %broadcast_in_dim3A_186 = vector.broadcast %broadcast_in_dim3A_185 : vector<10112x1xi1> to vector<10112x128xi1>
    %select_n3A_187 = arith.select %broadcast_in_dim3A_186, %max3A_184, %get3A_174 : vector<10112x128xi1>, vector<10112x128xf32>
    %swap3A_188 = arith.constant 0 : index
    %swap3A_189 = arith.constant 0 : index
    %swap3A_190 = vector.load %arg2[%swap3A_188, %swap3A_189] : memref<10112x128xf32, #tpu.memory_space<vmem>>, vector<10112x128xf32>
    tpu.vector_store %arg2[%swap3A_188, %swap3A_189], %select_n3A_187 {strides = array<i32>} : memref<10112x128xf32, #tpu.memory_space<vmem>>, vector<10112x128xf32>,
    %get3A_191 = arith.constant 0 : index
    %get3A_192 = arith.constant 0 : index
    %get3A_193 = vector.load %arg2[%get3A_191, %get3A_192] : memref<10112x128xf32, #tpu.memory_space<vmem>>, vector<10112x128xf32>
    %broadcast_in_dim3A_194 = arith.constant -3.40282347E+38 : f32
    %broadcast_in_dim3A_195 = vector.broadcast %broadcast_in_dim3A_194 : f32 to vector<1024x128xf32>
    %slice3A_196 = vector.extract_strided_slice %get3A_193 {offsets = [0, 0], sizes = [9088, 128], strides = [1, 1]} : vector<10112x128xf32> to vector<9088x128xf32>
    %concatenate3A_197 = tpu.concatenate %broadcast_in_dim3A_195, %slice3A_196 in 0 : vector<1024x128xf32>, vector<9088x128xf32> -> vector<10112x128xf32>
    %broadcast_in_dim3A_198 = arith.constant -1 : i32
    %broadcast_in_dim3A_199 = vector.broadcast %broadcast_in_dim3A_198 : i32 to vector<1024x1xi32>
    %slice3A_200 = vector.extract_strided_slice %get3A_1 {offsets = [0, 0], sizes = [9088, 1], strides = [1, 1]} : vector<10112x1xi32> to vector<9088x1xi32>
    %concatenate3A_201 = tpu.concatenate %broadcast_in_dim3A_199, %slice3A_200 in 0 : vector<1024x1xi32>, vector<9088x1xi32> -> vector<10112x1xi32>
    %eq3A_202 = arith.cmpi eq, %concatenate3A_201, %get3A_1 : vector<10112x1xi32>
    %max3A_203 = arith.maximumf %get3A_193, %concatenate3A_197 : vector<10112x128xf32>
    %broadcast_in_dim3A_204 = vector.shape_cast %eq3A_202 : vector<10112x1xi1> to vector<10112x1xi1>
    %broadcast_in_dim3A_205 = vector.broadcast %broadcast_in_dim3A_204 : vector<10112x1xi1> to vector<10112x128xi1>
    %select_n3A_206 = arith.select %broadcast_in_dim3A_205, %max3A_203, %get3A_193 : vector<10112x128xi1>, vector<10112x128xf32>
    %swap3A_207 = arith.constant 0 : index
    %swap3A_208 = arith.constant 0 : index
    %swap3A_209 = vector.load %arg2[%swap3A_207, %swap3A_208] : memref<10112x128xf32, #tpu.memory_space<vmem>>, vector<10112x128xf32>
    tpu.vector_store %arg2[%swap3A_207, %swap3A_208], %select_n3A_206 {strides = array<i32>} : memref<10112x128xf32, #tpu.memory_space<vmem>>, vector<10112x128xf32>,
    %get3A_210 = arith.constant 0 : index
    %get3A_211 = arith.constant 0 : index
    %get3A_212 = vector.load %arg2[%get3A_210, %get3A_211] : memref<10112x128xf32, #tpu.memory_space<vmem>>, vector<10112x128xf32>
    %broadcast_in_dim3A_213 = arith.constant -3.40282347E+38 : f32
    %broadcast_in_dim3A_214 = vector.broadcast %broadcast_in_dim3A_213 : f32 to vector<2048x128xf32>
    %slice3A_215 = vector.extract_strided_slice %get3A_212 {offsets = [0, 0], sizes = [8064, 128], strides = [1, 1]} : vector<10112x128xf32> to vector<8064x128xf32>
    %concatenate3A_216 = tpu.concatenate %broadcast_in_dim3A_214, %slice3A_215 in 0 : vector<2048x128xf32>, vector<8064x128xf32> -> vector<10112x128xf32>
    %broadcast_in_dim3A_217 = arith.constant -1 : i32
    %broadcast_in_dim3A_218 = vector.broadcast %broadcast_in_dim3A_217 : i32 to vector<2048x1xi32>
    %slice3A_219 = vector.extract_strided_slice %get3A_1 {offsets = [0, 0], sizes = [8064, 1], strides = [1, 1]} : vector<10112x1xi32> to vector<8064x1xi32>
    %concatenate3A_220 = tpu.concatenate %broadcast_in_dim3A_218, %slice3A_219 in 0 : vector<2048x1xi32>, vector<8064x1xi32> -> vector<10112x1xi32>
    %eq3A_221 = arith.cmpi eq, %concatenate3A_220, %get3A_1 : vector<10112x1xi32>
    %max3A_222 = arith.maximumf %get3A_212, %concatenate3A_216 : vector<10112x128xf32>
    %broadcast_in_dim3A_223 = vector.shape_cast %eq3A_221 : vector<10112x1xi1> to vector<10112x1xi1>
    %broadcast_in_dim3A_224 = vector.broadcast %broadcast_in_dim3A_223 : vector<10112x1xi1> to vector<10112x128xi1>
    %select_n3A_225 = arith.select %broadcast_in_dim3A_224, %max3A_222, %get3A_212 : vector<10112x128xi1>, vector<10112x128xf32>
    %swap3A_226 = arith.constant 0 : index
    %swap3A_227 = arith.constant 0 : index
    %swap3A_228 = vector.load %arg2[%swap3A_226, %swap3A_227] : memref<10112x128xf32, #tpu.memory_space<vmem>>, vector<10112x128xf32>
    tpu.vector_store %arg2[%swap3A_226, %swap3A_227], %select_n3A_225 {strides = array<i32>} : memref<10112x128xf32, #tpu.memory_space<vmem>>, vector<10112x128xf32>,
    %get3A_229 = arith.constant 0 : index
    %get3A_230 = arith.constant 0 : index
    %get3A_231 = vector.load %arg2[%get3A_229, %get3A_230] : memref<10112x128xf32, #tpu.memory_space<vmem>>, vector<10112x128xf32>
    %broadcast_in_dim3A_232 = arith.constant -3.40282347E+38 : f32
    %broadcast_in_dim3A_233 = vector.broadcast %broadcast_in_dim3A_232 : f32 to vector<4096x128xf32>
    %slice3A_234 = vector.extract_strided_slice %get3A_231 {offsets = [0, 0], sizes = [6016, 128], strides = [1, 1]} : vector<10112x128xf32> to vector<6016x128xf32>
    %concatenate3A_235 = tpu.concatenate %broadcast_in_dim3A_233, %slice3A_234 in 0 : vector<4096x128xf32>, vector<6016x128xf32> -> vector<10112x128xf32>
    %broadcast_in_dim3A_236 = arith.constant -1 : i32
    %broadcast_in_dim3A_237 = vector.broadcast %broadcast_in_dim3A_236 : i32 to vector<4096x1xi32>
    %slice3A_238 = vector.extract_strided_slice %get3A_1 {offsets = [0, 0], sizes = [6016, 1], strides = [1, 1]} : vector<10112x1xi32> to vector<6016x1xi32>
    %concatenate3A_239 = tpu.concatenate %broadcast_in_dim3A_237, %slice3A_238 in 0 : vector<4096x1xi32>, vector<6016x1xi32> -> vector<10112x1xi32>
    %eq3A_240 = arith.cmpi eq, %concatenate3A_239, %get3A_1 : vector<10112x1xi32>
    %max3A_241 = arith.maximumf %get3A_231, %concatenate3A_235 : vector<10112x128xf32>
    %broadcast_in_dim3A_242 = vector.shape_cast %eq3A_240 : vector<10112x1xi1> to vector<10112x1xi1>
    %broadcast_in_dim3A_243 = vector.broadcast %broadcast_in_dim3A_242 : vector<10112x1xi1> to vector<10112x128xi1>
    %select_n3A_244 = arith.select %broadcast_in_dim3A_243, %max3A_241, %get3A_231 : vector<10112x128xi1>, vector<10112x128xf32>
    %swap3A_245 = arith.constant 0 : index
    %swap3A_246 = arith.constant 0 : index
    %swap3A_247 = vector.load %arg2[%swap3A_245, %swap3A_246] : memref<10112x128xf32, #tpu.memory_space<vmem>>, vector<10112x128xf32>
    tpu.vector_store %arg2[%swap3A_245, %swap3A_246], %select_n3A_244 {strides = array<i32>} : memref<10112x128xf32, #tpu.memory_space<vmem>>, vector<10112x128xf32>,
    %get3A_248 = arith.constant 0 : index
    %get3A_249 = arith.constant 0 : index
    %get3A_250 = vector.load %arg2[%get3A_248, %get3A_249] : memref<10112x128xf32, #tpu.memory_space<vmem>>, vector<10112x128xf32>
    %broadcast_in_dim3A_251 = arith.constant -3.40282347E+38 : f32
    %broadcast_in_dim3A_252 = vector.broadcast %broadcast_in_dim3A_251 : f32 to vector<8192x128xf32>
    %slice3A_253 = vector.extract_strided_slice %get3A_250 {offsets = [0, 0], sizes = [1920, 128], strides = [1, 1]} : vector<10112x128xf32> to vector<1920x128xf32>
    %concatenate3A_254 = tpu.concatenate %broadcast_in_dim3A_252, %slice3A_253 in 0 : vector<8192x128xf32>, vector<1920x128xf32> -> vector<10112x128xf32>
    %broadcast_in_dim3A_255 = arith.constant -1 : i32
    %broadcast_in_dim3A_256 = vector.broadcast %broadcast_in_dim3A_255 : i32 to vector<8192x1xi32>
    %slice3A_257 = vector.extract_strided_slice %get3A_1 {offsets = [0, 0], sizes = [1920, 1], strides = [1, 1]} : vector<10112x1xi32> to vector<1920x1xi32>
    %concatenate3A_258 = tpu.concatenate %broadcast_in_dim3A_256, %slice3A_257 in 0 : vector<8192x1xi32>, vector<1920x1xi32> -> vector<10112x1xi32>
    %eq3A_259 = arith.cmpi eq, %concatenate3A_258, %get3A_1 : vector<10112x1xi32>
    %max3A_260 = arith.maximumf %get3A_250, %concatenate3A_254 : vector<10112x128xf32>
    %broadcast_in_dim3A_261 = vector.shape_cast %eq3A_259 : vector<10112x1xi1> to vector<10112x1xi1>
    %broadcast_in_dim3A_262 = vector.broadcast %broadcast_in_dim3A_261 : vector<10112x1xi1> to vector<10112x128xi1>
    %select_n3A_263 = arith.select %broadcast_in_dim3A_262, %max3A_260, %get3A_250 : vector<10112x128xi1>, vector<10112x128xf32>
    %swap3A_264 = arith.constant 0 : index
    %swap3A_265 = arith.constant 0 : index
    %swap3A_266 = vector.load %arg2[%swap3A_264, %swap3A_265] : memref<10112x128xf32, #tpu.memory_space<vmem>>, vector<10112x128xf32>
    tpu.vector_store %arg2[%swap3A_264, %swap3A_265], %select_n3A_263 {strides = array<i32>} : memref<10112x128xf32, #tpu.memory_space<vmem>>, vector<10112x128xf32>,
    return
  }
}

module attributes {stable_mosaic.version = 14 : i64} {
  func.func @_pool_body(%arg0: memref<10112x128xf32, #tpu.memory_space<vmem>>, %arg1: memref<10112x1xi32, #tpu.memory_space<vmem>>, %arg2: memref<128x128xf32, #tpu.memory_space<vmem>>, %arg3: memref<128xf32, #tpu.memory_space<vmem>>, %arg4: memref<512x128xf32, #tpu.memory_space<vmem>>) attributes {dimension_semantics = [], scalar_prefetch = 0 : i64, scratch_operands = 0 : i64, tpu.core_type = #tpu.core_type<tc>} {
    %get3A = arith.constant 0 : index
    %get3A_0 = arith.constant 0 : index
    %get3A_1 = vector.load %arg1[%get3A, %get3A_0] : memref<10112x1xi32, #tpu.memory_space<vmem>>, vector<10112x1xi32>
    %get3A_2 = arith.constant 0 : index
    %get3A_3 = arith.constant 0 : index
    %get3A_4 = vector.load %arg0[%get3A_2, %get3A_3] : memref<10112x128xf32, #tpu.memory_space<vmem>>, vector<10112x128xf32>
    %slice3A = vector.extract_strided_slice %get3A_1 {offsets = [1, 0], sizes = [10111, 1], strides = [1, 1]} : vector<10112x1xi32> to vector<10111x1xi32>
    %broadcast_in_dim3A = arith.constant -1 : i32
    %broadcast_in_dim3A_5 = vector.broadcast %broadcast_in_dim3A : i32 to vector<1x1xi32>
    %concatenate3A = tpu.concatenate %slice3A, %broadcast_in_dim3A_5 in 0 : vector<10111x1xi32>, vector<1x1xi32> -> vector<10112x1xi32>
    %ne3A = arith.cmpi ne, %get3A_1, %concatenate3A : vector<10112x1xi32>
    %convert_element_type3A = arith.extui %ne3A : vector<10112x1xi1> to vector<10112x1xi32>
    %convert_element_type3A_6 = arith.sitofp %convert_element_type3A : vector<10112x1xi32> to vector<10112x1xf32>
    %iota3A = tpu.iota {dimensions = array<i32: 1>} : vector<1264x512xi32>
    %broadcast_in_dim3A_7 = arith.constant 0.000000e+00 : f32
    %broadcast_in_dim3A_8 = vector.broadcast %broadcast_in_dim3A_7 : f32 to vector<512x128xf32>
    %broadcast_in_dim3A_9 = arith.constant 0.000000e+00 : f32
    %broadcast_in_dim3A_10 = vector.broadcast %broadcast_in_dim3A_9 : f32 to vector<512xf32>
    %slice3A_11 = vector.extract_strided_slice %get3A_1 {offsets = [0, 0], sizes = [1264, 1], strides = [1, 1]} : vector<10112x1xi32> to vector<1264x1xi32>
    %eq3A = vector.broadcast %slice3A_11 : vector<1264x1xi32> to vector<1264x512xi32>
    %eq3A_12 = arith.cmpi eq, %eq3A, %iota3A : vector<1264x512xi32>
    %convert_element_type3A_13 = arith.extui %eq3A_12 : vector<1264x512xi1> to vector<1264x512xi32>
    %convert_element_type3A_14 = arith.sitofp %convert_element_type3A_13 : vector<1264x512xi32> to vector<1264x512xf32>
    %slice3A_15 = vector.extract_strided_slice %convert_element_type3A_6 {offsets = [0, 0], sizes = [1264, 1], strides = [1, 1]} : vector<10112x1xf32> to vector<1264x1xf32>
    %mul3A = vector.broadcast %slice3A_15 : vector<1264x1xf32> to vector<1264x512xf32>
    %mul3A_16 = arith.mulf %convert_element_type3A_14, %mul3A : vector<1264x512xf32>
    %slice3A_17 = vector.extract_strided_slice %get3A_4 {offsets = [0, 0], sizes = [1264, 128], strides = [1, 1]} : vector<10112x128xf32> to vector<1264x128xf32>
    %dot_general3A = arith.constant dense<0.000000e+00> : vector<512x128xf32>
    %dot_general3A_18 = tpu.matmul %mul3A_16, %slice3A_17, %dot_general3A {dimension_numbers = #tpu.dot_dimension_numbers<[0], [0], [1], [1], [0, 1, 1, 1], [], []>, precision = #tpu.contract_precision<fp32>, transpose_lhs_hint = false} : vector<1264x512xf32>, vector<1264x128xf32>, vector<512x128xf32> -> vector<512x128xf32>
    %add3A = arith.addf %broadcast_in_dim3A_8, %dot_general3A_18 : vector<512x128xf32>
    %reduce_sum3A = arith.constant dense<0.000000e+00> : vector<512xf32>
    %reduce_sum3A_19 = vector.multi_reduction <add>, %convert_element_type3A_14, %reduce_sum3A [0] : vector<1264x512xf32> to vector<512xf32>
    %add3A_20 = arith.addf %broadcast_in_dim3A_10, %reduce_sum3A_19 : vector<512xf32>
    %slice3A_21 = vector.extract_strided_slice %get3A_1 {offsets = [1264, 0], sizes = [1264, 1], strides = [1, 1]} : vector<10112x1xi32> to vector<1264x1xi32>
    %eq3A_22 = vector.broadcast %slice3A_21 : vector<1264x1xi32> to vector<1264x512xi32>
    %eq3A_23 = arith.cmpi eq, %eq3A_22, %iota3A : vector<1264x512xi32>
    %convert_element_type3A_24 = arith.extui %eq3A_23 : vector<1264x512xi1> to vector<1264x512xi32>
    %convert_element_type3A_25 = arith.sitofp %convert_element_type3A_24 : vector<1264x512xi32> to vector<1264x512xf32>
    %slice3A_26 = vector.extract_strided_slice %convert_element_type3A_6 {offsets = [1264, 0], sizes = [1264, 1], strides = [1, 1]} : vector<10112x1xf32> to vector<1264x1xf32>
    %mul3A_27 = vector.broadcast %slice3A_26 : vector<1264x1xf32> to vector<1264x512xf32>
    %mul3A_28 = arith.mulf %convert_element_type3A_25, %mul3A_27 : vector<1264x512xf32>
    %slice3A_29 = vector.extract_strided_slice %get3A_4 {offsets = [1264, 0], sizes = [1264, 128], strides = [1, 1]} : vector<10112x128xf32> to vector<1264x128xf32>
    %dot_general3A_30 = arith.constant dense<0.000000e+00> : vector<512x128xf32>
    %dot_general3A_31 = tpu.matmul %mul3A_28, %slice3A_29, %dot_general3A_30 {dimension_numbers = #tpu.dot_dimension_numbers<[0], [0], [1], [1], [0, 1, 1, 1], [], []>, precision = #tpu.contract_precision<fp32>, transpose_lhs_hint = false} : vector<1264x512xf32>, vector<1264x128xf32>, vector<512x128xf32> -> vector<512x128xf32>
    %add3A_32 = arith.addf %add3A, %dot_general3A_31 : vector<512x128xf32>
    %reduce_sum3A_33 = arith.constant dense<0.000000e+00> : vector<512xf32>
    %reduce_sum3A_34 = vector.multi_reduction <add>, %convert_element_type3A_25, %reduce_sum3A_33 [0] : vector<1264x512xf32> to vector<512xf32>
    %add3A_35 = arith.addf %add3A_20, %reduce_sum3A_34 : vector<512xf32>
    %slice3A_36 = vector.extract_strided_slice %get3A_1 {offsets = [2528, 0], sizes = [1264, 1], strides = [1, 1]} : vector<10112x1xi32> to vector<1264x1xi32>
    %eq3A_37 = vector.broadcast %slice3A_36 : vector<1264x1xi32> to vector<1264x512xi32>
    %eq3A_38 = arith.cmpi eq, %eq3A_37, %iota3A : vector<1264x512xi32>
    %convert_element_type3A_39 = arith.extui %eq3A_38 : vector<1264x512xi1> to vector<1264x512xi32>
    %convert_element_type3A_40 = arith.sitofp %convert_element_type3A_39 : vector<1264x512xi32> to vector<1264x512xf32>
    %slice3A_41 = vector.extract_strided_slice %convert_element_type3A_6 {offsets = [2528, 0], sizes = [1264, 1], strides = [1, 1]} : vector<10112x1xf32> to vector<1264x1xf32>
    %mul3A_42 = vector.broadcast %slice3A_41 : vector<1264x1xf32> to vector<1264x512xf32>
    %mul3A_43 = arith.mulf %convert_element_type3A_40, %mul3A_42 : vector<1264x512xf32>
    %slice3A_44 = vector.extract_strided_slice %get3A_4 {offsets = [2528, 0], sizes = [1264, 128], strides = [1, 1]} : vector<10112x128xf32> to vector<1264x128xf32>
    %dot_general3A_45 = arith.constant dense<0.000000e+00> : vector<512x128xf32>
    %dot_general3A_46 = tpu.matmul %mul3A_43, %slice3A_44, %dot_general3A_45 {dimension_numbers = #tpu.dot_dimension_numbers<[0], [0], [1], [1], [0, 1, 1, 1], [], []>, precision = #tpu.contract_precision<fp32>, transpose_lhs_hint = false} : vector<1264x512xf32>, vector<1264x128xf32>, vector<512x128xf32> -> vector<512x128xf32>
    %add3A_47 = arith.addf %add3A_32, %dot_general3A_46 : vector<512x128xf32>
    %reduce_sum3A_48 = arith.constant dense<0.000000e+00> : vector<512xf32>
    %reduce_sum3A_49 = vector.multi_reduction <add>, %convert_element_type3A_40, %reduce_sum3A_48 [0] : vector<1264x512xf32> to vector<512xf32>
    %add3A_50 = arith.addf %add3A_35, %reduce_sum3A_49 : vector<512xf32>
    %slice3A_51 = vector.extract_strided_slice %get3A_1 {offsets = [3792, 0], sizes = [1264, 1], strides = [1, 1]} : vector<10112x1xi32> to vector<1264x1xi32>
    %eq3A_52 = vector.broadcast %slice3A_51 : vector<1264x1xi32> to vector<1264x512xi32>
    %eq3A_53 = arith.cmpi eq, %eq3A_52, %iota3A : vector<1264x512xi32>
    %convert_element_type3A_54 = arith.extui %eq3A_53 : vector<1264x512xi1> to vector<1264x512xi32>
    %convert_element_type3A_55 = arith.sitofp %convert_element_type3A_54 : vector<1264x512xi32> to vector<1264x512xf32>
    %slice3A_56 = vector.extract_strided_slice %convert_element_type3A_6 {offsets = [3792, 0], sizes = [1264, 1], strides = [1, 1]} : vector<10112x1xf32> to vector<1264x1xf32>
    %mul3A_57 = vector.broadcast %slice3A_56 : vector<1264x1xf32> to vector<1264x512xf32>
    %mul3A_58 = arith.mulf %convert_element_type3A_55, %mul3A_57 : vector<1264x512xf32>
    %slice3A_59 = vector.extract_strided_slice %get3A_4 {offsets = [3792, 0], sizes = [1264, 128], strides = [1, 1]} : vector<10112x128xf32> to vector<1264x128xf32>
    %dot_general3A_60 = arith.constant dense<0.000000e+00> : vector<512x128xf32>
    %dot_general3A_61 = tpu.matmul %mul3A_58, %slice3A_59, %dot_general3A_60 {dimension_numbers = #tpu.dot_dimension_numbers<[0], [0], [1], [1], [0, 1, 1, 1], [], []>, precision = #tpu.contract_precision<fp32>, transpose_lhs_hint = false} : vector<1264x512xf32>, vector<1264x128xf32>, vector<512x128xf32> -> vector<512x128xf32>
    %add3A_62 = arith.addf %add3A_47, %dot_general3A_61 : vector<512x128xf32>
    %reduce_sum3A_63 = arith.constant dense<0.000000e+00> : vector<512xf32>
    %reduce_sum3A_64 = vector.multi_reduction <add>, %convert_element_type3A_55, %reduce_sum3A_63 [0] : vector<1264x512xf32> to vector<512xf32>
    %add3A_65 = arith.addf %add3A_50, %reduce_sum3A_64 : vector<512xf32>
    %slice3A_66 = vector.extract_strided_slice %get3A_1 {offsets = [5056, 0], sizes = [1264, 1], strides = [1, 1]} : vector<10112x1xi32> to vector<1264x1xi32>
    %eq3A_67 = vector.broadcast %slice3A_66 : vector<1264x1xi32> to vector<1264x512xi32>
    %eq3A_68 = arith.cmpi eq, %eq3A_67, %iota3A : vector<1264x512xi32>
    %convert_element_type3A_69 = arith.extui %eq3A_68 : vector<1264x512xi1> to vector<1264x512xi32>
    %convert_element_type3A_70 = arith.sitofp %convert_element_type3A_69 : vector<1264x512xi32> to vector<1264x512xf32>
    %slice3A_71 = vector.extract_strided_slice %convert_element_type3A_6 {offsets = [5056, 0], sizes = [1264, 1], strides = [1, 1]} : vector<10112x1xf32> to vector<1264x1xf32>
    %mul3A_72 = vector.broadcast %slice3A_71 : vector<1264x1xf32> to vector<1264x512xf32>
    %mul3A_73 = arith.mulf %convert_element_type3A_70, %mul3A_72 : vector<1264x512xf32>
    %slice3A_74 = vector.extract_strided_slice %get3A_4 {offsets = [5056, 0], sizes = [1264, 128], strides = [1, 1]} : vector<10112x128xf32> to vector<1264x128xf32>
    %dot_general3A_75 = arith.constant dense<0.000000e+00> : vector<512x128xf32>
    %dot_general3A_76 = tpu.matmul %mul3A_73, %slice3A_74, %dot_general3A_75 {dimension_numbers = #tpu.dot_dimension_numbers<[0], [0], [1], [1], [0, 1, 1, 1], [], []>, precision = #tpu.contract_precision<fp32>, transpose_lhs_hint = false} : vector<1264x512xf32>, vector<1264x128xf32>, vector<512x128xf32> -> vector<512x128xf32>
    %add3A_77 = arith.addf %add3A_62, %dot_general3A_76 : vector<512x128xf32>
    %reduce_sum3A_78 = arith.constant dense<0.000000e+00> : vector<512xf32>
    %reduce_sum3A_79 = vector.multi_reduction <add>, %convert_element_type3A_70, %reduce_sum3A_78 [0] : vector<1264x512xf32> to vector<512xf32>
    %add3A_80 = arith.addf %add3A_65, %reduce_sum3A_79 : vector<512xf32>
    %slice3A_81 = vector.extract_strided_slice %get3A_1 {offsets = [6320, 0], sizes = [1264, 1], strides = [1, 1]} : vector<10112x1xi32> to vector<1264x1xi32>
    %eq3A_82 = vector.broadcast %slice3A_81 : vector<1264x1xi32> to vector<1264x512xi32>
    %eq3A_83 = arith.cmpi eq, %eq3A_82, %iota3A : vector<1264x512xi32>
    %convert_element_type3A_84 = arith.extui %eq3A_83 : vector<1264x512xi1> to vector<1264x512xi32>
    %convert_element_type3A_85 = arith.sitofp %convert_element_type3A_84 : vector<1264x512xi32> to vector<1264x512xf32>
    %slice3A_86 = vector.extract_strided_slice %convert_element_type3A_6 {offsets = [6320, 0], sizes = [1264, 1], strides = [1, 1]} : vector<10112x1xf32> to vector<1264x1xf32>
    %mul3A_87 = vector.broadcast %slice3A_86 : vector<1264x1xf32> to vector<1264x512xf32>
    %mul3A_88 = arith.mulf %convert_element_type3A_85, %mul3A_87 : vector<1264x512xf32>
    %slice3A_89 = vector.extract_strided_slice %get3A_4 {offsets = [6320, 0], sizes = [1264, 128], strides = [1, 1]} : vector<10112x128xf32> to vector<1264x128xf32>
    %dot_general3A_90 = arith.constant dense<0.000000e+00> : vector<512x128xf32>
    %dot_general3A_91 = tpu.matmul %mul3A_88, %slice3A_89, %dot_general3A_90 {dimension_numbers = #tpu.dot_dimension_numbers<[0], [0], [1], [1], [0, 1, 1, 1], [], []>, precision = #tpu.contract_precision<fp32>, transpose_lhs_hint = false} : vector<1264x512xf32>, vector<1264x128xf32>, vector<512x128xf32> -> vector<512x128xf32>
    %add3A_92 = arith.addf %add3A_77, %dot_general3A_91 : vector<512x128xf32>
    %reduce_sum3A_93 = arith.constant dense<0.000000e+00> : vector<512xf32>
    %reduce_sum3A_94 = vector.multi_reduction <add>, %convert_element_type3A_85, %reduce_sum3A_93 [0] : vector<1264x512xf32> to vector<512xf32>
    %add3A_95 = arith.addf %add3A_80, %reduce_sum3A_94 : vector<512xf32>
    %slice3A_96 = vector.extract_strided_slice %get3A_1 {offsets = [7584, 0], sizes = [1264, 1], strides = [1, 1]} : vector<10112x1xi32> to vector<1264x1xi32>
    %eq3A_97 = vector.broadcast %slice3A_96 : vector<1264x1xi32> to vector<1264x512xi32>
    %eq3A_98 = arith.cmpi eq, %eq3A_97, %iota3A : vector<1264x512xi32>
    %convert_element_type3A_99 = arith.extui %eq3A_98 : vector<1264x512xi1> to vector<1264x512xi32>
    %convert_element_type3A_100 = arith.sitofp %convert_element_type3A_99 : vector<1264x512xi32> to vector<1264x512xf32>
    %slice3A_101 = vector.extract_strided_slice %convert_element_type3A_6 {offsets = [7584, 0], sizes = [1264, 1], strides = [1, 1]} : vector<10112x1xf32> to vector<1264x1xf32>
    %mul3A_102 = vector.broadcast %slice3A_101 : vector<1264x1xf32> to vector<1264x512xf32>
    %mul3A_103 = arith.mulf %convert_element_type3A_100, %mul3A_102 : vector<1264x512xf32>
    %slice3A_104 = vector.extract_strided_slice %get3A_4 {offsets = [7584, 0], sizes = [1264, 128], strides = [1, 1]} : vector<10112x128xf32> to vector<1264x128xf32>
    %dot_general3A_105 = arith.constant dense<0.000000e+00> : vector<512x128xf32>
    %dot_general3A_106 = tpu.matmul %mul3A_103, %slice3A_104, %dot_general3A_105 {dimension_numbers = #tpu.dot_dimension_numbers<[0], [0], [1], [1], [0, 1, 1, 1], [], []>, precision = #tpu.contract_precision<fp32>, transpose_lhs_hint = false} : vector<1264x512xf32>, vector<1264x128xf32>, vector<512x128xf32> -> vector<512x128xf32>
    %add3A_107 = arith.addf %add3A_92, %dot_general3A_106 : vector<512x128xf32>
    %reduce_sum3A_108 = arith.constant dense<0.000000e+00> : vector<512xf32>
    %reduce_sum3A_109 = vector.multi_reduction <add>, %convert_element_type3A_100, %reduce_sum3A_108 [0] : vector<1264x512xf32> to vector<512xf32>
    %add3A_110 = arith.addf %add3A_95, %reduce_sum3A_109 : vector<512xf32>
    %slice3A_111 = vector.extract_strided_slice %get3A_1 {offsets = [8848, 0], sizes = [1264, 1], strides = [1, 1]} : vector<10112x1xi32> to vector<1264x1xi32>
    %eq3A_112 = vector.broadcast %slice3A_111 : vector<1264x1xi32> to vector<1264x512xi32>
    %eq3A_113 = arith.cmpi eq, %eq3A_112, %iota3A : vector<1264x512xi32>
    %convert_element_type3A_114 = arith.extui %eq3A_113 : vector<1264x512xi1> to vector<1264x512xi32>
    %convert_element_type3A_115 = arith.sitofp %convert_element_type3A_114 : vector<1264x512xi32> to vector<1264x512xf32>
    %slice3A_116 = vector.extract_strided_slice %convert_element_type3A_6 {offsets = [8848, 0], sizes = [1264, 1], strides = [1, 1]} : vector<10112x1xf32> to vector<1264x1xf32>
    %mul3A_117 = vector.broadcast %slice3A_116 : vector<1264x1xf32> to vector<1264x512xf32>
    %mul3A_118 = arith.mulf %convert_element_type3A_115, %mul3A_117 : vector<1264x512xf32>
    %slice3A_119 = vector.extract_strided_slice %get3A_4 {offsets = [8848, 0], sizes = [1264, 128], strides = [1, 1]} : vector<10112x128xf32> to vector<1264x128xf32>
    %dot_general3A_120 = arith.constant dense<0.000000e+00> : vector<512x128xf32>
    %dot_general3A_121 = tpu.matmul %mul3A_118, %slice3A_119, %dot_general3A_120 {dimension_numbers = #tpu.dot_dimension_numbers<[0], [0], [1], [1], [0, 1, 1, 1], [], []>, precision = #tpu.contract_precision<fp32>, transpose_lhs_hint = false} : vector<1264x512xf32>, vector<1264x128xf32>, vector<512x128xf32> -> vector<512x128xf32>
    %add3A_122 = arith.addf %add3A_107, %dot_general3A_121 : vector<512x128xf32>
    %reduce_sum3A_123 = arith.constant dense<0.000000e+00> : vector<512xf32>
    %reduce_sum3A_124 = vector.multi_reduction <add>, %convert_element_type3A_115, %reduce_sum3A_123 [0] : vector<1264x512xf32> to vector<512xf32>
    %add3A_125 = arith.addf %add3A_110, %reduce_sum3A_124 : vector<512xf32>
    %broadcast_in_dim3A_126 = vector.shape_cast %add3A_125 : vector<512xf32> to vector<512x1xf32>
    %gt3A = arith.constant 0.000000e+00 : f32
    %gt3A_127 = vector.broadcast %gt3A : f32 to vector<512x1xf32>
    %gt3A_128 = arith.cmpf ogt, %broadcast_in_dim3A_126, %gt3A_127 : vector<512x1xf32>
    %jit3A = arith.constant 0xFF800000 : f32
    %broadcast_in_dim3A_129 = vector.shape_cast %gt3A_128 : vector<512x1xi1> to vector<512x1xi1>
    %broadcast_in_dim3A_130 = vector.broadcast %broadcast_in_dim3A_129 : vector<512x1xi1> to vector<512x128xi1>
    %broadcast_in_dim3A_131 = vector.broadcast %jit3A : f32 to vector<512x128xf32>
    %select_n3A = arith.select %broadcast_in_dim3A_130, %add3A_122, %broadcast_in_dim3A_131 : vector<512x128xi1>, vector<512x128xf32>
    %get3A_132 = arith.constant 0 : index
    %get3A_133 = arith.constant 0 : index
    %get3A_134 = vector.load %arg2[%get3A_132, %get3A_133] : memref<128x128xf32, #tpu.memory_space<vmem>>, vector<128x128xf32>
    %dot_general3A_135 = arith.constant dense<0.000000e+00> : vector<512x128xf32>
    %dot_general3A_136 = tpu.matmul %select_n3A, %get3A_134, %dot_general3A_135 {dimension_numbers = #tpu.dot_dimension_numbers<[1], [0], [0], [1], [0, 0, 1, 1], [], []>, transpose_lhs_hint = false} : vector<512x128xf32>, vector<128x128xf32>, vector<512x128xf32> -> vector<512x128xf32>
    %get3A_137 = arith.constant 0 : index
    %get3A_138 = vector.load %arg3[%get3A_137] : memref<128xf32, #tpu.memory_space<vmem>>, vector<128xf32>
    %broadcast_in_dim3A_139 = vector.shape_cast %get3A_138 : vector<128xf32> to vector<1x128xf32>
    %add3A_140 = vector.broadcast %broadcast_in_dim3A_139 : vector<1x128xf32> to vector<512x128xf32>
    %add3A_141 = arith.addf %dot_general3A_136, %add3A_140 : vector<512x128xf32>
    %max3A = arith.constant 0.000000e+00 : f32
    %max3A_142 = vector.broadcast %max3A : f32 to vector<512x128xf32>
    %max3A_143 = arith.maximumf %add3A_141, %max3A_142 : vector<512x128xf32>
    %swap3A = arith.constant 0 : index
    %swap3A_144 = arith.constant 0 : index
    %swap3A_145 = vector.load %arg4[%swap3A, %swap3A_144] : memref<512x128xf32, #tpu.memory_space<vmem>>, vector<512x128xf32>
    tpu.vector_store %arg4[%swap3A, %swap3A_144], %max3A_143 {strides = array<i32>} : memref<512x128xf32, #tpu.memory_space<vmem>>, vector<512x128xf32>,
    return
  }
}

</mosaic_0001>

<sc_bundles>
// kernel: kernel.11.cloned.1.call-start
scs
__scs_entry_jumppad:
0x0: {  	(pc) =	sbr.rel $0x88, $3  }
0x1: {  	(tag) =	ssettag $0x0;
	lr =	simm.s32 $0x1  }
0x2: {  	[smem:$0x3F80] =	sst lr;
	_ =	strace $0xD0000000  }
0x3: {  	_ = 	snop  }
0x4: {  	_ = 	snop  }
0x5: {  	_ = 	snop  }
0x6: {  	_ = 	snop  }
0x7: {  	_ = 	snop  }
__scs_overlays_trampoline_lowered:
0x8: {  	[smem:$0x3F8F] =	sst s0  }
0x9: {  	[smem:$0x3F90] =	sst s1  }
0xa: {  	[smem:$0x3F91] =	sst s2  }
0xb: {  	[smem:$0x3F92] =	sst s3  }
0xc: {  	[smem:$0x3F93] =	sst s4  }
0xd: {  	[smem:$0x3F94] =	sst s5  }
0xe: {  	[smem:$0x3F95] =	sst s6  }
0xf: {  	[smem:$0x3F96] =	sst s7  }
0x10: {  	[smem:$0x3F97] =	sst s8  }
0x11: {  	[smem:$0x3F98] =	sst s9;
	s0 =	simm.s32 @!p0 $0x0  }
0x12: {  	s1 =	sld [smem:$0x3F7E];
	s0 =	simm.s32 @p0 $0x1  }
0x13: {  	[smem:$0x3F99] =	sst s0;
	s0 =	simm.s32 @!p1 $0x0  }
0x14: {  	s2 =	sld [smem:$0x3F7D];
	s0 =	simm.s32 @p1 $0x1  }
0x15: {  	[smem:$0x3F9A] =	sst s0;
	s0 =	simm.s32 @!p2 $0x0  }
0x16: {  	s3 =	sld [smem:$0x3FDB];
	s0 =	simm.s32 @p2 $0x1  }
0x17: {  	s4 =	simm.s32 $0x1BF5;
	[smem:$0x3F9C] =	sst s0  }
0x18: {  	s0 =	sld [smem:$0x3F7F];
	_ =	swait.ge [sflag:s4], $0x0  }
0x19: {  	s7 =	sld [smem:$0x3F80]  }
0x1a: {  	s8 =	sadd.s32 $0xFFFFE003, lr  }
0x1b: {  	s9 =	sadd.s32 $0xFFFFFEF7, lr;
	s5 =	simm.s32 $0xFFFFFFFF;
	p2 =	slt.u32 s8, $0xFFFFF086  }
0x1c: {  	p1 =	slt.u32 s9, $0xF7A;
	s5 =	simm.s32 @!p2 $0x0  }
0x1d: {  	s5 =	simm.s32 @p1 $0x1;
	p0 =	seq.s32 s7, s2  }
0x1e: {  	s7 =	smul.u32 @!p0 $0xF7A, s2;
	p2 =	seq.s32 @!p0 s5, $0x0  }
0x1f: {  	s9 =	smul.u32 $0xF7A, s1;
	s8 =	simm.s32 @!p0 $0x1BF5;
	p2 =	por !p2, p0  }
0x20: {  	[sflag:s8] =	ssyncset.s32 @!p0 $0xFFFFF086;
	s6 =	sadd.s32 @!p0 s3, s7;
	s7 =	simm.s32 @!p0 $0x108  }
0x21: {  	s3 =	sadd.s32 s3, s9;
	s6 =	sadd.s32 @!p0 $0x88, s6;
	s7 =	simm.s32 @p2 $0x1082  }
0x22: {  	[simem:s7], [sflag:s8] =	dma.local @!p0 [hbm:s6], $0xF7A  }
0x23: {  	s9 =	sor.u32 $0xD0000000, s2;
	s6 =	simm.s32 $0x108;
	_ =	swait.ge @!p0 [sflag:s8], $0x0  }
0x24: {  	s3 =	sadd.s32 $0x88, s3;
	s6 =	simm.s32 @!p1 $0x1082;
	[sflag:s4] =	ssyncset.s32 $0xFFFFF086  }
0x25: {  	[simem:s6], [sflag:s4] =	dma.local [hbm:s3], $0xF7A  }
0x26: {  	[smem:$0x3F80] =	sst s1;
	(tag) =	ssettag s2;
	_ =	strace s9  }
0x27: {  	s1 =	sld [smem:$0x3F90]  }
0x28: {  	s2 =	sld [smem:$0x3F91]  }
0x29: {  	s4 =	sld [smem:$0x3F93]  }
0x2a: {  	p0 =	seq.s32 s5, $0x0;
	s5 =	sld [smem:$0x3F94]  }
0x2b: {  	s6 =	sld [smem:$0x3F95]  }
0x2c: {  	s7 =	sld [smem:$0x3F96]  }
0x2d: {  	s3 =	simm.s32 $0x108;
	s8 =	sld [smem:$0x3F97]  }
0x2e: {  	s3 =	simm.s32 @!p0 $0x1082;
	s9 =	sld [smem:$0x3F98]  }
0x2f: {  	lr =	sadd.s32 s0, s3;
	s0 =	sld [smem:$0x3F8F]  }
0x30: {  	s3 =	sld [smem:$0x3F92]  }
0x31: {  	[smem:$0x3F9B] =	sst s10  }
0x32: {  	s10 =	sld [smem:$0x3F99];
	_ =	sdelay $0x3  }
0x33: {  	p0 =	seq.s32 s10, $0x1;
	s10 =	sld [smem:$0x3F9B];
	_ =	sdelay $0x3  }
0x34: {  	[smem:$0x3F9B] =	sst s10  }
0x35: {  	s10 =	sld [smem:$0x3F9A];
	_ =	sdelay $0x3  }
0x36: {  	p1 =	seq.s32 s10, $0x1;
	s10 =	sld [smem:$0x3F9B];
	_ =	sdelay $0x3  }
0x37: {  	[smem:$0x3F9B] =	sst s10  }
0x38: {  	s10 =	sld [smem:$0x3F9C]  }
0x39: {  	_ = 	snop;
	(pc) =	sbr.ind lr, $3  }
0x3a: {  	_ = 	snop  }
0x3b: {  	_ = 	snop  }
0x3c: {  	p2 =	seq.s32 s10, $0x1;
	s10 =	sld [smem:$0x3F9B]  }
0x3d: {  	_ =	shalt  }
0x3e: {  	_ =	shalt  }
0x3f: {  	_ =	shalt  }
0x40: {  	_ =	shalt  }
0x41: {  	_ =	shalt  }
0x42: {  	_ =	shalt  }
0x43: {  	_ =	shalt  }
0x44: {  	_ =	shalt  }
0x45: {  	_ =	shalt  }
0x46: {  	_ =	shalt  }
0x47: {  	_ =	shalt  }
0x48: {  	_ =	shalt  }
0x49: {  	_ =	shalt  }
0x4a: {  	_ =	shalt  }
0x4b: {  	_ =	shalt  }
0x4c: {  	_ =	shalt  }
0x4d: {  	_ =	shalt  }
0x4e: {  	_ =	shalt  }
0x4f: {  	_ =	shalt  }
0x50: {  	_ =	shalt  }
0x51: {  	_ =	shalt  }
0x52: {  	_ =	shalt  }
0x53: {  	_ =	shalt  }
0x54: {  	_ =	shalt  }
0x55: {  	_ =	shalt  }
0x56: {  	_ =	shalt  }
0x57: {  	_ =	shalt  }
0x58: {  	_ =	shalt  }
0x59: {  	_ =	shalt  }
0x5a: {  	_ =	shalt  }
0x5b: {  	_ =	shalt  }
0x5c: {  	_ =	shalt  }
0x5d: {  	_ =	shalt  }
0x5e: {  	_ =	shalt  }
0x5f: {  	_ =	shalt  }
0x60: {  	_ =	shalt  }
0x61: {  	_ =	shalt  }
0x62: {  	_ =	shalt  }
0x63: {  	_ =	shalt  }
0x64: {  	_ =	shalt  }
0x65: {  	_ =	shalt  }
0x66: {  	_ =	shalt  }
0x67: {  	_ =	shalt  }
0x68: {  	_ =	shalt  }
0x69: {  	_ =	shalt  }
0x6a: {  	_ =	shalt  }
0x6b: {  	_ =	shalt  }
0x6c: {  	_ =	shalt  }
0x6d: {  	_ =	shalt  }
0x6e: {  	_ =	shalt  }
0x6f: {  	_ =	shalt  }
0x70: {  	_ =	shalt  }
0x71: {  	_ =	shalt  }
0x72: {  	_ =	shalt  }
0x73: {  	_ =	shalt  }
0x74: {  	_ =	shalt  }
0x75: {  	_ =	shalt  }
0x76: {  	_ =	shalt  }
0x77: {  	_ =	shalt  }
0x78: {  	_ =	shalt  }
0x79: {  	_ =	shalt  }
0x7a: {  	_ =	shalt  }
0x7b: {  	_ =	shalt  }
0x7c: {  	_ =	shalt  }
0x7d: {  	_ =	shalt  }
0x7e: {  	_ =	shalt  }
0x7f: {  	_ =	shalt  }
0x80: {  	_ =	shalt  }
0x81: {  	_ =	shalt  }
0x82: {  	_ =	shalt  }
0x83: {  	_ =	shalt  }
0x84: {  	_ =	shalt  }
0x85: {  	_ =	shalt  }
0x86: {  	_ =	shalt  }
0x87: {  	_ =	shalt  }
.Lfunc_end0:
.L_simem_size_0:
called_computation_lowered:
.L_overlay_start_0:
0x88: {  	s2 =	sld [smem:$0x3FD9]  }
0x89: {  	s3 =	sld [smem:$0x3FFE];
	_ =	sdelay $0x1  }
0x8a: {  	s1 =	srdreg.scid  }
0x8b: {  	s0 =	sand.u32 $0x1, s1  }
0x8c: {  	s16 =	sshll.u32 s0, $0xA;
	s2 =	sadd.s32 s3, s2  }
0x8d: {  	s2 =	sadd.s32 s2, s16  }
0x8e: {  	[smem:$0x3FA7] =	sst s2  }
0x8f: {  	_ = 	snop  }
0x90: {  	(tm) =	ssettm $0x1  }
0x91: {  	s17 =	sld [smem:$0x3FFB];
	_ =	sdelay $0x3  }
0x92: {  	_ =	strace s17  }
0x93: {  	s2 =	sld [smem:$0x3FFC];
	_ =	sdelay $0x3  }
0x94: {  	_ =	strace s2  }
0x95: {  	s2 =	sld [smem:$0x3FFD];
	_ =	sdelay $0x3  }
0x96: {  	_ =	strace s2  }
0x97: {  	_ =	strace $0x8FFFFFFF  }
0x98: {  	s18 =	sld [smem:$0x3FDB];
	_ =	sdelay $0x1  }
0x99: {  	s19 =	simm.s32 $_scs_section_size  }
0x9a: {  	s4 =	simm.s32 $_size__tile_overlayer_lowered;
	s5 =	simm.s32 $_tile_overlayer_lowered  }
0x9b: {  	s22 =	simm.s32 $0x1BFF;
	s21 =	sshll.u32 s5, $0x1;
	s2 =	sadd.s32 s19, s18  }
0x9c: {  	s6 =	simm.s32 $0x0;
	s20 =	sshll.u32 s4, $0x1;
	s4 =	sadd.s32 s21, s2  }
0x9d: {  	[timem:s6], [sflag:s22] =	dma.local [hbm:s4], s20  }
0x9e: {  	_ =	swait.ge [sflag:s22], s20  }
0x9f: {  	s3 =	ssub.s32 $0x0, s20;
	[sflag:s22] =	ssyncset.done $0x0  }
0xa0: {  	[sflag:s22] =	ssyncadd.s32 s3;
	_ =	sdelay $0x1  }
0xa1: {  	s23 =	simm.s32 $0x1B8B  }
0xa2: {  	_ =	swait.ge [sflag:s23], $0x1  }
0xa3: {  	[sflag:s23] =	ssyncset.done $0x0  }
0xa4: {  	s25 =	simm.s32 $0x1B8E;
	s24 =	sld [smem:$0x3FFE];
	[sflag:s23] =	ssyncadd.s32 $0xFFFFFFFF  }
0xa5: {  	s26 =	simm.s32 $execute0_lowered;
	[smem:$0x3FD2] =	sst s25  }
0xa6: {  	s4 =	sshll.u32 s26, $0x1;
	_ =	strace $0x80000046;
	[dreg:$0x1] =	wrdreg $0xFFFFFFFF  }
0xa7: {  	s28 =	simm.s32 $_size_execute0_lowered;
	s2 =	sadd.s32 s2, s4;
	[dreg:$0x0] =	wrdreg $0x0  }
0xa8: {  	s4 =	sshll.u32 s28, $0x1;
	[dreg:$0x2] =	wrdreg s2  }
0xa9: {  	[dreg:$0x3] =	wrdreg s4  }
0xaa: {  	[dreg:$0x4] =	wrdreg $0xC0  }
0xab: {  	_ =	task [dreg:s6], $0x5FFFF  }
0xac: {  	[dreg:$0x1] =	wrdreg $0xFFFFFFFF  }
0xad: {  	[dreg:$0x0] =	wrdreg $0x60  }
0xae: {  	[dreg:$0x2] =	wrdreg s24  }
0xaf: {  	[dreg:$0x3] =	wrdreg $0x0  }
0xb0: {  	[dreg:$0x4] =	wrdreg $0x9  }
0xb1: {  	_ =	task.clear_ibuf [dreg:s6], $0x5FFFF;
	_ =	strace $0x90000046  }
0xb2: {  	s29 =	simm.s32 $0x9;
	_ =	strace $0x80000048  }
0xb3: {  	_ =	swait.ge [sflag:s29], $0x1  }
0xb4: {  	[sflag:s29] =	ssyncadd.s32 $0xFFFFFFFF  }
0xb5: {  	_ =	strace $0x90000048  }
0xb6: {  	_ =	sfence  }
0xb7: {  	s30 =	sld [smem:$0x0];
	_ =	sdelay $0x2  }
0xb8: {  	s31 =	sshll.u32 s1, $0xD;
	s1 =	sshrl.u32 s1, $0x2  }
0xb9: {  	s3 =	sand.u32 $0x4000, s31;
	s1 =	sadd.s32 s1, s30  }
0xba: {  	s0 =	sor.u32 s3, s0;
	s1 =	sshll.u32 s1, $0x11  }
0xbb: {  	s0 =	sor.u32 s1, s0  }
0xbc: {  	s0 =	sadd.s32 $0x8F2B, s0  }
0xbd: {  	[sflag:s0] =	ssyncadd.remote.s32 $0x1  }
0xbe: {  	_ =	sfence.sel $0xFFFF  }
0xbf: {  	[dreg:$0x0] =	wrdreg $0xFFFFFFFF;
	(pc) =	sbr.abs _section_cstart, $3  }
0xc0: {  	[dreg:$0x1] =	wrdreg $0xFFFFFFFF  }
0xc1: {  	_ =	task.clear_ibuf [dreg:s6], $0x2FFFF;
	_ =	strace $0x9FFFFFFF  }
0xc2: {  	(tm) =	ssettm $0x7FFFFFFF  }
0xc3: {  	_ =	shalt  }
tec
execute0_lowered:
.L_overlay_start_1:
0x0: {  	(tag) =	ssettag $0x1  }
0x1: {  	s0 =	rddreg [dreg:$0x0]  }
0x2: {  	s1 =	rddreg [dreg:$0x1]  }
0x3: {  	s2 =	srdreg.scid;
	s3 =	simm.s32 $0x0;
	s24 =	stileid.u32  }
0x4: {  	s16 =	simm.s32 $0xA000;
	s17 =	simm.s32 $0xA400;
	s18 =	simm.s32 $0x80  }
0x5: {  	s20 =	simm.s32 $0xE800;
	s21 =	simm.s32 $0x2;
	s7 =	smul.u32 $0xA000, s24  }
0x6: {  	s23 =	simm.s32 $0x3;
	s6 =	sand.u32 $0x1, s2;
	s25 =	smul.u32 $0x28000, s24  }
0x7: {  	[smem:$0x7FF] =	sst s3;
	s4 =	sadd.s32 $0x24400, s0;
	s10 =	smul.u32 $0x5000, s24  }
0x8: {  	s12 =	sadd.s32 $0x1A400, s0;
	s13 =	sadd.s32 $0x6400, s0;
	s14 =	smul.u32 $0xA00, s24  }
0x9: {  	s24 =	simm.s32 $0x4;
	s5 =	smul.u32 $0xA0000, s6;
	_ =	strace $0x80000047  }
0xa: {  	s9 =	ssub.s32 $0x2, s6;
	s11 =	smul.u32 $0x50000, s6;
	s26 =	sshrl.u32 s25, $0x2  }
0xb: {  	s28 =	sshrl.u32 s9, $0x1;
	s29 =	sshrl.u32 s10, $0x3;
	s14 =	sadd.s32 s14, s12  }
0xc: {  	s25 =	simm.s32 $0x1;
	s5 =	sadd.s32 s7, s5;
	s9 =	ssub.s32 s9, s28  }
0xd: {  	s11 =	sadd.s32 s11, s10;
	s10 =	sadd.s32 s12, s29;
	s8 =	sshrl.u32 s5, $0x3  }
0xe: {  	s5 =	sadd.s32 s26, s1;
	s9 =	smax.u32 s9, $0x1;
	s30 =	sshrl.u32 s11, $0x3  }
0xf: {  	s15 =	sor.u32 $0x100, s11;
	s26 =	simm.s32 $0x0;
	s0 =	sadd.s32 s8, s0  }
0x10: {  	s6 =	sadd.s32 $0x4000, s5;
	s7 =	sadd.s32 $0x8000, s5;
	s11 =	sadd.s32 s13, s30  }
0x11: {  	s31 =	sshrl.u32 s15, $0x3;
	s15 =	simm.s32 $0x5;
	s8 =	sadd.s32 $0x4BC00, s0  }
0x12: {  	v0 =	vimm.f32 $0.0e+00;
	s12 =	sadd.s32 s31, s13;
	s13 =	sadd.s32 $0x20, s14;
	s14 =	simm.s32 $0xA800  }
.LBB2_1:
0x13: {  	s28 =	simm.s32 $0x0;
	s29 =	simm.s32 $0x200  }
.LBB2_2:
0x14: {  	p0 =	sne.s32 s29, $0xFE00;
	[tilespmem:s28+$0xA870] =	vst v0  }
0x15: {  	[tilespmem:s28+$0xA800] =	vst v0  }
0x16: {  	[tilespmem:s28+$0xA810] =	vst v0  }
.Ltmp0:
0x17: {  	[tilespmem:s28+$0xA820] =	vst v0;
	(pc) =	sbr.rel @p0 .LBB2_2-.Ltmp0, $4  }
0x18: {  	[tilespmem:s28+$0xA830] =	vst v0  }
0x19: {  	[tilespmem:s28+$0xA840] =	vst v0  }
0x1a: {  	[tilespmem:s28+$0xA850] =	vst v0  }
0x1b: {  	[tilespmem:s28+$0xA860] =	vst v0;
	s28 =	sshra.s32 s29, $0x2;
	s29 =	sadd.s32 $0x200, s29  }
0x1c: {  	[tilespmem:s28+$0xA870] =	vst v0  }
0x1d: {  	[tilespmem:s28+$0xA800] =	vst v0  }
0x1e: {  	[tilespmem:s28+$0xA810] =	vst v0  }
0x1f: {  	[tilespmem:s28+$0xA820] =	vst v0  }
0x20: {  	[tilespmem:s28+$0xA830] =	vst v0  }
0x21: {  	[tilespmem:s28+$0xA840] =	vst v0  }
0x22: {  	[tilespmem:s28+$0xA850] =	vst v0  }
0x23: {  	[tilespmem:s28+$0xA860] =	vst v0  }
0x24: {  	[spmem:s5] =	stream.linear.scatter [tilespmem:s14], [sflag:$0x5], $0x4000, $0x38;
	[tilespmem:$0x12800] =	vst v63  }
0x25: {  	_ =	swait.ge [sflag:s15], $0x4000  }
0x26: {  	[sflag:s15] =	ssyncset.done $0x0  }
0x27: {  	[sflag:s15] =	ssyncadd.s32 $0xFFFFC000  }
0x28: {  	[spmem:s6] =	stream.linear.scatter [tilespmem:s14], [sflag:$0x5], $0x4000, $0x38;
	[tilespmem:$0x12800] =	vst v63  }
0x29: {  	_ =	swait.ge [sflag:s15], $0x4000  }
0x2a: {  	[sflag:s15] =	ssyncset.done $0x0  }
0x2b: {  	[sflag:s15] =	ssyncadd.s32 $0xFFFFC000  }
0x2c: {  	[spmem:s7] =	stream.linear.scatter [tilespmem:s14], [sflag:$0x5], $0x2000, $0x38;
	[tilespmem:$0x12800] =	vst v63  }
0x2d: {  	_ =	swait.ge [sflag:s15], $0x2000  }
0x2e: {  	[sflag:s15] =	ssyncset.done $0x0  }
0x2f: {  	[sflag:s15] =	ssyncadd.s32 $0xFFFFE000  }
0x30: {  	[bflag:$0x0] =	sbarrier.arrive $0xFFFF  }
0x31: {  	[tilespmem:s16], [sflag:$0x5] =	stream.linear.gather [hbm4b:s10+s3], $0x400, $0x38;
	[tilespmem:$0x12800] =	vst v63  }
0x32: {  	_ =	swait.ge [sflag:s15], $0x400  }
0x33: {  	[sflag:s15] =	ssyncset.done $0x0  }
0x34: {  	[sflag:s15] =	ssyncadd.s32 $0xFFFFFC00  }
0x35: {  	[tilespmem:s17], [sflag:$0x5] =	stream.linear.gather [hbm4b:s11+s3], $0x400, $0x38;
	[tilespmem:$0x12800] =	vst v63  }
0x36: {  	_ =	swait.ge [sflag:s15], $0x400  }
0x37: {  	[sflag:s15] =	ssyncset.done $0x0  }
0x38: {  	[sflag:s15] =	ssyncadd.s32 $0xFFFFFC00  }
0x39: {  	[tilespmem:s14], [sflag:$0x1] =	stream.indirect.gather [hbm4b:s4+s18], $0x80, s16, s18, $0xb8;
	[tilespmem:$0x12800] =	vst v63  }
0x3a: {  	s0 =	simm.s32 $0xA080;
	s22 =	simm.s32 $0x1  }
0x3b: {  	[tilespmem:s20], [sflag:$0x2] =	stream.indirect.gather [hbm4b:s4+s18], $0x80, s0, s18, $0xb8;
	[tilespmem:$0x12800] =	vst v63  }
0x3c: {  	_ =	swait.ge [sflag:s22], $0x4000  }
0x3d: {  	[sflag:s22] =	ssyncset.done $0x0  }
0x3e: {  	[sflag:s22] =	ssyncadd.s32 $0xFFFFC000  }
0x3f: {  	[spmem:s1] =	stream.indirect.scatter.add.f32 [tilespmem:s14], [sflag:$0x3], $0x80, s17, s18, $0xb8;
	[tilespmem:$0x12800] =	vst v63  }
0x40: {  	_ =	swait.ge [sflag:s21], $0x4000  }
0x41: {  	s0 =	sand.u32 $0x3, s22;
	[sflag:s21] =	ssyncset.done $0x0  }
0x42: {  	s2 =	simm.s32 $0xA480;
	p0 =	seq.s32 s0, $0x0;
	[sflag:s21] =	ssyncadd.s32 $0xFFFFC000  }
0x43: {  	[spmem:s1] =	stream.indirect.scatter.add.f32 [tilespmem:s20], [sflag:$0x4], $0x80, s2, s18, $0xb8;
	[tilespmem:$0x12800] =	vst v63  }
0x44: {  	s28 =	simm.s32 @p0 $0x0;
	s29 =	simm.s32 @p0 $0xA000;
	s30 =	simm.s32 @p0 $0x5  }
0x45: {  	[tilespmem:s29], [sflag:$0x5] =	stream.linear.gather @p0 [hbm4b:s13+s28], $0x400, $0x38;
	[tilespmem:$0x12800] =	vst v63  }
0x46: {  	_ =	swait.ge @p0 [sflag:s30], $0x400  }
0x47: {  	[sflag:s30] =	ssyncset.done @p0 $0x0  }
0x48: {  	s29 =	simm.s32 @p0 $0xA400;
	[sflag:s30] =	ssyncadd.s32 @p0 $0xFFFFFC00  }
0x49: {  	[tilespmem:s29], [sflag:$0x5] =	stream.linear.gather @p0 [hbm4b:s12+s28], $0x400, $0x38;
	[tilespmem:$0x12800] =	vst v63  }
0x4a: {  	_ =	swait.ge @p0 [sflag:s30], $0x400  }
0x4b: {  	[sflag:s30] =	ssyncset.done @p0 $0x0  }
0x4c: {  	[sflag:s30] =	ssyncadd.s32 @p0 $0xFFFFFC00  }
0x4d: {  	s0 =	sshll.u32 @!p0 s0, $0x8;
	_ =	swait.ge [sflag:s23], $0x4000  }
0x4e: {  	s0 =	simm.s32 @p0 $0x0;
	[sflag:s23] =	ssyncset.done $0x0  }
0x4f: {  	s28 =	sor.u32 $0xA000, s0;
	[sflag:s23] =	ssyncadd.s32 $0xFFFFC000  }
0x50: {  	[tilespmem:s14], [sflag:$0x1] =	stream.indirect.gather [hbm4b:s4+s18], $0x80, s28, s18, $0xb8;
	[tilespmem:$0x12800] =	vst v63  }
0x51: {  	_ =	swait.ge [sflag:s24], $0x4000  }
0x52: {  	[sflag:s24] =	ssyncset.done $0x0  }
0x53: {  	s28 =	sor.u32 $0xA080, s0;
	[sflag:s24] =	ssyncadd.s32 $0xFFFFC000  }
0x54: {  	[tilespmem:s20], [sflag:$0x2] =	stream.indirect.gather [hbm4b:s4+s18], $0x80, s28, s18, $0xb8;
	[tilespmem:$0x12800] =	vst v63  }
0x55: {  	_ =	swait.ge [sflag:s25], $0x4000  }
0x56: {  	s31 =	simm.s32 $0x2;
	[sflag:s25] =	ssyncset.done $0x0  }
0x57: {  	s31 =	sand.u32 $0x3, s31;
	s28 =	sor.u32 $0xA400, s0;
	[sflag:s25] =	ssyncadd.s32 $0xFFFFC000  }
0x58: {  	[spmem:s1] =	stream.indirect.scatter.add.f32 [tilespmem:s14], [sflag:$0x3], $0x80, s28, s18, $0xb8;
	[tilespmem:$0x12800] =	vst v63  }
0x59: {  	s29 =	sadd.s32 $0x20, s13;
	s30 =	simm.s32 $0x3;
	_ =	swait.ge [sflag:s21], $0x4000  }
0x5a: {  	s0 =	sor.u32 $0xA480, s0;
	s28 =	sadd.s32 $0x20, s12;
	[sflag:s21] =	ssyncset.done $0x0  }
.LBB2_4:
0x5b: {  	p1 =	seq.s32 s31, $0x0  }
0x5c: {  	[sflag:s21] =	ssyncadd.s32 $0xFFFFC000;
	s2 =	smov.u32 s30;
	s30 =	sadd.s32 $0x1, s30  }
0x5d: {  	[spmem:s1] =	stream.indirect.scatter.add.f32 [tilespmem:s20], [sflag:$0x4], $0x80, s0, s18, $0xb8;
	[tilespmem:$0x12800] =	vst v63  }
0x5e: {  	s0 =	simm.s32 @p1 $0x0;
	s19 =	simm.s32 @p1 $0xA000;
	s22 =	simm.s32 @p1 $0x5  }
0x5f: {  	[tilespmem:s19], [sflag:$0x5] =	stream.linear.gather @p1 [hbm4b:s29+s0], $0x400, $0x38;
	[tilespmem:$0x12800] =	vst v63  }
0x60: {  	p0 =	sne.s32 s30, $0x50;
	s19 =	sshll.u32 @!p1 s31, $0x8;
	_ =	swait.ge @p1 [sflag:s22], $0x400  }
0x61: {  	[sflag:s22] =	ssyncset.done @p1 $0x0  }
0x62: {  	s31 =	simm.s32 @p1 $0xA400;
	[sflag:s22] =	ssyncadd.s32 @p1 $0xFFFFFC00  }
0x63: {  	[tilespmem:s31], [sflag:$0x5] =	stream.linear.gather @p1 [hbm4b:s28+s0], $0x400, $0x38;
	[tilespmem:$0x12800] =	vst v63  }
0x64: {  	_ =	swait.ge @p1 [sflag:s22], $0x400  }
0x65: {  	[sflag:s22] =	ssyncset.done @p1 $0x0  }
0x66: {  	[sflag:s22] =	ssyncadd.s32 @p1 $0xFFFFFC00  }
0x67: {  	_ =	swait.ge [sflag:s23], $0x4000  }
0x68: {  	s19 =	simm.s32 @p1 $0x0;
	[sflag:s23] =	ssyncset.done $0x0  }
0x69: {  	s0 =	sor.u32 $0xA000, s19;
	[sflag:s23] =	ssyncadd.s32 $0xFFFFC000  }
0x6a: {  	[tilespmem:s14], [sflag:$0x1] =	stream.indirect.gather [hbm4b:s4+s18], $0x80, s0, s18, $0xb8;
	[tilespmem:$0x12800] =	vst v63  }
0x6b: {  	_ =	swait.ge [sflag:s24], $0x4000  }
0x6c: {  	[sflag:s24] =	ssyncset.done $0x0  }
0x6d: {  	s0 =	sor.u32 $0xA080, s19;
	[sflag:s24] =	ssyncadd.s32 $0xFFFFC000  }
0x6e: {  	[tilespmem:s20], [sflag:$0x2] =	stream.indirect.gather [hbm4b:s4+s18], $0x80, s0, s18, $0xb8;
	[tilespmem:$0x12800] =	vst v63  }
0x6f: {  	_ =	swait.ge [sflag:s25], $0x4000  }
.Ltmp1:
0x70: {  	[sflag:s25] =	ssyncset.done $0x0;
	(pc) =	sbr.rel @p0 .LBB2_4-.Ltmp1, $4  }
0x71: {  	s0 =	sor.u32 $0xA400, s19;
	[sflag:s25] =	ssyncadd.s32 $0xFFFFC000  }
0x72: {  	[spmem:s1] =	stream.indirect.scatter.add.f32 [tilespmem:s14], [sflag:$0x3], $0x80, s0, s18, $0xb8;
	[tilespmem:$0x12800] =	vst v63  }
0x73: {  	s29 =	sadd.s32 $0x20, s29;
	s28 =	sadd.s32 $0x20, s28;
	_ =	swait.ge [sflag:s21], $0x4000  }
0x74: {  	s31 =	sand.u32 $0x3, s2;
	s0 =	sor.u32 $0xA480, s19;
	[sflag:s21] =	ssyncset.done $0x0  }
0x75: {  	p0 =	seq.s32 s31, $0x0;
	[sflag:s21] =	ssyncadd.s32 $0xFFFFC000  }
0x76: {  	[spmem:s1] =	stream.indirect.scatter.add.f32 [tilespmem:s20], [sflag:$0x4], $0x80, s0, s18, $0xb8;
	[tilespmem:$0x12800] =	vst v63  }
0x77: {  	s0 =	simm.s32 @p0 $0x0;
	s2 =	simm.s32 @p0 $0xA000;
	s19 =	simm.s32 @p0 $0x5  }
0x78: {  	[tilespmem:s2], [sflag:$0x5] =	stream.linear.gather @p0 [hbm4b:s29+s0], $0x400, $0x38;
	[tilespmem:$0x12800] =	vst v63  }
0x79: {  	_ =	swait.ge @p0 [sflag:s19], $0x400  }
0x7a: {  	[sflag:s19] =	ssyncset.done @p0 $0x0  }
0x7b: {  	s2 =	simm.s32 @p0 $0xA400;
	[sflag:s19] =	ssyncadd.s32 @p0 $0xFFFFFC00  }
0x7c: {  	[tilespmem:s2], [sflag:$0x5] =	stream.linear.gather @p0 [hbm4b:s28+s0], $0x400, $0x38;
	[tilespmem:$0x12800] =	vst v63  }
0x7d: {  	_ =	swait.ge @p0 [sflag:s19], $0x400  }
0x7e: {  	[sflag:s19] =	ssyncset.done @p0 $0x0  }
0x7f: {  	[sflag:s19] =	ssyncadd.s32 @p0 $0xFFFFFC00  }
0x80: {  	s0 =	sshll.u32 @!p0 s31, $0x8;
	_ =	swait.ge [sflag:s23], $0x4000  }
0x81: {  	s0 =	simm.s32 @p0 $0x0;
	[sflag:s23] =	ssyncset.done $0x0  }
0x82: {  	s22 =	sor.u32 $0xA000, s0;
	[sflag:s23] =	ssyncadd.s32 $0xFFFFC000  }
0x83: {  	[tilespmem:s14], [sflag:$0x1] =	stream.indirect.gather [hbm4b:s4+s18], $0x80, s22, s18, $0xb8;
	[tilespmem:$0x12800] =	vst v63  }
0x84: {  	_ =	swait.ge [sflag:s24], $0x4000  }
0x85: {  	[sflag:s24] =	ssyncset.done $0x0  }
0x86: {  	s28 =	sor.u32 $0xA080, s0;
	[sflag:s24] =	ssyncadd.s32 $0xFFFFC000  }
0x87: {  	[tilespmem:s20], [sflag:$0x2] =	stream.indirect.gather [hbm4b:s4+s18], $0x80, s28, s18, $0xb8;
	[tilespmem:$0x12800] =	vst v63  }
0x88: {  	_ =	swait.ge [sflag:s25], $0x4000  }
0x89: {  	[sflag:s25] =	ssyncset.done $0x0  }
0x8a: {  	s29 =	sor.u32 $0xA400, s0;
	[sflag:s25] =	ssyncadd.s32 $0xFFFFC000  }
0x8b: {  	[spmem:s1] =	stream.indirect.scatter.add.f32 [tilespmem:s14], [sflag:$0x3], $0x80, s29, s18, $0xb8;
	[tilespmem:$0x12800] =	vst v63  }
0x8c: {  	_ =	swait.ge [sflag:s21], $0x4000  }
0x8d: {  	[sflag:s21] =	ssyncset.done $0x0  }
0x8e: {  	s0 =	sor.u32 $0xA480, s0;
	[sflag:s21] =	ssyncadd.s32 $0xFFFFC000  }
0x8f: {  	[spmem:s1] =	stream.indirect.scatter.add.f32 [tilespmem:s20], [sflag:$0x4], $0x80, s0, s18, $0xb8;
	[tilespmem:$0x12800] =	vst v63  }
0x90: {  	_ =	swait.ge [sflag:s23], $0x4000  }
0x91: {  	[sflag:s23] =	ssyncset.done $0x0  }
0x92: {  	[sflag:s23] =	ssyncadd.s32 $0xFFFFC000  }
0x93: {  	s30 =	stileid.u32;
	_ =	swait.ge [sflag:s24], $0x4000  }
0x94: {  	s26 =	sadd.s32 $0x1, s26;
	s31 =	sshrl.u32 s5, $0x3;
	[sflag:s24] =	ssyncset.done $0x0  }
0x95: {  	p0 =	sne.s32 s26, s9;
	s0 =	sshll.u32 s30, $0x6;
	[sflag:s24] =	ssyncadd.s32 $0xFFFFC000  }
.Ltmp2:
0x96: {  	s0 =	sor.u32 $0x1C05, s0;
	[bflag:$0x0] =	sbarrier.arrive $0xFFFF;
	(pc) =	sbr.rel @p0 .LBB2_1-.Ltmp2, $4  }
0x97: {  	[hbm:s8], [sflag:s0] =	dma.local [spmem:s31], $0x1400  }
0x98: {  	_ =	swait.ge [sflag:s15], $0x1400  }
0x99: {  	[sflag:s15] =	ssyncset.done $0x0  }
0x9a: {  	[sflag:s15] =	ssyncadd.s32 $0xFFFFEC00  }
0x9b: {  	_ =	sfence.sel $0x180000  }
0x9c: {  	[bflag:$0x0] =	sbarrier.arrive $0xFFFF  }
0x9d: {  	_ =	strace $0x90000047  }
0x9e: {  	s0 =	stileid.u32;
	[bflag:$0x2] =	sbarrier.arrive $0xFFFF  }
0x9f: {  	p0 =	sne.s32 s0, $0x0;
	s0 =	rddreg [dreg:$0x2]  }
0xa0: {  	s0 =	sadd.s32 @!p0 $0x100000, s0  }
0xa1: {  	[sflag:s0] =	ssyncadd.tile.s32 @!p0 $0x1;
	_ =	shalt  }
.Lfunc_end2:
_tile_overlayer_lowered:
.L_overlay_start_2:
0xa2: {  	(tag) =	ssettag $0x2  }
0xa3: {  	s0 =	rddreg [dreg:$0x0];
	s2 =	stileid.u32  }
0xa4: {  	s1 =	rddreg [dreg:$0x1];
	p0 =	sne.s32 s2, $0x0  }
0xa5: {  	s3 =	rddreg [dreg:$0x2];
	[bflag:$0x3] =	sbarrier.arrive $0xFFFF;
	s2 =	simm.s32 @!p0 $0x1C05  }
0xa6: {  	[timem:s3], [sflag:s2] =	dma.local @!p0 [hbm:s0], s1  }
0xa7: {  	s0 =	simm.s32 @!p0 $0x5  }
0xa8: {  	_ =	swait.ge @!p0 [sflag:s0], s1  }
0xa9: {  	s1 =	ssub.s32 @!p0 $0x0, s1;
	[sflag:s0] =	ssyncset.done @!p0 $0x0  }
0xaa: {  	[sflag:s0] =	ssyncadd.s32 @!p0 s1  }
0xab: {  	[bflag:$0x3] =	sbarrier.arrive $0xFFFF  }
0xac: {  	_ =	shalt  }

// kernel: kernel.14.cloned.1.call-start
scs
__scs_entry_jumppad:
0x0: {  	(pc) =	sbr.rel $0x88, $3  }
0x1: {  	(tag) =	ssettag $0x0;
	lr =	simm.s32 $0x1  }
0x2: {  	[smem:$0x3F80] =	sst lr;
	_ =	strace $0xD0000000  }
0x3: {  	_ = 	snop  }
0x4: {  	_ = 	snop  }
0x5: {  	_ = 	snop  }
0x6: {  	_ = 	snop  }
0x7: {  	_ = 	snop  }
__scs_overlays_trampoline_lowered:
0x8: {  	[smem:$0x3F8F] =	sst s0  }
0x9: {  	[smem:$0x3F90] =	sst s1  }
0xa: {  	[smem:$0x3F91] =	sst s2  }
0xb: {  	[smem:$0x3F92] =	sst s3  }
0xc: {  	[smem:$0x3F93] =	sst s4  }
0xd: {  	[smem:$0x3F94] =	sst s5  }
0xe: {  	[smem:$0x3F95] =	sst s6  }
0xf: {  	[smem:$0x3F96] =	sst s7  }
0x10: {  	[smem:$0x3F97] =	sst s8  }
0x11: {  	[smem:$0x3F98] =	sst s9;
	s0 =	simm.s32 @!p0 $0x0  }
0x12: {  	s1 =	sld [smem:$0x3F7E];
	s0 =	simm.s32 @p0 $0x1  }
0x13: {  	[smem:$0x3F99] =	sst s0;
	s0 =	simm.s32 @!p1 $0x0  }
0x14: {  	s2 =	sld [smem:$0x3F7D];
	s0 =	simm.s32 @p1 $0x1  }
0x15: {  	[smem:$0x3F9A] =	sst s0;
	s0 =	simm.s32 @!p2 $0x0  }
0x16: {  	s3 =	sld [smem:$0x3FDB];
	s0 =	simm.s32 @p2 $0x1  }
0x17: {  	s4 =	simm.s32 $0x1BF5;
	[smem:$0x3F9C] =	sst s0  }
0x18: {  	s0 =	sld [smem:$0x3F7F];
	_ =	swait.ge [sflag:s4], $0x0  }
0x19: {  	s7 =	sld [smem:$0x3F80]  }
0x1a: {  	s8 =	sadd.s32 $0xFFFFE003, lr  }
0x1b: {  	s9 =	sadd.s32 $0xFFFFFEF7, lr;
	s5 =	simm.s32 $0xFFFFFFFF;
	p2 =	slt.u32 s8, $0xFFFFF086  }
0x1c: {  	p1 =	slt.u32 s9, $0xF7A;
	s5 =	simm.s32 @!p2 $0x0  }
0x1d: {  	s5 =	simm.s32 @p1 $0x1;
	p0 =	seq.s32 s7, s2  }
0x1e: {  	s7 =	smul.u32 @!p0 $0xF7A, s2;
	p2 =	seq.s32 @!p0 s5, $0x0  }
0x1f: {  	s9 =	smul.u32 $0xF7A, s1;
	s8 =	simm.s32 @!p0 $0x1BF5;
	p2 =	por !p2, p0  }
0x20: {  	[sflag:s8] =	ssyncset.s32 @!p0 $0xFFFFF086;
	s6 =	sadd.s32 @!p0 s3, s7;
	s7 =	simm.s32 @!p0 $0x108  }
0x21: {  	s3 =	sadd.s32 s3, s9;
	s6 =	sadd.s32 @!p0 $0x88, s6;
	s7 =	simm.s32 @p2 $0x1082  }
0x22: {  	[simem:s7], [sflag:s8] =	dma.local @!p0 [hbm:s6], $0xF7A  }
0x23: {  	s9 =	sor.u32 $0xD0000000, s2;
	s6 =	simm.s32 $0x108;
	_ =	swait.ge @!p0 [sflag:s8], $0x0  }
0x24: {  	s3 =	sadd.s32 $0x88, s3;
	s6 =	simm.s32 @!p1 $0x1082;
	[sflag:s4] =	ssyncset.s32 $0xFFFFF086  }
0x25: {  	[simem:s6], [sflag:s4] =	dma.local [hbm:s3], $0xF7A  }
0x26: {  	[smem:$0x3F80] =	sst s1;
	(tag) =	ssettag s2;
	_ =	strace s9  }
0x27: {  	s1 =	sld [smem:$0x3F90]  }
0x28: {  	s2 =	sld [smem:$0x3F91]  }
0x29: {  	s4 =	sld [smem:$0x3F93]  }
0x2a: {  	p0 =	seq.s32 s5, $0x0;
	s5 =	sld [smem:$0x3F94]  }
0x2b: {  	s6 =	sld [smem:$0x3F95]  }
0x2c: {  	s7 =	sld [smem:$0x3F96]  }
0x2d: {  	s3 =	simm.s32 $0x108;
	s8 =	sld [smem:$0x3F97]  }
0x2e: {  	s3 =	simm.s32 @!p0 $0x1082;
	s9 =	sld [smem:$0x3F98]  }
0x2f: {  	lr =	sadd.s32 s0, s3;
	s0 =	sld [smem:$0x3F8F]  }
0x30: {  	s3 =	sld [smem:$0x3F92]  }
0x31: {  	[smem:$0x3F9B] =	sst s10  }
0x32: {  	s10 =	sld [smem:$0x3F99];
	_ =	sdelay $0x3  }
0x33: {  	p0 =	seq.s32 s10, $0x1;
	s10 =	sld [smem:$0x3F9B];
	_ =	sdelay $0x3  }
0x34: {  	[smem:$0x3F9B] =	sst s10  }
0x35: {  	s10 =	sld [smem:$0x3F9A];
	_ =	sdelay $0x3  }
0x36: {  	p1 =	seq.s32 s10, $0x1;
	s10 =	sld [smem:$0x3F9B];
	_ =	sdelay $0x3  }
0x37: {  	[smem:$0x3F9B] =	sst s10  }
0x38: {  	s10 =	sld [smem:$0x3F9C]  }
0x39: {  	_ = 	snop;
	(pc) =	sbr.ind lr, $3  }
0x3a: {  	_ = 	snop  }
0x3b: {  	_ = 	snop  }
0x3c: {  	p2 =	seq.s32 s10, $0x1;
	s10 =	sld [smem:$0x3F9B]  }
0x3d: {  	_ =	shalt  }
0x3e: {  	_ =	shalt  }
0x3f: {  	_ =	shalt  }
0x40: {  	_ =	shalt  }
0x41: {  	_ =	shalt  }
0x42: {  	_ =	shalt  }
0x43: {  	_ =	shalt  }
0x44: {  	_ =	shalt  }
0x45: {  	_ =	shalt  }
0x46: {  	_ =	shalt  }
0x47: {  	_ =	shalt  }
0x48: {  	_ =	shalt  }
0x49: {  	_ =	shalt  }
0x4a: {  	_ =	shalt  }
0x4b: {  	_ =	shalt  }
0x4c: {  	_ =	shalt  }
0x4d: {  	_ =	shalt  }
0x4e: {  	_ =	shalt  }
0x4f: {  	_ =	shalt  }
0x50: {  	_ =	shalt  }
0x51: {  	_ =	shalt  }
0x52: {  	_ =	shalt  }
0x53: {  	_ =	shalt  }
0x54: {  	_ =	shalt  }
0x55: {  	_ =	shalt  }
0x56: {  	_ =	shalt  }
0x57: {  	_ =	shalt  }
0x58: {  	_ =	shalt  }
0x59: {  	_ =	shalt  }
0x5a: {  	_ =	shalt  }
0x5b: {  	_ =	shalt  }
0x5c: {  	_ =	shalt  }
0x5d: {  	_ =	shalt  }
0x5e: {  	_ =	shalt  }
0x5f: {  	_ =	shalt  }
0x60: {  	_ =	shalt  }
0x61: {  	_ =	shalt  }
0x62: {  	_ =	shalt  }
0x63: {  	_ =	shalt  }
0x64: {  	_ =	shalt  }
0x65: {  	_ =	shalt  }
0x66: {  	_ =	shalt  }
0x67: {  	_ =	shalt  }
0x68: {  	_ =	shalt  }
0x69: {  	_ =	shalt  }
0x6a: {  	_ =	shalt  }
0x6b: {  	_ =	shalt  }
0x6c: {  	_ =	shalt  }
0x6d: {  	_ =	shalt  }
0x6e: {  	_ =	shalt  }
0x6f: {  	_ =	shalt  }
0x70: {  	_ =	shalt  }
0x71: {  	_ =	shalt  }
0x72: {  	_ =	shalt  }
0x73: {  	_ =	shalt  }
0x74: {  	_ =	shalt  }
0x75: {  	_ =	shalt  }
0x76: {  	_ =	shalt  }
0x77: {  	_ =	shalt  }
0x78: {  	_ =	shalt  }
0x79: {  	_ =	shalt  }
0x7a: {  	_ =	shalt  }
0x7b: {  	_ =	shalt  }
0x7c: {  	_ =	shalt  }
0x7d: {  	_ =	shalt  }
0x7e: {  	_ =	shalt  }
0x7f: {  	_ =	shalt  }
0x80: {  	_ =	shalt  }
0x81: {  	_ =	shalt  }
0x82: {  	_ =	shalt  }
0x83: {  	_ =	shalt  }
0x84: {  	_ =	shalt  }
0x85: {  	_ =	shalt  }
0x86: {  	_ =	shalt  }
0x87: {  	_ =	shalt  }
.Lfunc_end0:
.L_simem_size_0:
called_computation.1_lowered:
.L_overlay_start_0:
0x88: {  	s2 =	sld [smem:$0x3FD9]  }
0x89: {  	s3 =	sld [smem:$0x3FFE];
	_ =	sdelay $0x1  }
0x8a: {  	s1 =	srdreg.scid  }
0x8b: {  	s0 =	sand.u32 $0x1, s1  }
0x8c: {  	s16 =	sshll.u32 s0, $0xA;
	s2 =	sadd.s32 s3, s2  }
0x8d: {  	s2 =	sadd.s32 s2, s16  }
0x8e: {  	[smem:$0x3FA7] =	sst s2  }
0x8f: {  	_ = 	snop  }
0x90: {  	(tm) =	ssettm $0x1  }
0x91: {  	s17 =	sld [smem:$0x3FFB];
	_ =	sdelay $0x3  }
0x92: {  	_ =	strace s17  }
0x93: {  	s2 =	sld [smem:$0x3FFC];
	_ =	sdelay $0x3  }
0x94: {  	_ =	strace s2  }
0x95: {  	s2 =	sld [smem:$0x3FFD];
	_ =	sdelay $0x3  }
0x96: {  	_ =	strace s2  }
0x97: {  	_ =	strace $0x8FFFFFFF  }
0x98: {  	s18 =	sld [smem:$0x3FDB];
	_ =	sdelay $0x1  }
0x99: {  	s19 =	simm.s32 $_scs_section_size  }
0x9a: {  	s4 =	simm.s32 $_size__tile_overlayer_lowered;
	s5 =	simm.s32 $_tile_overlayer_lowered  }
0x9b: {  	s22 =	simm.s32 $0x1BFF;
	s21 =	sshll.u32 s5, $0x1;
	s2 =	sadd.s32 s19, s18  }
0x9c: {  	s6 =	simm.s32 $0x0;
	s20 =	sshll.u32 s4, $0x1;
	s4 =	sadd.s32 s21, s2  }
0x9d: {  	[timem:s6], [sflag:s22] =	dma.local [hbm:s4], s20  }
0x9e: {  	_ =	swait.ge [sflag:s22], s20  }
0x9f: {  	s3 =	ssub.s32 $0x0, s20;
	[sflag:s22] =	ssyncset.done $0x0  }
0xa0: {  	[sflag:s22] =	ssyncadd.s32 s3;
	_ =	sdelay $0x1  }
0xa1: {  	s23 =	simm.s32 $0x1B8B  }
0xa2: {  	_ =	swait.ge [sflag:s23], $0x1  }
0xa3: {  	[sflag:s23] =	ssyncset.done $0x0  }
0xa4: {  	s25 =	simm.s32 $0x1B8E;
	s24 =	sld [smem:$0x3FFE];
	[sflag:s23] =	ssyncadd.s32 $0xFFFFFFFF  }
0xa5: {  	s26 =	simm.s32 $execute0_lowered;
	[smem:$0x3FD2] =	sst s25  }
0xa6: {  	s4 =	sshll.u32 s26, $0x1;
	_ =	strace $0x80000049;
	[dreg:$0x1] =	wrdreg $0xFFFFFFFF  }
0xa7: {  	s28 =	simm.s32 $_size_execute0_lowered;
	s2 =	sadd.s32 s2, s4;
	[dreg:$0x0] =	wrdreg $0x0  }
0xa8: {  	s4 =	sshll.u32 s28, $0x1;
	[dreg:$0x2] =	wrdreg s2  }
0xa9: {  	[dreg:$0x3] =	wrdreg s4  }
0xaa: {  	[dreg:$0x4] =	wrdreg $0xC0  }
0xab: {  	_ =	task [dreg:s6], $0x5FFFF  }
0xac: {  	[dreg:$0x1] =	wrdreg $0xFFFFFFFF  }
0xad: {  	[dreg:$0x0] =	wrdreg $0x60  }
0xae: {  	[dreg:$0x2] =	wrdreg s24  }
0xaf: {  	[dreg:$0x3] =	wrdreg $0x0  }
0xb0: {  	[dreg:$0x4] =	wrdreg $0x9  }
0xb1: {  	_ =	task.clear_ibuf [dreg:s6], $0x5FFFF;
	_ =	strace $0x90000049  }
0xb2: {  	s29 =	simm.s32 $0x9;
	_ =	strace $0x8000004B  }
0xb3: {  	_ =	swait.ge [sflag:s29], $0x1  }
0xb4: {  	[sflag:s29] =	ssyncadd.s32 $0xFFFFFFFF  }
0xb5: {  	_ =	strace $0x9000004B  }
0xb6: {  	_ =	sfence  }
0xb7: {  	s30 =	sld [smem:$0x0];
	_ =	sdelay $0x2  }
0xb8: {  	s31 =	sshll.u32 s1, $0xD;
	s1 =	sshrl.u32 s1, $0x2  }
0xb9: {  	s3 =	sand.u32 $0x4000, s31;
	s1 =	sadd.s32 s1, s30  }
0xba: {  	s0 =	sor.u32 s3, s0;
	s1 =	sshll.u32 s1, $0x11  }
0xbb: {  	s0 =	sor.u32 s1, s0  }
0xbc: {  	s0 =	sadd.s32 $0x8F2B, s0  }
0xbd: {  	[sflag:s0] =	ssyncadd.remote.s32 $0x1  }
0xbe: {  	_ =	sfence.sel $0xFFFF  }
0xbf: {  	[dreg:$0x0] =	wrdreg $0xFFFFFFFF;
	(pc) =	sbr.abs _section_cstart, $3  }
0xc0: {  	[dreg:$0x1] =	wrdreg $0xFFFFFFFF  }
0xc1: {  	_ =	task.clear_ibuf [dreg:s6], $0x2FFFF;
	_ =	strace $0x9FFFFFFF  }
0xc2: {  	(tm) =	ssettm $0x7FFFFFFF  }
0xc3: {  	_ =	shalt  }
tec
execute0_lowered:
.L_overlay_start_1:
0x0: {  	(tag) =	ssettag $0x1  }
0x1: {  	s0 =	rddreg [dreg:$0x0]  }
0x2: {  	s1 =	rddreg [dreg:$0x1]  }
0x3: {  	s2 =	srdreg.scid;
	s3 =	simm.s32 $0x0;
	s24 =	stileid.u32  }
0x4: {  	s16 =	simm.s32 $0xA000;
	s17 =	simm.s32 $0xA400;
	s18 =	simm.s32 $0x80  }
0x5: {  	s20 =	simm.s32 $0xE800;
	s21 =	simm.s32 $0x2;
	s7 =	smul.u32 $0xA000, s24  }
0x6: {  	s23 =	simm.s32 $0x3;
	s6 =	sand.u32 $0x1, s2;
	s25 =	smul.u32 $0x28000, s24  }
0x7: {  	[smem:$0x7FF] =	sst s3;
	s4 =	sadd.s32 $0x24400, s0;
	s10 =	smul.u32 $0x5000, s24  }
0x8: {  	s12 =	sadd.s32 $0x1A400, s0;
	s13 =	sadd.s32 $0x6400, s0;
	s14 =	smul.u32 $0xA00, s24  }
0x9: {  	s24 =	simm.s32 $0x4;
	s5 =	smul.u32 $0xA0000, s6;
	_ =	strace $0x8000004A  }
0xa: {  	s9 =	ssub.s32 $0x2, s6;
	s11 =	smul.u32 $0x50000, s6;
	s26 =	sshrl.u32 s25, $0x2  }
0xb: {  	s28 =	sshrl.u32 s9, $0x1;
	s29 =	sshrl.u32 s10, $0x3;
	s14 =	sadd.s32 s14, s12  }
0xc: {  	s25 =	simm.s32 $0x1;
	s5 =	sadd.s32 s7, s5;
	s9 =	ssub.s32 s9, s28  }
0xd: {  	s11 =	sadd.s32 s11, s10;
	s10 =	sadd.s32 s12, s29;
	s8 =	sshrl.u32 s5, $0x3  }
0xe: {  	s5 =	sadd.s32 s26, s1;
	s9 =	smax.u32 s9, $0x1;
	s30 =	sshrl.u32 s11, $0x3  }
0xf: {  	s15 =	sor.u32 $0x100, s11;
	s26 =	simm.s32 $0x0;
	s0 =	sadd.s32 s8, s0  }
0x10: {  	s6 =	sadd.s32 $0x4000, s5;
	s7 =	sadd.s32 $0x8000, s5;
	s11 =	sadd.s32 s13, s30  }
0x11: {  	s31 =	sshrl.u32 s15, $0x3;
	s15 =	simm.s32 $0x5;
	s8 =	sadd.s32 $0x4BC00, s0  }
0x12: {  	v0 =	vimm.f32 $0.0e+00;
	s12 =	sadd.s32 s31, s13;
	s13 =	sadd.s32 $0x20, s14;
	s14 =	simm.s32 $0xA800  }
.LBB2_1:
0x13: {  	s28 =	simm.s32 $0x0;
	s29 =	simm.s32 $0x200  }
.LBB2_2:
0x14: {  	p0 =	sne.s32 s29, $0xFE00;
	[tilespmem:s28+$0xA870] =	vst v0  }
0x15: {  	[tilespmem:s28+$0xA800] =	vst v0  }
0x16: {  	[tilespmem:s28+$0xA810] =	vst v0  }
.Ltmp0:
0x17: {  	[tilespmem:s28+$0xA820] =	vst v0;
	(pc) =	sbr.rel @p0 .LBB2_2-.Ltmp0, $4  }
0x18: {  	[tilespmem:s28+$0xA830] =	vst v0  }
0x19: {  	[tilespmem:s28+$0xA840] =	vst v0  }
0x1a: {  	[tilespmem:s28+$0xA850] =	vst v0  }
0x1b: {  	[tilespmem:s28+$0xA860] =	vst v0;
	s28 =	sshra.s32 s29, $0x2;
	s29 =	sadd.s32 $0x200, s29  }
0x1c: {  	[tilespmem:s28+$0xA870] =	vst v0  }
0x1d: {  	[tilespmem:s28+$0xA800] =	vst v0  }
0x1e: {  	[tilespmem:s28+$0xA810] =	vst v0  }
0x1f: {  	[tilespmem:s28+$0xA820] =	vst v0  }
0x20: {  	[tilespmem:s28+$0xA830] =	vst v0  }
0x21: {  	[tilespmem:s28+$0xA840] =	vst v0  }
0x22: {  	[tilespmem:s28+$0xA850] =	vst v0  }
0x23: {  	[tilespmem:s28+$0xA860] =	vst v0  }
0x24: {  	[spmem:s5] =	stream.linear.scatter [tilespmem:s14], [sflag:$0x5], $0x4000, $0x38;
	[tilespmem:$0x12800] =	vst v63  }
0x25: {  	_ =	swait.ge [sflag:s15], $0x4000  }
0x26: {  	[sflag:s15] =	ssyncset.done $0x0  }
0x27: {  	[sflag:s15] =	ssyncadd.s32 $0xFFFFC000  }
0x28: {  	[spmem:s6] =	stream.linear.scatter [tilespmem:s14], [sflag:$0x5], $0x4000, $0x38;
	[tilespmem:$0x12800] =	vst v63  }
0x29: {  	_ =	swait.ge [sflag:s15], $0x4000  }
0x2a: {  	[sflag:s15] =	ssyncset.done $0x0  }
0x2b: {  	[sflag:s15] =	ssyncadd.s32 $0xFFFFC000  }
0x2c: {  	[spmem:s7] =	stream.linear.scatter [tilespmem:s14], [sflag:$0x5], $0x2000, $0x38;
	[tilespmem:$0x12800] =	vst v63  }
0x2d: {  	_ =	swait.ge [sflag:s15], $0x2000  }
0x2e: {  	[sflag:s15] =	ssyncset.done $0x0  }
0x2f: {  	[sflag:s15] =	ssyncadd.s32 $0xFFFFE000  }
0x30: {  	[bflag:$0x0] =	sbarrier.arrive $0xFFFF  }
0x31: {  	[tilespmem:s16], [sflag:$0x5] =	stream.linear.gather [hbm4b:s10+s3], $0x400, $0x38;
	[tilespmem:$0x12800] =	vst v63  }
0x32: {  	_ =	swait.ge [sflag:s15], $0x400  }
0x33: {  	[sflag:s15] =	ssyncset.done $0x0  }
0x34: {  	[sflag:s15] =	ssyncadd.s32 $0xFFFFFC00  }
0x35: {  	[tilespmem:s17], [sflag:$0x5] =	stream.linear.gather [hbm4b:s11+s3], $0x400, $0x38;
	[tilespmem:$0x12800] =	vst v63  }
0x36: {  	_ =	swait.ge [sflag:s15], $0x400  }
0x37: {  	[sflag:s15] =	ssyncset.done $0x0  }
0x38: {  	[sflag:s15] =	ssyncadd.s32 $0xFFFFFC00  }
0x39: {  	[tilespmem:s14], [sflag:$0x1] =	stream.indirect.gather [hbm4b:s4+s18], $0x80, s16, s18, $0xb8;
	[tilespmem:$0x12800] =	vst v63  }
0x3a: {  	s0 =	simm.s32 $0xA080;
	s22 =	simm.s32 $0x1  }
0x3b: {  	[tilespmem:s20], [sflag:$0x2] =	stream.indirect.gather [hbm4b:s4+s18], $0x80, s0, s18, $0xb8;
	[tilespmem:$0x12800] =	vst v63  }
0x3c: {  	_ =	swait.ge [sflag:s22], $0x4000  }
0x3d: {  	[sflag:s22] =	ssyncset.done $0x0  }
0x3e: {  	[sflag:s22] =	ssyncadd.s32 $0xFFFFC000  }
0x3f: {  	[spmem:s1] =	stream.indirect.scatter.add.f32 [tilespmem:s14], [sflag:$0x3], $0x80, s17, s18, $0xb8;
	[tilespmem:$0x12800] =	vst v63  }
0x40: {  	_ =	swait.ge [sflag:s21], $0x4000  }
0x41: {  	s0 =	sand.u32 $0x3, s22;
	[sflag:s21] =	ssyncset.done $0x0  }
0x42: {  	s2 =	simm.s32 $0xA480;
	p0 =	seq.s32 s0, $0x0;
	[sflag:s21] =	ssyncadd.s32 $0xFFFFC000  }
0x43: {  	[spmem:s1] =	stream.indirect.scatter.add.f32 [tilespmem:s20], [sflag:$0x4], $0x80, s2, s18, $0xb8;
	[tilespmem:$0x12800] =	vst v63  }
0x44: {  	s28 =	simm.s32 @p0 $0x0;
	s29 =	simm.s32 @p0 $0xA000;
	s30 =	simm.s32 @p0 $0x5  }
0x45: {  	[tilespmem:s29], [sflag:$0x5] =	stream.linear.gather @p0 [hbm4b:s13+s28], $0x400, $0x38;
	[tilespmem:$0x12800] =	vst v63  }
0x46: {  	_ =	swait.ge @p0 [sflag:s30], $0x400  }
0x47: {  	[sflag:s30] =	ssyncset.done @p0 $0x0  }
0x48: {  	s29 =	simm.s32 @p0 $0xA400;
	[sflag:s30] =	ssyncadd.s32 @p0 $0xFFFFFC00  }
0x49: {  	[tilespmem:s29], [sflag:$0x5] =	stream.linear.gather @p0 [hbm4b:s12+s28], $0x400, $0x38;
	[tilespmem:$0x12800] =	vst v63  }
0x4a: {  	_ =	swait.ge @p0 [sflag:s30], $0x400  }
0x4b: {  	[sflag:s30] =	ssyncset.done @p0 $0x0  }
0x4c: {  	[sflag:s30] =	ssyncadd.s32 @p0 $0xFFFFFC00  }
0x4d: {  	s0 =	sshll.u32 @!p0 s0, $0x8;
	_ =	swait.ge [sflag:s23], $0x4000  }
0x4e: {  	s0 =	simm.s32 @p0 $0x0;
	[sflag:s23] =	ssyncset.done $0x0  }
0x4f: {  	s28 =	sor.u32 $0xA000, s0;
	[sflag:s23] =	ssyncadd.s32 $0xFFFFC000  }
0x50: {  	[tilespmem:s14], [sflag:$0x1] =	stream.indirect.gather [hbm4b:s4+s18], $0x80, s28, s18, $0xb8;
	[tilespmem:$0x12800] =	vst v63  }
0x51: {  	_ =	swait.ge [sflag:s24], $0x4000  }
0x52: {  	[sflag:s24] =	ssyncset.done $0x0  }
0x53: {  	s28 =	sor.u32 $0xA080, s0;
	[sflag:s24] =	ssyncadd.s32 $0xFFFFC000  }
0x54: {  	[tilespmem:s20], [sflag:$0x2] =	stream.indirect.gather [hbm4b:s4+s18], $0x80, s28, s18, $0xb8;
	[tilespmem:$0x12800] =	vst v63  }
0x55: {  	_ =	swait.ge [sflag:s25], $0x4000  }
0x56: {  	s31 =	simm.s32 $0x2;
	[sflag:s25] =	ssyncset.done $0x0  }
0x57: {  	s31 =	sand.u32 $0x3, s31;
	s28 =	sor.u32 $0xA400, s0;
	[sflag:s25] =	ssyncadd.s32 $0xFFFFC000  }
0x58: {  	[spmem:s1] =	stream.indirect.scatter.add.f32 [tilespmem:s14], [sflag:$0x3], $0x80, s28, s18, $0xb8;
	[tilespmem:$0x12800] =	vst v63  }
0x59: {  	s29 =	sadd.s32 $0x20, s13;
	s30 =	simm.s32 $0x3;
	_ =	swait.ge [sflag:s21], $0x4000  }
0x5a: {  	s0 =	sor.u32 $0xA480, s0;
	s28 =	sadd.s32 $0x20, s12;
	[sflag:s21] =	ssyncset.done $0x0  }
.LBB2_4:
0x5b: {  	p1 =	seq.s32 s31, $0x0  }
0x5c: {  	[sflag:s21] =	ssyncadd.s32 $0xFFFFC000;
	s2 =	smov.u32 s30;
	s30 =	sadd.s32 $0x1, s30  }
0x5d: {  	[spmem:s1] =	stream.indirect.scatter.add.f32 [tilespmem:s20], [sflag:$0x4], $0x80, s0, s18, $0xb8;
	[tilespmem:$0x12800] =	vst v63  }
0x5e: {  	s0 =	simm.s32 @p1 $0x0;
	s19 =	simm.s32 @p1 $0xA000;
	s22 =	simm.s32 @p1 $0x5  }
0x5f: {  	[tilespmem:s19], [sflag:$0x5] =	stream.linear.gather @p1 [hbm4b:s29+s0], $0x400, $0x38;
	[tilespmem:$0x12800] =	vst v63  }
0x60: {  	p0 =	sne.s32 s30, $0x50;
	s19 =	sshll.u32 @!p1 s31, $0x8;
	_ =	swait.ge @p1 [sflag:s22], $0x400  }
0x61: {  	[sflag:s22] =	ssyncset.done @p1 $0x0  }
0x62: {  	s31 =	simm.s32 @p1 $0xA400;
	[sflag:s22] =	ssyncadd.s32 @p1 $0xFFFFFC00  }
0x63: {  	[tilespmem:s31], [sflag:$0x5] =	stream.linear.gather @p1 [hbm4b:s28+s0], $0x400, $0x38;
	[tilespmem:$0x12800] =	vst v63  }
0x64: {  	_ =	swait.ge @p1 [sflag:s22], $0x400  }
0x65: {  	[sflag:s22] =	ssyncset.done @p1 $0x0  }
0x66: {  	[sflag:s22] =	ssyncadd.s32 @p1 $0xFFFFFC00  }
0x67: {  	_ =	swait.ge [sflag:s23], $0x4000  }
0x68: {  	s19 =	simm.s32 @p1 $0x0;
	[sflag:s23] =	ssyncset.done $0x0  }
0x69: {  	s0 =	sor.u32 $0xA000, s19;
	[sflag:s23] =	ssyncadd.s32 $0xFFFFC000  }
0x6a: {  	[tilespmem:s14], [sflag:$0x1] =	stream.indirect.gather [hbm4b:s4+s18], $0x80, s0, s18, $0xb8;
	[tilespmem:$0x12800] =	vst v63  }
0x6b: {  	_ =	swait.ge [sflag:s24], $0x4000  }
0x6c: {  	[sflag:s24] =	ssyncset.done $0x0  }
0x6d: {  	s0 =	sor.u32 $0xA080, s19;
	[sflag:s24] =	ssyncadd.s32 $0xFFFFC000  }
0x6e: {  	[tilespmem:s20], [sflag:$0x2] =	stream.indirect.gather [hbm4b:s4+s18], $0x80, s0, s18, $0xb8;
	[tilespmem:$0x12800] =	vst v63  }
0x6f: {  	_ =	swait.ge [sflag:s25], $0x4000  }
.Ltmp1:
0x70: {  	[sflag:s25] =	ssyncset.done $0x0;
	(pc) =	sbr.rel @p0 .LBB2_4-.Ltmp1, $4  }
0x71: {  	s0 =	sor.u32 $0xA400, s19;
	[sflag:s25] =	ssyncadd.s32 $0xFFFFC000  }
0x72: {  	[spmem:s1] =	stream.indirect.scatter.add.f32 [tilespmem:s14], [sflag:$0x3], $0x80, s0, s18, $0xb8;
	[tilespmem:$0x12800] =	vst v63  }
0x73: {  	s29 =	sadd.s32 $0x20, s29;
	s28 =	sadd.s32 $0x20, s28;
	_ =	swait.ge [sflag:s21], $0x4000  }
0x74: {  	s31 =	sand.u32 $0x3, s2;
	s0 =	sor.u32 $0xA480, s19;
	[sflag:s21] =	ssyncset.done $0x0  }
0x75: {  	p0 =	seq.s32 s31, $0x0;
	[sflag:s21] =	ssyncadd.s32 $0xFFFFC000  }
0x76: {  	[spmem:s1] =	stream.indirect.scatter.add.f32 [tilespmem:s20], [sflag:$0x4], $0x80, s0, s18, $0xb8;
	[tilespmem:$0x12800] =	vst v63  }
0x77: {  	s0 =	simm.s32 @p0 $0x0;
	s2 =	simm.s32 @p0 $0xA000;
	s19 =	simm.s32 @p0 $0x5  }
0x78: {  	[tilespmem:s2], [sflag:$0x5] =	stream.linear.gather @p0 [hbm4b:s29+s0], $0x400, $0x38;
	[tilespmem:$0x12800] =	vst v63  }
0x79: {  	_ =	swait.ge @p0 [sflag:s19], $0x400  }
0x7a: {  	[sflag:s19] =	ssyncset.done @p0 $0x0  }
0x7b: {  	s2 =	simm.s32 @p0 $0xA400;
	[sflag:s19] =	ssyncadd.s32 @p0 $0xFFFFFC00  }
0x7c: {  	[tilespmem:s2], [sflag:$0x5] =	stream.linear.gather @p0 [hbm4b:s28+s0], $0x400, $0x38;
	[tilespmem:$0x12800] =	vst v63  }
0x7d: {  	_ =	swait.ge @p0 [sflag:s19], $0x400  }
0x7e: {  	[sflag:s19] =	ssyncset.done @p0 $0x0  }
0x7f: {  	[sflag:s19] =	ssyncadd.s32 @p0 $0xFFFFFC00  }
0x80: {  	s0 =	sshll.u32 @!p0 s31, $0x8;
	_ =	swait.ge [sflag:s23], $0x4000  }
0x81: {  	s0 =	simm.s32 @p0 $0x0;
	[sflag:s23] =	ssyncset.done $0x0  }
0x82: {  	s22 =	sor.u32 $0xA000, s0;
	[sflag:s23] =	ssyncadd.s32 $0xFFFFC000  }
0x83: {  	[tilespmem:s14], [sflag:$0x1] =	stream.indirect.gather [hbm4b:s4+s18], $0x80, s22, s18, $0xb8;
	[tilespmem:$0x12800] =	vst v63  }
0x84: {  	_ =	swait.ge [sflag:s24], $0x4000  }
0x85: {  	[sflag:s24] =	ssyncset.done $0x0  }
0x86: {  	s28 =	sor.u32 $0xA080, s0;
	[sflag:s24] =	ssyncadd.s32 $0xFFFFC000  }
0x87: {  	[tilespmem:s20], [sflag:$0x2] =	stream.indirect.gather [hbm4b:s4+s18], $0x80, s28, s18, $0xb8;
	[tilespmem:$0x12800] =	vst v63  }
0x88: {  	_ =	swait.ge [sflag:s25], $0x4000  }
0x89: {  	[sflag:s25] =	ssyncset.done $0x0  }
0x8a: {  	s29 =	sor.u32 $0xA400, s0;
	[sflag:s25] =	ssyncadd.s32 $0xFFFFC000  }
0x8b: {  	[spmem:s1] =	stream.indirect.scatter.add.f32 [tilespmem:s14], [sflag:$0x3], $0x80, s29, s18, $0xb8;
	[tilespmem:$0x12800] =	vst v63  }
0x8c: {  	_ =	swait.ge [sflag:s21], $0x4000  }
0x8d: {  	[sflag:s21] =	ssyncset.done $0x0  }
0x8e: {  	s0 =	sor.u32 $0xA480, s0;
	[sflag:s21] =	ssyncadd.s32 $0xFFFFC000  }
0x8f: {  	[spmem:s1] =	stream.indirect.scatter.add.f32 [tilespmem:s20], [sflag:$0x4], $0x80, s0, s18, $0xb8;
	[tilespmem:$0x12800] =	vst v63  }
0x90: {  	_ =	swait.ge [sflag:s23], $0x4000  }
0x91: {  	[sflag:s23] =	ssyncset.done $0x0  }
0x92: {  	[sflag:s23] =	ssyncadd.s32 $0xFFFFC000  }
0x93: {  	s30 =	stileid.u32;
	_ =	swait.ge [sflag:s24], $0x4000  }
0x94: {  	s26 =	sadd.s32 $0x1, s26;
	s31 =	sshrl.u32 s5, $0x3;
	[sflag:s24] =	ssyncset.done $0x0  }
0x95: {  	p0 =	sne.s32 s26, s9;
	s0 =	sshll.u32 s30, $0x6;
	[sflag:s24] =	ssyncadd.s32 $0xFFFFC000  }
.Ltmp2:
0x96: {  	s0 =	sor.u32 $0x1C05, s0;
	[bflag:$0x0] =	sbarrier.arrive $0xFFFF;
	(pc) =	sbr.rel @p0 .LBB2_1-.Ltmp2, $4  }
0x97: {  	[hbm:s8], [sflag:s0] =	dma.local [spmem:s31], $0x1400  }
0x98: {  	_ =	swait.ge [sflag:s15], $0x1400  }
0x99: {  	[sflag:s15] =	ssyncset.done $0x0  }
0x9a: {  	[sflag:s15] =	ssyncadd.s32 $0xFFFFEC00  }
0x9b: {  	_ =	sfence.sel $0x180000  }
0x9c: {  	[bflag:$0x0] =	sbarrier.arrive $0xFFFF  }
0x9d: {  	_ =	strace $0x9000004A  }
0x9e: {  	s0 =	stileid.u32;
	[bflag:$0x2] =	sbarrier.arrive $0xFFFF  }
0x9f: {  	p0 =	sne.s32 s0, $0x0;
	s0 =	rddreg [dreg:$0x2]  }
0xa0: {  	s0 =	sadd.s32 @!p0 $0x100000, s0  }
0xa1: {  	[sflag:s0] =	ssyncadd.tile.s32 @!p0 $0x1;
	_ =	shalt  }
.Lfunc_end2:
_tile_overlayer_lowered:
.L_overlay_start_2:
0xa2: {  	(tag) =	ssettag $0x2  }
0xa3: {  	s0 =	rddreg [dreg:$0x0];
	s2 =	stileid.u32  }
0xa4: {  	s1 =	rddreg [dreg:$0x1];
	p0 =	sne.s32 s2, $0x0  }
0xa5: {  	s3 =	rddreg [dreg:$0x2];
	[bflag:$0x3] =	sbarrier.arrive $0xFFFF;
	s2 =	simm.s32 @!p0 $0x1C05  }
0xa6: {  	[timem:s3], [sflag:s2] =	dma.local @!p0 [hbm:s0], s1  }
0xa7: {  	s0 =	simm.s32 @!p0 $0x5  }
0xa8: {  	_ =	swait.ge @!p0 [sflag:s0], s1  }
0xa9: {  	s1 =	ssub.s32 @!p0 $0x0, s1;
	[sflag:s0] =	ssyncset.done @!p0 $0x0  }
0xaa: {  	[sflag:s0] =	ssyncadd.s32 @!p0 s1  }
0xab: {  	[bflag:$0x3] =	sbarrier.arrive $0xFFFF  }
0xac: {  	_ =	shalt  }

// kernel: kernel.17.cloned.1.call-start
scs
__scs_entry_jumppad:
0x0: {  	(pc) =	sbr.rel $0x88, $3  }
0x1: {  	(tag) =	ssettag $0x0;
	lr =	simm.s32 $0x1  }
0x2: {  	[smem:$0x3F80] =	sst lr;
	_ =	strace $0xD0000000  }
0x3: {  	_ = 	snop  }
0x4: {  	_ = 	snop  }
0x5: {  	_ = 	snop  }
0x6: {  	_ = 	snop  }
0x7: {  	_ = 	snop  }
__scs_overlays_trampoline_lowered:
0x8: {  	[smem:$0x3F8F] =	sst s0  }
0x9: {  	[smem:$0x3F90] =	sst s1  }
0xa: {  	[smem:$0x3F91] =	sst s2  }
0xb: {  	[smem:$0x3F92] =	sst s3  }
0xc: {  	[smem:$0x3F93] =	sst s4  }
0xd: {  	[smem:$0x3F94] =	sst s5  }
0xe: {  	[smem:$0x3F95] =	sst s6  }
0xf: {  	[smem:$0x3F96] =	sst s7  }
0x10: {  	[smem:$0x3F97] =	sst s8  }
0x11: {  	[smem:$0x3F98] =	sst s9;
	s0 =	simm.s32 @!p0 $0x0  }
0x12: {  	s1 =	sld [smem:$0x3F7E];
	s0 =	simm.s32 @p0 $0x1  }
0x13: {  	[smem:$0x3F99] =	sst s0;
	s0 =	simm.s32 @!p1 $0x0  }
0x14: {  	s2 =	sld [smem:$0x3F7D];
	s0 =	simm.s32 @p1 $0x1  }
0x15: {  	[smem:$0x3F9A] =	sst s0;
	s0 =	simm.s32 @!p2 $0x0  }
0x16: {  	s3 =	sld [smem:$0x3FDB];
	s0 =	simm.s32 @p2 $0x1  }
0x17: {  	s4 =	simm.s32 $0x1BF5;
	[smem:$0x3F9C] =	sst s0  }
0x18: {  	s0 =	sld [smem:$0x3F7F];
	_ =	swait.ge [sflag:s4], $0x0  }
0x19: {  	s7 =	sld [smem:$0x3F80]  }
0x1a: {  	s8 =	sadd.s32 $0xFFFFE003, lr  }
0x1b: {  	s9 =	sadd.s32 $0xFFFFFEF7, lr;
	s5 =	simm.s32 $0xFFFFFFFF;
	p2 =	slt.u32 s8, $0xFFFFF086  }
0x1c: {  	p1 =	slt.u32 s9, $0xF7A;
	s5 =	simm.s32 @!p2 $0x0  }
0x1d: {  	s5 =	simm.s32 @p1 $0x1;
	p0 =	seq.s32 s7, s2  }
0x1e: {  	s7 =	smul.u32 @!p0 $0xF7A, s2;
	p2 =	seq.s32 @!p0 s5, $0x0  }
0x1f: {  	s9 =	smul.u32 $0xF7A, s1;
	s8 =	simm.s32 @!p0 $0x1BF5;
	p2 =	por !p2, p0  }
0x20: {  	[sflag:s8] =	ssyncset.s32 @!p0 $0xFFFFF086;
	s6 =	sadd.s32 @!p0 s3, s7;
	s7 =	simm.s32 @!p0 $0x108  }
0x21: {  	s3 =	sadd.s32 s3, s9;
	s6 =	sadd.s32 @!p0 $0x88, s6;
	s7 =	simm.s32 @p2 $0x1082  }
0x22: {  	[simem:s7], [sflag:s8] =	dma.local @!p0 [hbm:s6], $0xF7A  }
0x23: {  	s9 =	sor.u32 $0xD0000000, s2;
	s6 =	simm.s32 $0x108;
	_ =	swait.ge @!p0 [sflag:s8], $0x0  }
0x24: {  	s3 =	sadd.s32 $0x88, s3;
	s6 =	simm.s32 @!p1 $0x1082;
	[sflag:s4] =	ssyncset.s32 $0xFFFFF086  }
0x25: {  	[simem:s6], [sflag:s4] =	dma.local [hbm:s3], $0xF7A  }
0x26: {  	[smem:$0x3F80] =	sst s1;
	(tag) =	ssettag s2;
	_ =	strace s9  }
0x27: {  	s1 =	sld [smem:$0x3F90]  }
0x28: {  	s2 =	sld [smem:$0x3F91]  }
0x29: {  	s4 =	sld [smem:$0x3F93]  }
0x2a: {  	p0 =	seq.s32 s5, $0x0;
	s5 =	sld [smem:$0x3F94]  }
0x2b: {  	s6 =	sld [smem:$0x3F95]  }
0x2c: {  	s7 =	sld [smem:$0x3F96]  }
0x2d: {  	s3 =	simm.s32 $0x108;
	s8 =	sld [smem:$0x3F97]  }
0x2e: {  	s3 =	simm.s32 @!p0 $0x1082;
	s9 =	sld [smem:$0x3F98]  }
0x2f: {  	lr =	sadd.s32 s0, s3;
	s0 =	sld [smem:$0x3F8F]  }
0x30: {  	s3 =	sld [smem:$0x3F92]  }
0x31: {  	[smem:$0x3F9B] =	sst s10  }
0x32: {  	s10 =	sld [smem:$0x3F99];
	_ =	sdelay $0x3  }
0x33: {  	p0 =	seq.s32 s10, $0x1;
	s10 =	sld [smem:$0x3F9B];
	_ =	sdelay $0x3  }
0x34: {  	[smem:$0x3F9B] =	sst s10  }
0x35: {  	s10 =	sld [smem:$0x3F9A];
	_ =	sdelay $0x3  }
0x36: {  	p1 =	seq.s32 s10, $0x1;
	s10 =	sld [smem:$0x3F9B];
	_ =	sdelay $0x3  }
0x37: {  	[smem:$0x3F9B] =	sst s10  }
0x38: {  	s10 =	sld [smem:$0x3F9C]  }
0x39: {  	_ = 	snop;
	(pc) =	sbr.ind lr, $3  }
0x3a: {  	_ = 	snop  }
0x3b: {  	_ = 	snop  }
0x3c: {  	p2 =	seq.s32 s10, $0x1;
	s10 =	sld [smem:$0x3F9B]  }
0x3d: {  	_ =	shalt  }
0x3e: {  	_ =	shalt  }
0x3f: {  	_ =	shalt  }
0x40: {  	_ =	shalt  }
0x41: {  	_ =	shalt  }
0x42: {  	_ =	shalt  }
0x43: {  	_ =	shalt  }
0x44: {  	_ =	shalt  }
0x45: {  	_ =	shalt  }
0x46: {  	_ =	shalt  }
0x47: {  	_ =	shalt  }
0x48: {  	_ =	shalt  }
0x49: {  	_ =	shalt  }
0x4a: {  	_ =	shalt  }
0x4b: {  	_ =	shalt  }
0x4c: {  	_ =	shalt  }
0x4d: {  	_ =	shalt  }
0x4e: {  	_ =	shalt  }
0x4f: {  	_ =	shalt  }
0x50: {  	_ =	shalt  }
0x51: {  	_ =	shalt  }
0x52: {  	_ =	shalt  }
0x53: {  	_ =	shalt  }
0x54: {  	_ =	shalt  }
0x55: {  	_ =	shalt  }
0x56: {  	_ =	shalt  }
0x57: {  	_ =	shalt  }
0x58: {  	_ =	shalt  }
0x59: {  	_ =	shalt  }
0x5a: {  	_ =	shalt  }
0x5b: {  	_ =	shalt  }
0x5c: {  	_ =	shalt  }
0x5d: {  	_ =	shalt  }
0x5e: {  	_ =	shalt  }
0x5f: {  	_ =	shalt  }
0x60: {  	_ =	shalt  }
0x61: {  	_ =	shalt  }
0x62: {  	_ =	shalt  }
0x63: {  	_ =	shalt  }
0x64: {  	_ =	shalt  }
0x65: {  	_ =	shalt  }
0x66: {  	_ =	shalt  }
0x67: {  	_ =	shalt  }
0x68: {  	_ =	shalt  }
0x69: {  	_ =	shalt  }
0x6a: {  	_ =	shalt  }
0x6b: {  	_ =	shalt  }
0x6c: {  	_ =	shalt  }
0x6d: {  	_ =	shalt  }
0x6e: {  	_ =	shalt  }
0x6f: {  	_ =	shalt  }
0x70: {  	_ =	shalt  }
0x71: {  	_ =	shalt  }
0x72: {  	_ =	shalt  }
0x73: {  	_ =	shalt  }
0x74: {  	_ =	shalt  }
0x75: {  	_ =	shalt  }
0x76: {  	_ =	shalt  }
0x77: {  	_ =	shalt  }
0x78: {  	_ =	shalt  }
0x79: {  	_ =	shalt  }
0x7a: {  	_ =	shalt  }
0x7b: {  	_ =	shalt  }
0x7c: {  	_ =	shalt  }
0x7d: {  	_ =	shalt  }
0x7e: {  	_ =	shalt  }
0x7f: {  	_ =	shalt  }
0x80: {  	_ =	shalt  }
0x81: {  	_ =	shalt  }
0x82: {  	_ =	shalt  }
0x83: {  	_ =	shalt  }
0x84: {  	_ =	shalt  }
0x85: {  	_ =	shalt  }
0x86: {  	_ =	shalt  }
0x87: {  	_ =	shalt  }
.Lfunc_end0:
.L_simem_size_0:
called_computation.2_lowered:
.L_overlay_start_0:
0x88: {  	s2 =	sld [smem:$0x3FD9]  }
0x89: {  	s3 =	sld [smem:$0x3FFE];
	_ =	sdelay $0x1  }
0x8a: {  	s1 =	srdreg.scid  }
0x8b: {  	s0 =	sand.u32 $0x1, s1  }
0x8c: {  	s16 =	sshll.u32 s0, $0xA;
	s2 =	sadd.s32 s3, s2  }
0x8d: {  	s2 =	sadd.s32 s2, s16  }
0x8e: {  	[smem:$0x3FA7] =	sst s2  }
0x8f: {  	_ = 	snop  }
0x90: {  	(tm) =	ssettm $0x1  }
0x91: {  	s17 =	sld [smem:$0x3FFB];
	_ =	sdelay $0x3  }
0x92: {  	_ =	strace s17  }
0x93: {  	s2 =	sld [smem:$0x3FFC];
	_ =	sdelay $0x3  }
0x94: {  	_ =	strace s2  }
0x95: {  	s2 =	sld [smem:$0x3FFD];
	_ =	sdelay $0x3  }
0x96: {  	_ =	strace s2  }
0x97: {  	_ =	strace $0x8FFFFFFF  }
0x98: {  	s18 =	sld [smem:$0x3FDB];
	_ =	sdelay $0x1  }
0x99: {  	s19 =	simm.s32 $_scs_section_size  }
0x9a: {  	s4 =	simm.s32 $_size__tile_overlayer_lowered;
	s5 =	simm.s32 $_tile_overlayer_lowered  }
0x9b: {  	s22 =	simm.s32 $0x1BFF;
	s21 =	sshll.u32 s5, $0x1;
	s2 =	sadd.s32 s19, s18  }
0x9c: {  	s6 =	simm.s32 $0x0;
	s20 =	sshll.u32 s4, $0x1;
	s4 =	sadd.s32 s21, s2  }
0x9d: {  	[timem:s6], [sflag:s22] =	dma.local [hbm:s4], s20  }
0x9e: {  	_ =	swait.ge [sflag:s22], s20  }
0x9f: {  	s3 =	ssub.s32 $0x0, s20;
	[sflag:s22] =	ssyncset.done $0x0  }
0xa0: {  	[sflag:s22] =	ssyncadd.s32 s3;
	_ =	sdelay $0x1  }
0xa1: {  	s23 =	simm.s32 $0x1B8B  }
0xa2: {  	_ =	swait.ge [sflag:s23], $0x1  }
0xa3: {  	[sflag:s23] =	ssyncset.done $0x0  }
0xa4: {  	s25 =	simm.s32 $0x1B8E;
	s24 =	sld [smem:$0x3FFE];
	[sflag:s23] =	ssyncadd.s32 $0xFFFFFFFF  }
0xa5: {  	s26 =	simm.s32 $execute0_lowered;
	[smem:$0x3FD2] =	sst s25  }
0xa6: {  	s4 =	sshll.u32 s26, $0x1;
	_ =	strace $0x8000004C;
	[dreg:$0x1] =	wrdreg $0xFFFFFFFF  }
0xa7: {  	s28 =	simm.s32 $_size_execute0_lowered;
	s2 =	sadd.s32 s2, s4;
	[dreg:$0x0] =	wrdreg $0x0  }
0xa8: {  	s4 =	sshll.u32 s28, $0x1;
	[dreg:$0x2] =	wrdreg s2  }
0xa9: {  	[dreg:$0x3] =	wrdreg s4  }
0xaa: {  	[dreg:$0x4] =	wrdreg $0xC0  }
0xab: {  	_ =	task [dreg:s6], $0x5FFFF  }
0xac: {  	[dreg:$0x1] =	wrdreg $0xFFFFFFFF  }
0xad: {  	[dreg:$0x0] =	wrdreg $0x60  }
0xae: {  	[dreg:$0x2] =	wrdreg s24  }
0xaf: {  	[dreg:$0x3] =	wrdreg $0x0  }
0xb0: {  	[dreg:$0x4] =	wrdreg $0x9  }
0xb1: {  	_ =	task.clear_ibuf [dreg:s6], $0x5FFFF;
	_ =	strace $0x9000004C  }
0xb2: {  	s29 =	simm.s32 $0x9;
	_ =	strace $0x8000004E  }
0xb3: {  	_ =	swait.ge [sflag:s29], $0x1  }
0xb4: {  	[sflag:s29] =	ssyncadd.s32 $0xFFFFFFFF  }
0xb5: {  	_ =	strace $0x9000004E  }
0xb6: {  	_ =	sfence  }
0xb7: {  	s30 =	sld [smem:$0x0];
	_ =	sdelay $0x2  }
0xb8: {  	s31 =	sshll.u32 s1, $0xD;
	s1 =	sshrl.u32 s1, $0x2  }
0xb9: {  	s3 =	sand.u32 $0x4000, s31;
	s1 =	sadd.s32 s1, s30  }
0xba: {  	s0 =	sor.u32 s3, s0;
	s1 =	sshll.u32 s1, $0x11  }
0xbb: {  	s0 =	sor.u32 s1, s0  }
0xbc: {  	s0 =	sadd.s32 $0x8F2B, s0  }
0xbd: {  	[sflag:s0] =	ssyncadd.remote.s32 $0x1  }
0xbe: {  	_ =	sfence.sel $0xFFFF  }
0xbf: {  	[dreg:$0x0] =	wrdreg $0xFFFFFFFF;
	(pc) =	sbr.abs _section_cstart, $3  }
0xc0: {  	[dreg:$0x1] =	wrdreg $0xFFFFFFFF  }
0xc1: {  	_ =	task.clear_ibuf [dreg:s6], $0x2FFFF;
	_ =	strace $0x9FFFFFFF  }
0xc2: {  	(tm) =	ssettm $0x7FFFFFFF  }
0xc3: {  	_ =	shalt  }
tec
execute0_lowered:
.L_overlay_start_1:
0x0: {  	(tag) =	ssettag $0x1  }
0x1: {  	s0 =	rddreg [dreg:$0x0]  }
0x2: {  	s1 =	rddreg [dreg:$0x1]  }
0x3: {  	s2 =	srdreg.scid;
	s3 =	simm.s32 $0x0;
	s24 =	stileid.u32  }
0x4: {  	s16 =	simm.s32 $0xA000;
	s17 =	simm.s32 $0xA400;
	s18 =	simm.s32 $0x80  }
0x5: {  	s20 =	simm.s32 $0xE800;
	s21 =	simm.s32 $0x2;
	s7 =	smul.u32 $0xA000, s24  }
0x6: {  	s23 =	simm.s32 $0x3;
	s6 =	sand.u32 $0x1, s2;
	s25 =	smul.u32 $0x28000, s24  }
0x7: {  	[smem:$0x7FF] =	sst s3;
	s4 =	sadd.s32 $0x24400, s0;
	s10 =	smul.u32 $0x5000, s24  }
0x8: {  	s12 =	sadd.s32 $0x1A400, s0;
	s13 =	sadd.s32 $0x6400, s0;
	s14 =	smul.u32 $0xA00, s24  }
0x9: {  	s24 =	simm.s32 $0x4;
	s5 =	smul.u32 $0xA0000, s6;
	_ =	strace $0x8000004D  }
0xa: {  	s9 =	ssub.s32 $0x2, s6;
	s11 =	smul.u32 $0x50000, s6;
	s26 =	sshrl.u32 s25, $0x2  }
0xb: {  	s28 =	sshrl.u32 s9, $0x1;
	s29 =	sshrl.u32 s10, $0x3;
	s14 =	sadd.s32 s14, s12  }
0xc: {  	s25 =	simm.s32 $0x1;
	s5 =	sadd.s32 s7, s5;
	s9 =	ssub.s32 s9, s28  }
0xd: {  	s11 =	sadd.s32 s11, s10;
	s10 =	sadd.s32 s12, s29;
	s8 =	sshrl.u32 s5, $0x3  }
0xe: {  	s5 =	sadd.s32 s26, s1;
	s9 =	smax.u32 s9, $0x1;
	s30 =	sshrl.u32 s11, $0x3  }
0xf: {  	s15 =	sor.u32 $0x100, s11;
	s26 =	simm.s32 $0x0;
	s0 =	sadd.s32 s8, s0  }
0x10: {  	s6 =	sadd.s32 $0x4000, s5;
	s7 =	sadd.s32 $0x8000, s5;
	s11 =	sadd.s32 s13, s30  }
0x11: {  	s31 =	sshrl.u32 s15, $0x3;
	s15 =	simm.s32 $0x5;
	s8 =	sadd.s32 $0x4BC00, s0  }
0x12: {  	v0 =	vimm.f32 $0.0e+00;
	s12 =	sadd.s32 s31, s13;
	s13 =	sadd.s32 $0x20, s14;
	s14 =	simm.s32 $0xA800  }
.LBB2_1:
0x13: {  	s28 =	simm.s32 $0x0;
	s29 =	simm.s32 $0x200  }
.LBB2_2:
0x14: {  	p0 =	sne.s32 s29, $0xFE00;
	[tilespmem:s28+$0xA870] =	vst v0  }
0x15: {  	[tilespmem:s28+$0xA800] =	vst v0  }
0x16: {  	[tilespmem:s28+$0xA810] =	vst v0  }
.Ltmp0:
0x17: {  	[tilespmem:s28+$0xA820] =	vst v0;
	(pc) =	sbr.rel @p0 .LBB2_2-.Ltmp0, $4  }
0x18: {  	[tilespmem:s28+$0xA830] =	vst v0  }
0x19: {  	[tilespmem:s28+$0xA840] =	vst v0  }
0x1a: {  	[tilespmem:s28+$0xA850] =	vst v0  }
0x1b: {  	[tilespmem:s28+$0xA860] =	vst v0;
	s28 =	sshra.s32 s29, $0x2;
	s29 =	sadd.s32 $0x200, s29  }
0x1c: {  	[tilespmem:s28+$0xA870] =	vst v0  }
0x1d: {  	[tilespmem:s28+$0xA800] =	vst v0  }
0x1e: {  	[tilespmem:s28+$0xA810] =	vst v0  }
0x1f: {  	[tilespmem:s28+$0xA820] =	vst v0  }
0x20: {  	[tilespmem:s28+$0xA830] =	vst v0  }
0x21: {  	[tilespmem:s28+$0xA840] =	vst v0  }
0x22: {  	[tilespmem:s28+$0xA850] =	vst v0  }
0x23: {  	[tilespmem:s28+$0xA860] =	vst v0  }
0x24: {  	[spmem:s5] =	stream.linear.scatter [tilespmem:s14], [sflag:$0x5], $0x4000, $0x38;
	[tilespmem:$0x12800] =	vst v63  }
0x25: {  	_ =	swait.ge [sflag:s15], $0x4000  }
0x26: {  	[sflag:s15] =	ssyncset.done $0x0  }
0x27: {  	[sflag:s15] =	ssyncadd.s32 $0xFFFFC000  }
0x28: {  	[spmem:s6] =	stream.linear.scatter [tilespmem:s14], [sflag:$0x5], $0x4000, $0x38;
	[tilespmem:$0x12800] =	vst v63  }
0x29: {  	_ =	swait.ge [sflag:s15], $0x4000  }
0x2a: {  	[sflag:s15] =	ssyncset.done $0x0  }
0x2b: {  	[sflag:s15] =	ssyncadd.s32 $0xFFFFC000  }
0x2c: {  	[spmem:s7] =	stream.linear.scatter [tilespmem:s14], [sflag:$0x5], $0x2000, $0x38;
	[tilespmem:$0x12800] =	vst v63  }
0x2d: {  	_ =	swait.ge [sflag:s15], $0x2000  }
0x2e: {  	[sflag:s15] =	ssyncset.done $0x0  }
0x2f: {  	[sflag:s15] =	ssyncadd.s32 $0xFFFFE000  }
0x30: {  	[bflag:$0x0] =	sbarrier.arrive $0xFFFF  }
0x31: {  	[tilespmem:s16], [sflag:$0x5] =	stream.linear.gather [hbm4b:s10+s3], $0x400, $0x38;
	[tilespmem:$0x12800] =	vst v63  }
0x32: {  	_ =	swait.ge [sflag:s15], $0x400  }
0x33: {  	[sflag:s15] =	ssyncset.done $0x0  }
0x34: {  	[sflag:s15] =	ssyncadd.s32 $0xFFFFFC00  }
0x35: {  	[tilespmem:s17], [sflag:$0x5] =	stream.linear.gather [hbm4b:s11+s3], $0x400, $0x38;
	[tilespmem:$0x12800] =	vst v63  }
0x36: {  	_ =	swait.ge [sflag:s15], $0x400  }
0x37: {  	[sflag:s15] =	ssyncset.done $0x0  }
0x38: {  	[sflag:s15] =	ssyncadd.s32 $0xFFFFFC00  }
0x39: {  	[tilespmem:s14], [sflag:$0x1] =	stream.indirect.gather [hbm4b:s4+s18], $0x80, s16, s18, $0xb8;
	[tilespmem:$0x12800] =	vst v63  }
0x3a: {  	s0 =	simm.s32 $0xA080;
	s22 =	simm.s32 $0x1  }
0x3b: {  	[tilespmem:s20], [sflag:$0x2] =	stream.indirect.gather [hbm4b:s4+s18], $0x80, s0, s18, $0xb8;
	[tilespmem:$0x12800] =	vst v63  }
0x3c: {  	_ =	swait.ge [sflag:s22], $0x4000  }
0x3d: {  	[sflag:s22] =	ssyncset.done $0x0  }
0x3e: {  	[sflag:s22] =	ssyncadd.s32 $0xFFFFC000  }
0x3f: {  	[spmem:s1] =	stream.indirect.scatter.add.f32 [tilespmem:s14], [sflag:$0x3], $0x80, s17, s18, $0xb8;
	[tilespmem:$0x12800] =	vst v63  }
0x40: {  	_ =	swait.ge [sflag:s21], $0x4000  }
0x41: {  	s0 =	sand.u32 $0x3, s22;
	[sflag:s21] =	ssyncset.done $0x0  }
0x42: {  	s2 =	simm.s32 $0xA480;
	p0 =	seq.s32 s0, $0x0;
	[sflag:s21] =	ssyncadd.s32 $0xFFFFC000  }
0x43: {  	[spmem:s1] =	stream.indirect.scatter.add.f32 [tilespmem:s20], [sflag:$0x4], $0x80, s2, s18, $0xb8;
	[tilespmem:$0x12800] =	vst v63  }
0x44: {  	s28 =	simm.s32 @p0 $0x0;
	s29 =	simm.s32 @p0 $0xA000;
	s30 =	simm.s32 @p0 $0x5  }
0x45: {  	[tilespmem:s29], [sflag:$0x5] =	stream.linear.gather @p0 [hbm4b:s13+s28], $0x400, $0x38;
	[tilespmem:$0x12800] =	vst v63  }
0x46: {  	_ =	swait.ge @p0 [sflag:s30], $0x400  }
0x47: {  	[sflag:s30] =	ssyncset.done @p0 $0x0  }
0x48: {  	s29 =	simm.s32 @p0 $0xA400;
	[sflag:s30] =	ssyncadd.s32 @p0 $0xFFFFFC00  }
0x49: {  	[tilespmem:s29], [sflag:$0x5] =	stream.linear.gather @p0 [hbm4b:s12+s28], $0x400, $0x38;
	[tilespmem:$0x12800] =	vst v63  }
0x4a: {  	_ =	swait.ge @p0 [sflag:s30], $0x400  }
0x4b: {  	[sflag:s30] =	ssyncset.done @p0 $0x0  }
0x4c: {  	[sflag:s30] =	ssyncadd.s32 @p0 $0xFFFFFC00  }
0x4d: {  	s0 =	sshll.u32 @!p0 s0, $0x8;
	_ =	swait.ge [sflag:s23], $0x4000  }
0x4e: {  	s0 =	simm.s32 @p0 $0x0;
	[sflag:s23] =	ssyncset.done $0x0  }
0x4f: {  	s28 =	sor.u32 $0xA000, s0;
	[sflag:s23] =	ssyncadd.s32 $0xFFFFC000  }
0x50: {  	[tilespmem:s14], [sflag:$0x1] =	stream.indirect.gather [hbm4b:s4+s18], $0x80, s28, s18, $0xb8;
	[tilespmem:$0x12800] =	vst v63  }
0x51: {  	_ =	swait.ge [sflag:s24], $0x4000  }
0x52: {  	[sflag:s24] =	ssyncset.done $0x0  }
0x53: {  	s28 =	sor.u32 $0xA080, s0;
	[sflag:s24] =	ssyncadd.s32 $0xFFFFC000  }
0x54: {  	[tilespmem:s20], [sflag:$0x2] =	stream.indirect.gather [hbm4b:s4+s18], $0x80, s28, s18, $0xb8;
	[tilespmem:$0x12800] =	vst v63  }
0x55: {  	_ =	swait.ge [sflag:s25], $0x4000  }
0x56: {  	s31 =	simm.s32 $0x2;
	[sflag:s25] =	ssyncset.done $0x0  }
0x57: {  	s31 =	sand.u32 $0x3, s31;
	s28 =	sor.u32 $0xA400, s0;
	[sflag:s25] =	ssyncadd.s32 $0xFFFFC000  }
0x58: {  	[spmem:s1] =	stream.indirect.scatter.add.f32 [tilespmem:s14], [sflag:$0x3], $0x80, s28, s18, $0xb8;
	[tilespmem:$0x12800] =	vst v63  }
0x59: {  	s29 =	sadd.s32 $0x20, s13;
	s30 =	simm.s32 $0x3;
	_ =	swait.ge [sflag:s21], $0x4000  }
0x5a: {  	s0 =	sor.u32 $0xA480, s0;
	s28 =	sadd.s32 $0x20, s12;
	[sflag:s21] =	ssyncset.done $0x0  }
.LBB2_4:
0x5b: {  	p1 =	seq.s32 s31, $0x0  }
0x5c: {  	[sflag:s21] =	ssyncadd.s32 $0xFFFFC000;
	s2 =	smov.u32 s30;
	s30 =	sadd.s32 $0x1, s30  }
0x5d: {  	[spmem:s1] =	stream.indirect.scatter.add.f32 [tilespmem:s20], [sflag:$0x4], $0x80, s0, s18, $0xb8;
	[tilespmem:$0x12800] =	vst v63  }
0x5e: {  	s0 =	simm.s32 @p1 $0x0;
	s19 =	simm.s32 @p1 $0xA000;
	s22 =	simm.s32 @p1 $0x5  }
0x5f: {  	[tilespmem:s19], [sflag:$0x5] =	stream.linear.gather @p1 [hbm4b:s29+s0], $0x400, $0x38;
	[tilespmem:$0x12800] =	vst v63  }
0x60: {  	p0 =	sne.s32 s30, $0x50;
	s19 =	sshll.u32 @!p1 s31, $0x8;
	_ =	swait.ge @p1 [sflag:s22], $0x400  }
0x61: {  	[sflag:s22] =	ssyncset.done @p1 $0x0  }
0x62: {  	s31 =	simm.s32 @p1 $0xA400;
	[sflag:s22] =	ssyncadd.s32 @p1 $0xFFFFFC00  }
0x63: {  	[tilespmem:s31], [sflag:$0x5] =	stream.linear.gather @p1 [hbm4b:s28+s0], $0x400, $0x38;
	[tilespmem:$0x12800] =	vst v63  }
0x64: {  	_ =	swait.ge @p1 [sflag:s22], $0x400  }
0x65: {  	[sflag:s22] =	ssyncset.done @p1 $0x0  }
0x66: {  	[sflag:s22] =	ssyncadd.s32 @p1 $0xFFFFFC00  }
0x67: {  	_ =	swait.ge [sflag:s23], $0x4000  }
0x68: {  	s19 =	simm.s32 @p1 $0x0;
	[sflag:s23] =	ssyncset.done $0x0  }
0x69: {  	s0 =	sor.u32 $0xA000, s19;
	[sflag:s23] =	ssyncadd.s32 $0xFFFFC000  }
0x6a: {  	[tilespmem:s14], [sflag:$0x1] =	stream.indirect.gather [hbm4b:s4+s18], $0x80, s0, s18, $0xb8;
	[tilespmem:$0x12800] =	vst v63  }
0x6b: {  	_ =	swait.ge [sflag:s24], $0x4000  }
0x6c: {  	[sflag:s24] =	ssyncset.done $0x0  }
0x6d: {  	s0 =	sor.u32 $0xA080, s19;
	[sflag:s24] =	ssyncadd.s32 $0xFFFFC000  }
0x6e: {  	[tilespmem:s20], [sflag:$0x2] =	stream.indirect.gather [hbm4b:s4+s18], $0x80, s0, s18, $0xb8;
	[tilespmem:$0x12800] =	vst v63  }
0x6f: {  	_ =	swait.ge [sflag:s25], $0x4000  }
.Ltmp1:
0x70: {  	[sflag:s25] =	ssyncset.done $0x0;
	(pc) =	sbr.rel @p0 .LBB2_4-.Ltmp1, $4  }
0x71: {  	s0 =	sor.u32 $0xA400, s19;
	[sflag:s25] =	ssyncadd.s32 $0xFFFFC000  }
0x72: {  	[spmem:s1] =	stream.indirect.scatter.add.f32 [tilespmem:s14], [sflag:$0x3], $0x80, s0, s18, $0xb8;
	[tilespmem:$0x12800] =	vst v63  }
0x73: {  	s29 =	sadd.s32 $0x20, s29;
	s28 =	sadd.s32 $0x20, s28;
	_ =	swait.ge [sflag:s21], $0x4000  }
0x74: {  	s31 =	sand.u32 $0x3, s2;
	s0 =	sor.u32 $0xA480, s19;
	[sflag:s21] =	ssyncset.done $0x0  }
0x75: {  	p0 =	seq.s32 s31, $0x0;
	[sflag:s21] =	ssyncadd.s32 $0xFFFFC000  }
0x76: {  	[spmem:s1] =	stream.indirect.scatter.add.f32 [tilespmem:s20], [sflag:$0x4], $0x80, s0, s18, $0xb8;
	[tilespmem:$0x12800] =	vst v63  }
0x77: {  	s0 =	simm.s32 @p0 $0x0;
	s2 =	simm.s32 @p0 $0xA000;
	s19 =	simm.s32 @p0 $0x5  }
0x78: {  	[tilespmem:s2], [sflag:$0x5] =	stream.linear.gather @p0 [hbm4b:s29+s0], $0x400, $0x38;
	[tilespmem:$0x12800] =	vst v63  }
0x79: {  	_ =	swait.ge @p0 [sflag:s19], $0x400  }
0x7a: {  	[sflag:s19] =	ssyncset.done @p0 $0x0  }
0x7b: {  	s2 =	simm.s32 @p0 $0xA400;
	[sflag:s19] =	ssyncadd.s32 @p0 $0xFFFFFC00  }
0x7c: {  	[tilespmem:s2], [sflag:$0x5] =	stream.linear.gather @p0 [hbm4b:s28+s0], $0x400, $0x38;
	[tilespmem:$0x12800] =	vst v63  }
0x7d: {  	_ =	swait.ge @p0 [sflag:s19], $0x400  }
0x7e: {  	[sflag:s19] =	ssyncset.done @p0 $0x0  }
0x7f: {  	[sflag:s19] =	ssyncadd.s32 @p0 $0xFFFFFC00  }
0x80: {  	s0 =	sshll.u32 @!p0 s31, $0x8;
	_ =	swait.ge [sflag:s23], $0x4000  }
0x81: {  	s0 =	simm.s32 @p0 $0x0;
	[sflag:s23] =	ssyncset.done $0x0  }
0x82: {  	s22 =	sor.u32 $0xA000, s0;
	[sflag:s23] =	ssyncadd.s32 $0xFFFFC000  }
0x83: {  	[tilespmem:s14], [sflag:$0x1] =	stream.indirect.gather [hbm4b:s4+s18], $0x80, s22, s18, $0xb8;
	[tilespmem:$0x12800] =	vst v63  }
0x84: {  	_ =	swait.ge [sflag:s24], $0x4000  }
0x85: {  	[sflag:s24] =	ssyncset.done $0x0  }
0x86: {  	s28 =	sor.u32 $0xA080, s0;
	[sflag:s24] =	ssyncadd.s32 $0xFFFFC000  }
0x87: {  	[tilespmem:s20], [sflag:$0x2] =	stream.indirect.gather [hbm4b:s4+s18], $0x80, s28, s18, $0xb8;
	[tilespmem:$0x12800] =	vst v63  }
0x88: {  	_ =	swait.ge [sflag:s25], $0x4000  }
0x89: {  	[sflag:s25] =	ssyncset.done $0x0  }
0x8a: {  	s29 =	sor.u32 $0xA400, s0;
	[sflag:s25] =	ssyncadd.s32 $0xFFFFC000  }
0x8b: {  	[spmem:s1] =	stream.indirect.scatter.add.f32 [tilespmem:s14], [sflag:$0x3], $0x80, s29, s18, $0xb8;
	[tilespmem:$0x12800] =	vst v63  }
0x8c: {  	_ =	swait.ge [sflag:s21], $0x4000  }
0x8d: {  	[sflag:s21] =	ssyncset.done $0x0  }
0x8e: {  	s0 =	sor.u32 $0xA480, s0;
	[sflag:s21] =	ssyncadd.s32 $0xFFFFC000  }
0x8f: {  	[spmem:s1] =	stream.indirect.scatter.add.f32 [tilespmem:s20], [sflag:$0x4], $0x80, s0, s18, $0xb8;
	[tilespmem:$0x12800] =	vst v63  }
0x90: {  	_ =	swait.ge [sflag:s23], $0x4000  }
0x91: {  	[sflag:s23] =	ssyncset.done $0x0  }
0x92: {  	[sflag:s23] =	ssyncadd.s32 $0xFFFFC000  }
0x93: {  	s30 =	stileid.u32;
	_ =	swait.ge [sflag:s24], $0x4000  }
0x94: {  	s26 =	sadd.s32 $0x1, s26;
	s31 =	sshrl.u32 s5, $0x3;
	[sflag:s24] =	ssyncset.done $0x0  }
0x95: {  	p0 =	sne.s32 s26, s9;
	s0 =	sshll.u32 s30, $0x6;
	[sflag:s24] =	ssyncadd.s32 $0xFFFFC000  }
.Ltmp2:
0x96: {  	s0 =	sor.u32 $0x1C05, s0;
	[bflag:$0x0] =	sbarrier.arrive $0xFFFF;
	(pc) =	sbr.rel @p0 .LBB2_1-.Ltmp2, $4  }
0x97: {  	[hbm:s8], [sflag:s0] =	dma.local [spmem:s31], $0x1400  }
0x98: {  	_ =	swait.ge [sflag:s15], $0x1400  }
0x99: {  	[sflag:s15] =	ssyncset.done $0x0  }
0x9a: {  	[sflag:s15] =	ssyncadd.s32 $0xFFFFEC00  }
0x9b: {  	_ =	sfence.sel $0x180000  }
0x9c: {  	[bflag:$0x0] =	sbarrier.arrive $0xFFFF  }
0x9d: {  	_ =	strace $0x9000004D  }
0x9e: {  	s0 =	stileid.u32;
	[bflag:$0x2] =	sbarrier.arrive $0xFFFF  }
0x9f: {  	p0 =	sne.s32 s0, $0x0;
	s0 =	rddreg [dreg:$0x2]  }
0xa0: {  	s0 =	sadd.s32 @!p0 $0x100000, s0  }
0xa1: {  	[sflag:s0] =	ssyncadd.tile.s32 @!p0 $0x1;
	_ =	shalt  }
.Lfunc_end2:
_tile_overlayer_lowered:
.L_overlay_start_2:
0xa2: {  	(tag) =	ssettag $0x2  }
0xa3: {  	s0 =	rddreg [dreg:$0x0];
	s2 =	stileid.u32  }
0xa4: {  	s1 =	rddreg [dreg:$0x1];
	p0 =	sne.s32 s2, $0x0  }
0xa5: {  	s3 =	rddreg [dreg:$0x2];
	[bflag:$0x3] =	sbarrier.arrive $0xFFFF;
	s2 =	simm.s32 @!p0 $0x1C05  }
0xa6: {  	[timem:s3], [sflag:s2] =	dma.local @!p0 [hbm:s0], s1  }
0xa7: {  	s0 =	simm.s32 @!p0 $0x5  }
0xa8: {  	_ =	swait.ge @!p0 [sflag:s0], s1  }
0xa9: {  	s1 =	ssub.s32 @!p0 $0x0, s1;
	[sflag:s0] =	ssyncset.done @!p0 $0x0  }
0xaa: {  	[sflag:s0] =	ssyncadd.s32 @!p0 s1  }
0xab: {  	[bflag:$0x3] =	sbarrier.arrive $0xFFFF  }
0xac: {  	_ =	shalt  }

</sc_bundles>
